<compile_context>
chip_gen: v7x
topology: tpu7x:2x2x1
jax: 0.10.2.dev20260603
libtpu: 0.0.44.dev20260713+nightly
codegen_flags: <defaults>
</compile_context>

<pallas_src>
import jax
import jax.numpy as jnp
from jax import lax
from jax.experimental import pallas as pl
from jax.experimental.pallas import tpu as pltpu
from jax.experimental.pallas import tpu_sc as plsc

NC = 2
NS = 16
NW = NC * NS
L = 16

NCOPY = 2
CHUNK = 12800
UNROLL = 10


def _make_hist_kernel(n, nbins, shift, match_shift):
    per_w = n // NW
    assert per_w * NW == n and per_w % CHUNK == 0
    n_chunks = per_w // CHUNK
    assert n_chunks % 2 == 0
    nvreg = CHUNK // L
    assert nvreg % UNROLL == 0

    mesh = plsc.VectorSubcoreMesh(core_axis_name="c", subcore_axis_name="s")

    scratch = [
        pltpu.VMEM((CHUNK,), jnp.float32),
        pltpu.VMEM((CHUNK,), jnp.float32),
        pltpu.VMEM((nbins * NCOPY * L,), jnp.int32),
        pltpu.VMEM((nbins * L,), jnp.int32),
        pltpu.SemaphoreType.DMA,
        pltpu.SemaphoreType.DMA,
    ]
    if match_shift is not None:
        scratch.append(pltpu.VMEM((L,), jnp.int32))

    def body(*args):
        if match_shift is not None:
            x_hbm, pref_hbm, out_hbm, buf0, buf1, hist, red, sem_a, sem_b, pref_v = args
        else:
            x_hbm, out_hbm, buf0, buf1, hist, red, sem_a, sem_b = args
        sems = (sem_a, sem_b)
        bufs = (buf0, buf1)

        wid = lax.axis_index("s") * NC + lax.axis_index("c")
        base = wid * per_w

        zeros = jnp.zeros((L,), jnp.int32)

        def zero_body(i, _):
            hist[pl.ds(i * L, L)] = zeros
            return 0

        lax.fori_loop(0, nbins * NCOPY, zero_body, 0)

        if match_shift is not None:
            pltpu.sync_copy(pref_hbm, pref_v)
            pref_u = lax.bitcast_convert_type(pref_v[...], jnp.uint32)

        lane = lax.iota(jnp.int32, L)
        ones = jnp.ones((L,), jnp.int32)

        def start_dma(ci, b):
            return pltpu.async_copy(
                x_hbm.at[pl.ds(base + ci * CHUNK, CHUNK)], bufs[b], sems[b])

        start_dma(0, 0)
        start_dma(1, 1)

        def process(bufb, off, par):
            xv = bufb[pl.ds(off, L)]
            ui = lax.bitcast_convert_type(xv, jnp.int32)
            m = lax.shift_right_arithmetic(ui, 31)
            key_i = lax.bitwise_xor(ui, lax.bitwise_or(m, jnp.int32(-(2 ** 31))))
            key = lax.bitcast_convert_type(key_i, jnp.uint32)
            binv = lax.shift_right_logical(key, jnp.uint32(shift))
            if (nbins << shift) < 2 ** 32:
                binv = binv & jnp.uint32(nbins - 1)
            idx = (lax.bitcast_convert_type(binv, jnp.int32) * (NCOPY * L)
                   + (par * L + lane))
            if match_shift is not None:
                match = lax.shift_right_logical(key, jnp.uint32(match_shift)) == pref_u
                plsc.addupdate_scatter(hist, [idx], ones, mask=match)
            else:
                plsc.addupdate_scatter(hist, [idx], ones)

        def outer(ci0, _):
            for b in range(2):
                ci = 2 * ci0 + b
                pltpu.make_async_copy(
                    x_hbm.at[pl.ds(base + ci * CHUNK, CHUNK)], bufs[b],
                    sems[b]).wait()
                bufb = bufs[b]

                @plsc.parallel_loop(0, nvreg, step=NCOPY, unroll=UNROLL // NCOPY)
                def _(vi):
                    for u in range(NCOPY):
                        process(bufb, (vi + u) * L, u)

                @pl.when(ci + 2 < n_chunks)
                def _():
                    start_dma(ci + 2, b)
            return 0

        lax.fori_loop(0, n_chunks // 2, outer, 0, unroll=False)

        def red_body(g, _):
            acc = hist[pl.ds(g * (NCOPY * L), L)]
            for c in range(1, NCOPY):
                acc = acc + hist[pl.ds(g * (NCOPY * L) + c * L, L)]
            red[pl.ds(g * L, L)] = acc
            return 0

        lax.fori_loop(0, nbins, red_body, 0)
        pltpu.sync_copy(red, out_hbm.at[wid])

    out_type = jax.ShapeDtypeStruct((NW, nbins * L), jnp.int32)
    return pl.kernel(
        body, out_type=out_type, mesh=mesh, scratch_types=scratch,
        compiler_params=pltpu.CompilerParams(needs_layout_passes=False))


def _select(hists, nbins, k):
    h = jnp.sum(hists.reshape(NW, nbins, L), axis=(0, 2))
    c = jnp.cumsum(h[::-1])[::-1]
    t = jnp.sum((c >= k).astype(jnp.int32)) - 1
    cgt = c[t] - h[t]
    return t, k - cgt


def _mask_body(x_ref, thr_ref, o_ref):
    t = thr_ref[0]
    xv = x_ref[...]
    o_ref[...] = jnp.maximum(xv, 0.0) * (xv >= t).astype(jnp.float32)


def _mask_call(x, thr):
    B, D = x.shape
    bb, bd = 128, 12800
    grid = (B // bb, pl.cdiv(D, bd))
    return pl.pallas_call(
        _mask_body,
        grid=grid,
        in_specs=[
            pl.BlockSpec((bb, bd), lambda i, j: (i, j)),
            pl.BlockSpec(memory_space=pltpu.SMEM),
        ],
        out_specs=pl.BlockSpec((bb, bd), lambda i, j: (i, j)),
        out_shape=jax.ShapeDtypeStruct((B, D), jnp.float32),
    )(x, thr)


def kernel(x):
    B, D = x.shape
    n = B * D
    k_total = min(64 * B, n)

    xf = x.reshape(-1)

    hist_p1 = _make_hist_kernel(n, nbins=2048, shift=21, match_shift=None)
    hist_p2 = _make_hist_kernel(n, nbins=2048, shift=10, match_shift=21)
    hist_p3 = _make_hist_kernel(n, nbins=1024, shift=0, match_shift=10)

    h1 = hist_p1(xf)
    t1, k1 = _select(h1, 2048, jnp.int32(k_total))

    pref1 = jnp.broadcast_to(t1, (L,)).astype(jnp.int32)
    h2 = hist_p2(xf, pref1)
    t2, k2 = _select(h2, 2048, k1)

    p22 = (t1 << 11) | t2
    pref2 = jnp.broadcast_to(p22, (L,)).astype(jnp.int32)
    h3 = hist_p3(xf, pref2)
    t3, _ = _select(h3, 1024, k2)

    key = ((p22 << 10) | t3).astype(jnp.uint32)
    bits = jnp.where(key >= jnp.uint32(0x80000000),
                     key ^ jnp.uint32(0x80000000),
                     ~key)
    thr = lax.bitcast_convert_type(bits, jnp.float32).reshape((1,))

    return _mask_call(x, thr)

# --- scband reference (transcript-rebuilt; emitter-appended) ---
"""Pipeline reference for scband-batch-top-k-17197049053506 (READ-ONLY COPY).

The authoritative reference and input builder live on the scoring server;
editing this copy changes nothing except your own understanding.
"""

import jax, jax.numpy as jnp
import numpy as np

K = 64

def setup_inputs(seed: int = 0) -> dict:
    key = jax.random.key(seed)
    x = jax.random.normal(key, (1024, 100000), dtype=jnp.float32)
    return {"x": x}

def reference(x):
    # BatchTopK in training mode: select top (k * batch_size) activations
    # across the entire flattened batch; min of those is the threshold.
    batch_size = x.shape[0]
    total_k = min(K * batch_size, x.size)
    flat = x.reshape(-1)
    topk_vals, _ = jax.lax.top_k(flat, total_k)
    threshold_val = jnp.min(topk_vals).astype(jnp.float32)
    # postact_fn = ReLU; gate by threshold mask
    return jnp.maximum(x, 0.0) * (x >= threshold_val).astype(x.dtype)

if __name__ == "__main__":
    import jax
    _d = setup_inputs()
    print(jax.jit(kernel)(*tuple(_d.values())))

</pallas_src>

<mosaic_0001>
#map = affine_map<(d0, d1) -> (0)>
#map1 = affine_map<(d0, d1) -> (0, 0)>
module attributes {stable_mosaic.version = 14 : i64} {
  func.func @body(%arg0: i32, %arg1: i32, %arg2: memref<102400000xf32, #tpu.memory_space<hbm>>, %arg3: memref<32x32768xi32, #tpu.memory_space<hbm>>, %arg4: memref<12800xf32, #tpu.memory_space<vmem>>, %arg5: memref<12800xf32, #tpu.memory_space<vmem>>, %arg6: memref<65536xi32, #tpu.memory_space<vmem>>, %arg7: memref<32768xi32, #tpu.memory_space<vmem>>, %arg8: memref<!tpu.dma_semaphore, #tpu.memory_space<semaphore_mem>>, %arg9: memref<!tpu.dma_semaphore, #tpu.memory_space<semaphore_mem>>) attributes {dimension_semantics = [#tpu.dimension_semantics<core_parallel>, #tpu.dimension_semantics<subcore_parallel>], iteration_bounds = array<i64: 2, 16>, scalar_prefetch = 0 : i64, scratch_operands = 6 : i64, tpu.core_type = #tpu.core_type<sc_vector_subcore>, window_params = [{transform_indices = #map}, {transform_indices = #map1}]} {
    %mul3A = arith.constant 2 : i32
    %mul3A_0 = arith.muli %arg1, %mul3A : i32
    %add3A = arith.addi %mul3A_0, %arg0 : i32
    %mul3A_1 = arith.constant 3200000 : i32
    %mul3A_2 = arith.muli %add3A, %mul3A_1 : i32
    %broadcast_in_dim3A = arith.constant 0 : i32
    %broadcast_in_dim3A_3 = vector.broadcast %broadcast_in_dim3A : i32 to vector<16xi32>
    %scan3A = arith.constant 0 : i32
    %scan3A_4 = arith.constant 0 : i32
    %scan3A_5 = arith.constant 4096 : i32
    %scan3A_6 = arith.addi %scan3A_4, %scan3A_5 : i32
    %scan3A_7 = arith.constant 1 : i32
    %scan3A_8 = scf.for %scan3A_33 = %scan3A_4 to %scan3A_6 step %scan3A_7 iter_args(%scan3A_34 = %scan3A) -> (i32)  : i32 {
      %mul3A_35 = arith.constant 16 : i32
      %mul3A_36 = arith.muli %scan3A_33, %mul3A_35 : i32
      %swap3A = arith.index_cast %mul3A_36 : i32 to index
      %swap3A_37 = tpu.vector_load %arg6[%swap3A] {strides = array<i32>} : memref<65536xi32, #tpu.memory_space<vmem>>, vector<16xi32>,
      tpu.vector_store %arg6[%swap3A], %broadcast_in_dim3A_3 {strides = array<i32>} : memref<65536xi32, #tpu.memory_space<vmem>>, vector<16xi32>,
      %scan3A_38 = arith.constant 0 : i32
      scf.yield %scan3A_38 : i32
    }
    %scan3A_9 = arith.constant 4096 : i32
    %iota3A = tpu.iota {dimensions = array<i32: 0>} : vector<16xi32>
    %broadcast_in_dim3A_10 = arith.constant 1 : i32
    %broadcast_in_dim3A_11 = vector.broadcast %broadcast_in_dim3A_10 : i32 to vector<16xi32>
    %add3A_12 = arith.constant 0 : i32
    %add3A_13 = arith.addi %mul3A_2, %add3A_12 : i32
    %dma_start3A = tpu.memref_slice %arg2[%add3A_13] : memref<102400000xf32, #tpu.memory_space<hbm>> -> memref<12800xf32, #tpu.memory_space<hbm>>
    %dma_start3A_14 = tpu.memref_slice %arg2[%add3A_13] : memref<102400000xf32, #tpu.memory_space<hbm>> -> memref<12800xf32, #tpu.memory_space<hbm>>
    tpu.enqueue_dma source(%dma_start3A_14 : memref<12800xf32, #tpu.memory_space<hbm>>) target(%arg4 : memref<12800xf32, #tpu.memory_space<vmem>>) target_semaphore(%arg8 : memref<!tpu.dma_semaphore, #tpu.memory_space<semaphore_mem>>)
    %add3A_15 = arith.constant 12800 : i32
    %add3A_16 = arith.addi %mul3A_2, %add3A_15 : i32
    %dma_start3A_17 = tpu.memref_slice %arg2[%add3A_16] : memref<102400000xf32, #tpu.memory_space<hbm>> -> memref<12800xf32, #tpu.memory_space<hbm>>
    %dma_start3A_18 = tpu.memref_slice %arg2[%add3A_16] : memref<102400000xf32, #tpu.memory_space<hbm>> -> memref<12800xf32, #tpu.memory_space<hbm>>
    tpu.enqueue_dma source(%dma_start3A_18 : memref<12800xf32, #tpu.memory_space<hbm>>) target(%arg5 : memref<12800xf32, #tpu.memory_space<vmem>>) target_semaphore(%arg9 : memref<!tpu.dma_semaphore, #tpu.memory_space<semaphore_mem>>)
    %scan3A_19 = arith.constant 0 : i32
    %scan3A_20 = arith.constant 0 : i32
    %scan3A_21 = arith.constant 125 : i32
    %scan3A_22 = arith.addi %scan3A_20, %scan3A_21 : i32
    %scan3A_23 = arith.constant 1 : i32
    %scan3A_24 = scf.for %scan3A_33 = %scan3A_20 to %scan3A_22 step %scan3A_23 iter_args(%scan3A_34 = %scan3A_19) -> (i32)  : i32 {
      %mul3A_35 = arith.constant 2 : i32
      %mul3A_36 = arith.muli %mul3A_35, %scan3A_33 : i32
      %add3A_37 = arith.constant 0 : i32
      %add3A_38 = arith.addi %mul3A_36, %add3A_37 : i32
      %mul3A_39 = arith.constant 12800 : i32
      %mul3A_40 = arith.muli %add3A_38, %mul3A_39 : i32
      %add3A_41 = arith.addi %mul3A_2, %mul3A_40 : i32
      %dma_wait3A = tpu.memref_slice %arg2[%add3A_41] : memref<102400000xf32, #tpu.memory_space<hbm>> -> memref<12800xf32, #tpu.memory_space<hbm>>
      %dma_wait3A_42 = tpu.memref_slice %arg2[%add3A_41] : memref<102400000xf32, #tpu.memory_space<hbm>> -> memref<12800xf32, #tpu.memory_space<hbm>>
      tpu.wait_dma2 semaphore(%arg8 : memref<!tpu.dma_semaphore, #tpu.memory_space<semaphore_mem>>) src(%dma_wait3A_42 : memref<12800xf32, #tpu.memory_space<hbm>>) dst(%arg4 : memref<12800xf32, #tpu.memory_space<vmem>>)
      %parallel_loop3A = arith.constant 0 : i32
      %parallel_loop3A_43 = arith.constant 800 : i32
      %parallel_loop3A_44 = arith.constant 2 : i32
      scf.for %parallel_loop3A_69 = %parallel_loop3A to %parallel_loop3A_43 step %parallel_loop3A_44  : i32 {
        %parallel_loop3A_70 = arith.constant 0 : i32
        %parallel_loop3A_71 = arith.addi %parallel_loop3A_69, %parallel_loop3A_70 : i32
        %parallel_loop3A_72 = arith.constant 16 : i32
        %parallel_loop3A_73 = arith.muli %parallel_loop3A_71, %parallel_loop3A_72 : i32
        %parallel_loop3A_74 = arith.index_cast %parallel_loop3A_73 : i32 to index
        %parallel_loop3A_75 = tpu.vector_load %arg4[%parallel_loop3A_74] {strides = array<i32>} : memref<12800xf32, #tpu.memory_space<vmem>>, vector<16xf32>,
        %parallel_loop3A_76 = tpu.bitcast %parallel_loop3A_75 : vector<16xf32> -> vector<16xi32>
        %parallel_loop3A_77 = arith.constant 31 : i32
        %parallel_loop3A_78 = vector.broadcast %parallel_loop3A_77 : i32 to vector<16xi32>
        %parallel_loop3A_79 = arith.shrsi %parallel_loop3A_76, %parallel_loop3A_78 : vector<16xi32>
        %parallel_loop3A_80 = arith.constant -2147483648 : i32
        %parallel_loop3A_81 = vector.broadcast %parallel_loop3A_80 : i32 to vector<16xi32>
        %parallel_loop3A_82 = arith.ori %parallel_loop3A_79, %parallel_loop3A_81 : vector<16xi32>
        %parallel_loop3A_83 = arith.xori %parallel_loop3A_76, %parallel_loop3A_82 : vector<16xi32>
        %parallel_loop3A_84 = tpu.bitcast %parallel_loop3A_83 : vector<16xi32> -> vector<16xi32>
        %parallel_loop3A_85 = arith.constant 21 : i32
        %parallel_loop3A_86 = vector.broadcast %parallel_loop3A_85 : i32 to vector<16xi32>
        %parallel_loop3A_87 = arith.shrui %parallel_loop3A_84, %parallel_loop3A_86 : vector<16xi32>
        %parallel_loop3A_88 = tpu.bitcast %parallel_loop3A_87 : vector<16xi32> -> vector<16xi32>
        %parallel_loop3A_89 = arith.constant 32 : i32
        %parallel_loop3A_90 = vector.broadcast %parallel_loop3A_89 : i32 to vector<16xi32>
        %parallel_loop3A_91 = arith.muli %parallel_loop3A_88, %parallel_loop3A_90 : vector<16xi32>
        %parallel_loop3A_92 = arith.constant 0 : i32
        %parallel_loop3A_93 = vector.broadcast %parallel_loop3A_92 : i32 to vector<16xi32>
        %parallel_loop3A_94 = arith.addi %parallel_loop3A_93, %iota3A : vector<16xi32>
        %parallel_loop3A_95 = arith.addi %parallel_loop3A_91, %parallel_loop3A_94 : vector<16xi32>
        tpu.vector_store_idx %arg6[%parallel_loop3A_95], %broadcast_in_dim3A_11 {add = true} : memref<65536xi32, #tpu.memory_space<vmem>>[vector<16xi32>], vector<16xi32>,
        %parallel_loop3A_96 = arith.constant 1 : i32
        %parallel_loop3A_97 = arith.addi %parallel_loop3A_69, %parallel_loop3A_96 : i32
        %parallel_loop3A_98 = arith.constant 16 : i32
        %parallel_loop3A_99 = arith.muli %parallel_loop3A_97, %parallel_loop3A_98 : i32
        %parallel_loop3A_100 = arith.index_cast %parallel_loop3A_99 : i32 to index
        %parallel_loop3A_101 = tpu.vector_load %arg4[%parallel_loop3A_100] {strides = array<i32>} : memref<12800xf32, #tpu.memory_space<vmem>>, vector<16xf32>,
        %parallel_loop3A_102 = tpu.bitcast %parallel_loop3A_101 : vector<16xf32> -> vector<16xi32>
        %parallel_loop3A_103 = arith.constant 31 : i32
        %parallel_loop3A_104 = vector.broadcast %parallel_loop3A_103 : i32 to vector<16xi32>
        %parallel_loop3A_105 = arith.shrsi %parallel_loop3A_102, %parallel_loop3A_104 : vector<16xi32>
        %parallel_loop3A_106 = arith.constant -2147483648 : i32
        %parallel_loop3A_107 = vector.broadcast %parallel_loop3A_106 : i32 to vector<16xi32>
        %parallel_loop3A_108 = arith.ori %parallel_loop3A_105, %parallel_loop3A_107 : vector<16xi32>
        %parallel_loop3A_109 = arith.xori %parallel_loop3A_102, %parallel_loop3A_108 : vector<16xi32>
        %parallel_loop3A_110 = tpu.bitcast %parallel_loop3A_109 : vector<16xi32> -> vector<16xi32>
        %parallel_loop3A_111 = arith.constant 21 : i32
        %parallel_loop3A_112 = vector.broadcast %parallel_loop3A_111 : i32 to vector<16xi32>
        %parallel_loop3A_113 = arith.shrui %parallel_loop3A_110, %parallel_loop3A_112 : vector<16xi32>
        %parallel_loop3A_114 = tpu.bitcast %parallel_loop3A_113 : vector<16xi32> -> vector<16xi32>
        %parallel_loop3A_115 = arith.constant 32 : i32
        %parallel_loop3A_116 = vector.broadcast %parallel_loop3A_115 : i32 to vector<16xi32>
        %parallel_loop3A_117 = arith.muli %parallel_loop3A_114, %parallel_loop3A_116 : vector<16xi32>
        %parallel_loop3A_118 = arith.constant 16 : i32
        %parallel_loop3A_119 = vector.broadcast %parallel_loop3A_118 : i32 to vector<16xi32>
        %parallel_loop3A_120 = arith.addi %parallel_loop3A_119, %iota3A : vector<16xi32>
        %parallel_loop3A_121 = arith.addi %parallel_loop3A_117, %parallel_loop3A_120 : vector<16xi32>
        tpu.vector_store_idx %arg6[%parallel_loop3A_121], %broadcast_in_dim3A_11 {add = true} : memref<65536xi32, #tpu.memory_space<vmem>>[vector<16xi32>], vector<16xi32>,
      } {sc.loop_unroll_factor = 5 : i64, sc.parallel_access}
      %add3A_45 = arith.constant 2 : i32
      %add3A_46 = arith.addi %add3A_38, %add3A_45 : i32
      %lt3A = arith.constant 250 : i32
      %lt3A_47 = arith.cmpi slt, %add3A_46, %lt3A : i32
      %convert_element_type3A = arith.extui %lt3A_47 : i1 to i32
      %cond3A = arith.constant 0 : i32
      %cond3A_48 = arith.cmpi ne, %convert_element_type3A, %cond3A : i32
      scf.if %cond3A_48 {
        %add3A_69 = arith.constant 2 : i32
        %add3A_70 = arith.addi %add3A_38, %add3A_69 : i32
        %mul3A_71 = arith.constant 12800 : i32
        %mul3A_72 = arith.muli %add3A_70, %mul3A_71 : i32
        %add3A_73 = arith.addi %mul3A_2, %mul3A_72 : i32
        %dma_start3A_74 = tpu.memref_slice %arg2[%add3A_73] : memref<102400000xf32, #tpu.memory_space<hbm>> -> memref<12800xf32, #tpu.memory_space<hbm>>
        %dma_start3A_75 = tpu.memref_slice %arg2[%add3A_73] : memref<102400000xf32, #tpu.memory_space<hbm>> -> memref<12800xf32, #tpu.memory_space<hbm>>
        tpu.enqueue_dma source(%dma_start3A_75 : memref<12800xf32, #tpu.memory_space<hbm>>) target(%arg4 : memref<12800xf32, #tpu.memory_space<vmem>>) target_semaphore(%arg8 : memref<!tpu.dma_semaphore, #tpu.memory_space<semaphore_mem>>)
      } else {
      }
      %mul3A_49 = arith.constant 2 : i32
      %mul3A_50 = arith.muli %mul3A_49, %scan3A_33 : i32
      %add3A_51 = arith.constant 1 : i32
      %add3A_52 = arith.addi %mul3A_50, %add3A_51 : i32
      %mul3A_53 = arith.constant 12800 : i32
      %mul3A_54 = arith.muli %add3A_52, %mul3A_53 : i32
      %add3A_55 = arith.addi %mul3A_2, %mul3A_54 : i32
      %dma_wait3A_56 = tpu.memref_slice %arg2[%add3A_55] : memref<102400000xf32, #tpu.memory_space<hbm>> -> memref<12800xf32, #tpu.memory_space<hbm>>
      %dma_wait3A_57 = tpu.memref_slice %arg2[%add3A_55] : memref<102400000xf32, #tpu.memory_space<hbm>> -> memref<12800xf32, #tpu.memory_space<hbm>>
      tpu.wait_dma2 semaphore(%arg9 : memref<!tpu.dma_semaphore, #tpu.memory_space<semaphore_mem>>) src(%dma_wait3A_57 : memref<12800xf32, #tpu.memory_space<hbm>>) dst(%arg5 : memref<12800xf32, #tpu.memory_space<vmem>>)
      %parallel_loop3A_58 = arith.constant 0 : i32
      %parallel_loop3A_59 = arith.constant 800 : i32
      %parallel_loop3A_60 = arith.constant 2 : i32
      scf.for %parallel_loop3A_69 = %parallel_loop3A_58 to %parallel_loop3A_59 step %parallel_loop3A_60  : i32 {
        %parallel_loop3A_70 = arith.constant 0 : i32
        %parallel_loop3A_71 = arith.addi %parallel_loop3A_69, %parallel_loop3A_70 : i32
        %parallel_loop3A_72 = arith.constant 16 : i32
        %parallel_loop3A_73 = arith.muli %parallel_loop3A_71, %parallel_loop3A_72 : i32
        %parallel_loop3A_74 = arith.index_cast %parallel_loop3A_73 : i32 to index
        %parallel_loop3A_75 = tpu.vector_load %arg5[%parallel_loop3A_74] {strides = array<i32>} : memref<12800xf32, #tpu.memory_space<vmem>>, vector<16xf32>,
        %parallel_loop3A_76 = tpu.bitcast %parallel_loop3A_75 : vector<16xf32> -> vector<16xi32>
        %parallel_loop3A_77 = arith.constant 31 : i32
        %parallel_loop3A_78 = vector.broadcast %parallel_loop3A_77 : i32 to vector<16xi32>
        %parallel_loop3A_79 = arith.shrsi %parallel_loop3A_76, %parallel_loop3A_78 : vector<16xi32>
        %parallel_loop3A_80 = arith.constant -2147483648 : i32
        %parallel_loop3A_81 = vector.broadcast %parallel_loop3A_80 : i32 to vector<16xi32>
        %parallel_loop3A_82 = arith.ori %parallel_loop3A_79, %parallel_loop3A_81 : vector<16xi32>
        %parallel_loop3A_83 = arith.xori %parallel_loop3A_76, %parallel_loop3A_82 : vector<16xi32>
        %parallel_loop3A_84 = tpu.bitcast %parallel_loop3A_83 : vector<16xi32> -> vector<16xi32>
        %parallel_loop3A_85 = arith.constant 21 : i32
        %parallel_loop3A_86 = vector.broadcast %parallel_loop3A_85 : i32 to vector<16xi32>
        %parallel_loop3A_87 = arith.shrui %parallel_loop3A_84, %parallel_loop3A_86 : vector<16xi32>
        %parallel_loop3A_88 = tpu.bitcast %parallel_loop3A_87 : vector<16xi32> -> vector<16xi32>
        %parallel_loop3A_89 = arith.constant 32 : i32
        %parallel_loop3A_90 = vector.broadcast %parallel_loop3A_89 : i32 to vector<16xi32>
        %parallel_loop3A_91 = arith.muli %parallel_loop3A_88, %parallel_loop3A_90 : vector<16xi32>
        %parallel_loop3A_92 = arith.constant 0 : i32
        %parallel_loop3A_93 = vector.broadcast %parallel_loop3A_92 : i32 to vector<16xi32>
        %parallel_loop3A_94 = arith.addi %parallel_loop3A_93, %iota3A : vector<16xi32>
        %parallel_loop3A_95 = arith.addi %parallel_loop3A_91, %parallel_loop3A_94 : vector<16xi32>
        tpu.vector_store_idx %arg6[%parallel_loop3A_95], %broadcast_in_dim3A_11 {add = true} : memref<65536xi32, #tpu.memory_space<vmem>>[vector<16xi32>], vector<16xi32>,
        %parallel_loop3A_96 = arith.constant 1 : i32
        %parallel_loop3A_97 = arith.addi %parallel_loop3A_69, %parallel_loop3A_96 : i32
        %parallel_loop3A_98 = arith.constant 16 : i32
        %parallel_loop3A_99 = arith.muli %parallel_loop3A_97, %parallel_loop3A_98 : i32
        %parallel_loop3A_100 = arith.index_cast %parallel_loop3A_99 : i32 to index
        %parallel_loop3A_101 = tpu.vector_load %arg5[%parallel_loop3A_100] {strides = array<i32>} : memref<12800xf32, #tpu.memory_space<vmem>>, vector<16xf32>,
        %parallel_loop3A_102 = tpu.bitcast %parallel_loop3A_101 : vector<16xf32> -> vector<16xi32>
        %parallel_loop3A_103 = arith.constant 31 : i32
        %parallel_loop3A_104 = vector.broadcast %parallel_loop3A_103 : i32 to vector<16xi32>
        %parallel_loop3A_105 = arith.shrsi %parallel_loop3A_102, %parallel_loop3A_104 : vector<16xi32>
        %parallel_loop3A_106 = arith.constant -2147483648 : i32
        %parallel_loop3A_107 = vector.broadcast %parallel_loop3A_106 : i32 to vector<16xi32>
        %parallel_loop3A_108 = arith.ori %parallel_loop3A_105, %parallel_loop3A_107 : vector<16xi32>
        %parallel_loop3A_109 = arith.xori %parallel_loop3A_102, %parallel_loop3A_108 : vector<16xi32>
        %parallel_loop3A_110 = tpu.bitcast %parallel_loop3A_109 : vector<16xi32> -> vector<16xi32>
        %parallel_loop3A_111 = arith.constant 21 : i32
        %parallel_loop3A_112 = vector.broadcast %parallel_loop3A_111 : i32 to vector<16xi32>
        %parallel_loop3A_113 = arith.shrui %parallel_loop3A_110, %parallel_loop3A_112 : vector<16xi32>
        %parallel_loop3A_114 = tpu.bitcast %parallel_loop3A_113 : vector<16xi32> -> vector<16xi32>
        %parallel_loop3A_115 = arith.constant 32 : i32
        %parallel_loop3A_116 = vector.broadcast %parallel_loop3A_115 : i32 to vector<16xi32>
        %parallel_loop3A_117 = arith.muli %parallel_loop3A_114, %parallel_loop3A_116 : vector<16xi32>
        %parallel_loop3A_118 = arith.constant 16 : i32
        %parallel_loop3A_119 = vector.broadcast %parallel_loop3A_118 : i32 to vector<16xi32>
        %parallel_loop3A_120 = arith.addi %parallel_loop3A_119, %iota3A : vector<16xi32>
        %parallel_loop3A_121 = arith.addi %parallel_loop3A_117, %parallel_loop3A_120 : vector<16xi32>
        tpu.vector_store_idx %arg6[%parallel_loop3A_121], %broadcast_in_dim3A_11 {add = true} : memref<65536xi32, #tpu.memory_space<vmem>>[vector<16xi32>], vector<16xi32>,
      } {sc.loop_unroll_factor = 5 : i64, sc.parallel_access}
      %add3A_61 = arith.constant 2 : i32
      %add3A_62 = arith.addi %add3A_52, %add3A_61 : i32
      %lt3A_63 = arith.constant 250 : i32
      %lt3A_64 = arith.cmpi slt, %add3A_62, %lt3A_63 : i32
      %convert_element_type3A_65 = arith.extui %lt3A_64 : i1 to i32
      %cond3A_66 = arith.constant 0 : i32
      %cond3A_67 = arith.cmpi ne, %convert_element_type3A_65, %cond3A_66 : i32
      scf.if %cond3A_67 {
        %add3A_69 = arith.constant 2 : i32
        %add3A_70 = arith.addi %add3A_52, %add3A_69 : i32
        %mul3A_71 = arith.constant 12800 : i32
        %mul3A_72 = arith.muli %add3A_70, %mul3A_71 : i32
        %add3A_73 = arith.addi %mul3A_2, %mul3A_72 : i32
        %dma_start3A_74 = tpu.memref_slice %arg2[%add3A_73] : memref<102400000xf32, #tpu.memory_space<hbm>> -> memref<12800xf32, #tpu.memory_space<hbm>>
        %dma_start3A_75 = tpu.memref_slice %arg2[%add3A_73] : memref<102400000xf32, #tpu.memory_space<hbm>> -> memref<12800xf32, #tpu.memory_space<hbm>>
        tpu.enqueue_dma source(%dma_start3A_75 : memref<12800xf32, #tpu.memory_space<hbm>>) target(%arg5 : memref<12800xf32, #tpu.memory_space<vmem>>) target_semaphore(%arg9 : memref<!tpu.dma_semaphore, #tpu.memory_space<semaphore_mem>>)
      } else {
      }
      %scan3A_68 = arith.constant 0 : i32
      scf.yield %scan3A_68 : i32
    }
    %scan3A_25 = arith.constant 125 : i32
    %scan3A_26 = arith.constant 0 : i32
    %scan3A_27 = arith.constant 0 : i32
    %scan3A_28 = arith.constant 2048 : i32
    %scan3A_29 = arith.addi %scan3A_27, %scan3A_28 : i32
    %scan3A_30 = arith.constant 1 : i32
    %scan3A_31 = scf.for %scan3A_33 = %scan3A_27 to %scan3A_29 step %scan3A_30 iter_args(%scan3A_34 = %scan3A_26) -> (i32)  : i32 {
      %mul3A_35 = arith.constant 32 : i32
      %mul3A_36 = arith.muli %scan3A_33, %mul3A_35 : i32
      %get3A = arith.index_cast %mul3A_36 : i32 to index
      %get3A_37 = tpu.vector_load %arg6[%get3A] {strides = array<i32>} : memref<65536xi32, #tpu.memory_space<vmem>>, vector<16xi32>,
      %mul3A_38 = arith.constant 32 : i32
      %mul3A_39 = arith.muli %scan3A_33, %mul3A_38 : i32
      %add3A_40 = arith.constant 16 : i32
      %add3A_41 = arith.addi %mul3A_39, %add3A_40 : i32
      %get3A_42 = arith.index_cast %add3A_41 : i32 to index
      %get3A_43 = tpu.vector_load %arg6[%get3A_42] {strides = array<i32>} : memref<65536xi32, #tpu.memory_space<vmem>>, vector<16xi32>,
      %add3A_44 = arith.addi %get3A_37, %get3A_43 : vector<16xi32>
      %mul3A_45 = arith.constant 16 : i32
      %mul3A_46 = arith.muli %scan3A_33, %mul3A_45 : i32
      %swap3A = arith.index_cast %mul3A_46 : i32 to index
      %swap3A_47 = tpu.vector_load %arg7[%swap3A] {strides = array<i32>} : memref<32768xi32, #tpu.memory_space<vmem>>, vector<16xi32>,
      tpu.vector_store %arg7[%swap3A], %add3A_44 {strides = array<i32>} : memref<32768xi32, #tpu.memory_space<vmem>>, vector<16xi32>,
      %scan3A_48 = arith.constant 0 : i32
      scf.yield %scan3A_48 : i32
    }
    %scan3A_32 = arith.constant 2048 : i32
    "tpu.region"() ({
      %run_scoped3A = tpu.sem_alloc : memref<!tpu.dma_semaphore, #tpu.memory_space<semaphore_mem>>
      %dma_start3A_33 = arith.constant 0 : i32
      %dma_start3A_34 = tpu.memref_slice %arg3[%add3A, %dma_start3A_33] : memref<32x32768xi32, #tpu.memory_space<hbm>> -> memref<1x32768xi32, #tpu.memory_space<hbm>>
      %dma_start3A_35 = tpu.memref_squeeze %dma_start3A_34 : memref<1x32768xi32, #tpu.memory_space<hbm>> -> memref<32768xi32, #tpu.memory_space<hbm>>
      %dma_start3A_36 = arith.constant 0 : i32
      %dma_start3A_37 = tpu.memref_slice %arg3[%add3A, %dma_start3A_36] : memref<32x32768xi32, #tpu.memory_space<hbm>> -> memref<1x32768xi32, #tpu.memory_space<hbm>>
      %dma_start3A_38 = tpu.memref_squeeze %dma_start3A_37 : memref<1x32768xi32, #tpu.memory_space<hbm>> -> memref<32768xi32, #tpu.memory_space<hbm>>
      tpu.enqueue_dma source(%arg7 : memref<32768xi32, #tpu.memory_space<vmem>>) target(%dma_start3A_38 : memref<32768xi32, #tpu.memory_space<hbm>>) target_semaphore(%run_scoped3A : memref<!tpu.dma_semaphore, #tpu.memory_space<semaphore_mem>>)
      %dma_wait3A = arith.constant 0 : i32
      %dma_wait3A_39 = tpu.memref_slice %arg3[%add3A, %dma_wait3A] : memref<32x32768xi32, #tpu.memory_space<hbm>> -> memref<1x32768xi32, #tpu.memory_space<hbm>>
      %dma_wait3A_40 = tpu.memref_squeeze %dma_wait3A_39 : memref<1x32768xi32, #tpu.memory_space<hbm>> -> memref<32768xi32, #tpu.memory_space<hbm>>
      %dma_wait3A_41 = arith.constant 0 : i32
      %dma_wait3A_42 = tpu.memref_slice %arg3[%add3A, %dma_wait3A_41] : memref<32x32768xi32, #tpu.memory_space<hbm>> -> memref<1x32768xi32, #tpu.memory_space<hbm>>
      %dma_wait3A_43 = tpu.memref_squeeze %dma_wait3A_42 : memref<1x32768xi32, #tpu.memory_space<hbm>> -> memref<32768xi32, #tpu.memory_space<hbm>>
      tpu.wait_dma2 semaphore(%run_scoped3A : memref<!tpu.dma_semaphore, #tpu.memory_space<semaphore_mem>>) src(%arg7 : memref<32768xi32, #tpu.memory_space<vmem>>) dst(%dma_wait3A_43 : memref<32768xi32, #tpu.memory_space<hbm>>)
      tpu.yield
    }) : () -> ()
    return
  }
}

#map = affine_map<(d0, d1) -> (0)>
#map1 = affine_map<(d0, d1) -> (0, 0)>
module attributes {stable_mosaic.version = 14 : i64} {
  func.func @body(%arg0: i32, %arg1: i32, %arg2: memref<102400000xf32, #tpu.memory_space<hbm>>, %arg3: memref<16xi32, #tpu.memory_space<hbm>>, %arg4: memref<32x32768xi32, #tpu.memory_space<hbm>>, %arg5: memref<12800xf32, #tpu.memory_space<vmem>>, %arg6: memref<12800xf32, #tpu.memory_space<vmem>>, %arg7: memref<65536xi32, #tpu.memory_space<vmem>>, %arg8: memref<32768xi32, #tpu.memory_space<vmem>>, %arg9: memref<!tpu.dma_semaphore, #tpu.memory_space<semaphore_mem>>, %arg10: memref<!tpu.dma_semaphore, #tpu.memory_space<semaphore_mem>>, %arg11: memref<16xi32, #tpu.memory_space<vmem>>) attributes {dimension_semantics = [#tpu.dimension_semantics<core_parallel>, #tpu.dimension_semantics<subcore_parallel>], iteration_bounds = array<i64: 2, 16>, scalar_prefetch = 0 : i64, scratch_operands = 7 : i64, tpu.core_type = #tpu.core_type<sc_vector_subcore>, window_params = [{transform_indices = #map}, {transform_indices = #map}, {transform_indices = #map1}]} {
    %mul3A = arith.constant 2 : i32
    %mul3A_0 = arith.muli %arg1, %mul3A : i32
    %add3A = arith.addi %mul3A_0, %arg0 : i32
    %mul3A_1 = arith.constant 3200000 : i32
    %mul3A_2 = arith.muli %add3A, %mul3A_1 : i32
    %broadcast_in_dim3A = arith.constant 0 : i32
    %broadcast_in_dim3A_3 = vector.broadcast %broadcast_in_dim3A : i32 to vector<16xi32>
    %scan3A = arith.constant 0 : i32
    %scan3A_4 = arith.constant 0 : i32
    %scan3A_5 = arith.constant 4096 : i32
    %scan3A_6 = arith.addi %scan3A_4, %scan3A_5 : i32
    %scan3A_7 = arith.constant 1 : i32
    %scan3A_8 = scf.for %scan3A_34 = %scan3A_4 to %scan3A_6 step %scan3A_7 iter_args(%scan3A_35 = %scan3A) -> (i32)  : i32 {
      %mul3A_36 = arith.constant 16 : i32
      %mul3A_37 = arith.muli %scan3A_34, %mul3A_36 : i32
      %swap3A = arith.index_cast %mul3A_37 : i32 to index
      %swap3A_38 = tpu.vector_load %arg7[%swap3A] {strides = array<i32>} : memref<65536xi32, #tpu.memory_space<vmem>>, vector<16xi32>,
      tpu.vector_store %arg7[%swap3A], %broadcast_in_dim3A_3 {strides = array<i32>} : memref<65536xi32, #tpu.memory_space<vmem>>, vector<16xi32>,
      %scan3A_39 = arith.constant 0 : i32
      scf.yield %scan3A_39 : i32
    }
    %scan3A_9 = arith.constant 4096 : i32
    "tpu.region"() ({
      %run_scoped3A = tpu.sem_alloc : memref<!tpu.dma_semaphore, #tpu.memory_space<semaphore_mem>>
      tpu.enqueue_dma source(%arg3 : memref<16xi32, #tpu.memory_space<hbm>>) target(%arg11 : memref<16xi32, #tpu.memory_space<vmem>>) target_semaphore(%run_scoped3A : memref<!tpu.dma_semaphore, #tpu.memory_space<semaphore_mem>>)
      tpu.wait_dma2 semaphore(%run_scoped3A : memref<!tpu.dma_semaphore, #tpu.memory_space<semaphore_mem>>) src(%arg3 : memref<16xi32, #tpu.memory_space<hbm>>) dst(%arg11 : memref<16xi32, #tpu.memory_space<vmem>>)
      tpu.yield
    }) : () -> ()
    %get3A = arith.constant 0 : index
    %get3A_10 = tpu.vector_load %arg11[%get3A] {strides = array<i32>} : memref<16xi32, #tpu.memory_space<vmem>>, vector<16xi32>,
    %bitcast_convert_type3A = tpu.bitcast %get3A_10 : vector<16xi32> -> vector<16xi32>
    %iota3A = tpu.iota {dimensions = array<i32: 0>} : vector<16xi32>
    %broadcast_in_dim3A_11 = arith.constant 1 : i32
    %broadcast_in_dim3A_12 = vector.broadcast %broadcast_in_dim3A_11 : i32 to vector<16xi32>
    %add3A_13 = arith.constant 0 : i32
    %add3A_14 = arith.addi %mul3A_2, %add3A_13 : i32
    %dma_start3A = tpu.memref_slice %arg2[%add3A_14] : memref<102400000xf32, #tpu.memory_space<hbm>> -> memref<12800xf32, #tpu.memory_space<hbm>>
    %dma_start3A_15 = tpu.memref_slice %arg2[%add3A_14] : memref<102400000xf32, #tpu.memory_space<hbm>> -> memref<12800xf32, #tpu.memory_space<hbm>>
    tpu.enqueue_dma source(%dma_start3A_15 : memref<12800xf32, #tpu.memory_space<hbm>>) target(%arg5 : memref<12800xf32, #tpu.memory_space<vmem>>) target_semaphore(%arg9 : memref<!tpu.dma_semaphore, #tpu.memory_space<semaphore_mem>>)
    %add3A_16 = arith.constant 12800 : i32
    %add3A_17 = arith.addi %mul3A_2, %add3A_16 : i32
    %dma_start3A_18 = tpu.memref_slice %arg2[%add3A_17] : memref<102400000xf32, #tpu.memory_space<hbm>> -> memref<12800xf32, #tpu.memory_space<hbm>>
    %dma_start3A_19 = tpu.memref_slice %arg2[%add3A_17] : memref<102400000xf32, #tpu.memory_space<hbm>> -> memref<12800xf32, #tpu.memory_space<hbm>>
    tpu.enqueue_dma source(%dma_start3A_19 : memref<12800xf32, #tpu.memory_space<hbm>>) target(%arg6 : memref<12800xf32, #tpu.memory_space<vmem>>) target_semaphore(%arg10 : memref<!tpu.dma_semaphore, #tpu.memory_space<semaphore_mem>>)
    %scan3A_20 = arith.constant 0 : i32
    %scan3A_21 = arith.constant 0 : i32
    %scan3A_22 = arith.constant 125 : i32
    %scan3A_23 = arith.addi %scan3A_21, %scan3A_22 : i32
    %scan3A_24 = arith.constant 1 : i32
    %scan3A_25 = scf.for %scan3A_34 = %scan3A_21 to %scan3A_23 step %scan3A_24 iter_args(%scan3A_35 = %scan3A_20) -> (i32)  : i32 {
      %mul3A_36 = arith.constant 2 : i32
      %mul3A_37 = arith.muli %mul3A_36, %scan3A_34 : i32
      %add3A_38 = arith.constant 0 : i32
      %add3A_39 = arith.addi %mul3A_37, %add3A_38 : i32
      %mul3A_40 = arith.constant 12800 : i32
      %mul3A_41 = arith.muli %add3A_39, %mul3A_40 : i32
      %add3A_42 = arith.addi %mul3A_2, %mul3A_41 : i32
      %dma_wait3A = tpu.memref_slice %arg2[%add3A_42] : memref<102400000xf32, #tpu.memory_space<hbm>> -> memref<12800xf32, #tpu.memory_space<hbm>>
      %dma_wait3A_43 = tpu.memref_slice %arg2[%add3A_42] : memref<102400000xf32, #tpu.memory_space<hbm>> -> memref<12800xf32, #tpu.memory_space<hbm>>
      tpu.wait_dma2 semaphore(%arg9 : memref<!tpu.dma_semaphore, #tpu.memory_space<semaphore_mem>>) src(%dma_wait3A_43 : memref<12800xf32, #tpu.memory_space<hbm>>) dst(%arg5 : memref<12800xf32, #tpu.memory_space<vmem>>)
      %parallel_loop3A = arith.constant 0 : i32
      %parallel_loop3A_44 = arith.constant 800 : i32
      %parallel_loop3A_45 = arith.constant 2 : i32
      scf.for %parallel_loop3A_70 = %parallel_loop3A to %parallel_loop3A_44 step %parallel_loop3A_45  : i32 {
        %parallel_loop3A_71 = arith.constant 0 : i32
        %parallel_loop3A_72 = arith.addi %parallel_loop3A_70, %parallel_loop3A_71 : i32
        %parallel_loop3A_73 = arith.constant 16 : i32
        %parallel_loop3A_74 = arith.muli %parallel_loop3A_72, %parallel_loop3A_73 : i32
        %parallel_loop3A_75 = arith.index_cast %parallel_loop3A_74 : i32 to index
        %parallel_loop3A_76 = tpu.vector_load %arg5[%parallel_loop3A_75] {strides = array<i32>} : memref<12800xf32, #tpu.memory_space<vmem>>, vector<16xf32>,
        %parallel_loop3A_77 = tpu.bitcast %parallel_loop3A_76 : vector<16xf32> -> vector<16xi32>
        %parallel_loop3A_78 = arith.constant 31 : i32
        %parallel_loop3A_79 = vector.broadcast %parallel_loop3A_78 : i32 to vector<16xi32>
        %parallel_loop3A_80 = arith.shrsi %parallel_loop3A_77, %parallel_loop3A_79 : vector<16xi32>
        %parallel_loop3A_81 = arith.constant -2147483648 : i32
        %parallel_loop3A_82 = vector.broadcast %parallel_loop3A_81 : i32 to vector<16xi32>
        %parallel_loop3A_83 = arith.ori %parallel_loop3A_80, %parallel_loop3A_82 : vector<16xi32>
        %parallel_loop3A_84 = arith.xori %parallel_loop3A_77, %parallel_loop3A_83 : vector<16xi32>
        %parallel_loop3A_85 = tpu.bitcast %parallel_loop3A_84 : vector<16xi32> -> vector<16xi32>
        %parallel_loop3A_86 = arith.constant 10 : i32
        %parallel_loop3A_87 = vector.broadcast %parallel_loop3A_86 : i32 to vector<16xi32>
        %parallel_loop3A_88 = arith.shrui %parallel_loop3A_85, %parallel_loop3A_87 : vector<16xi32>
        %parallel_loop3A_89 = arith.constant 2047 : i32
        %parallel_loop3A_90 = vector.broadcast %parallel_loop3A_89 : i32 to vector<16xi32>
        %parallel_loop3A_91 = arith.andi %parallel_loop3A_88, %parallel_loop3A_90 : vector<16xi32>
        %parallel_loop3A_92 = tpu.bitcast %parallel_loop3A_91 : vector<16xi32> -> vector<16xi32>
        %parallel_loop3A_93 = arith.constant 32 : i32
        %parallel_loop3A_94 = vector.broadcast %parallel_loop3A_93 : i32 to vector<16xi32>
        %parallel_loop3A_95 = arith.muli %parallel_loop3A_92, %parallel_loop3A_94 : vector<16xi32>
        %parallel_loop3A_96 = arith.constant 0 : i32
        %parallel_loop3A_97 = vector.broadcast %parallel_loop3A_96 : i32 to vector<16xi32>
        %parallel_loop3A_98 = arith.addi %parallel_loop3A_97, %iota3A : vector<16xi32>
        %parallel_loop3A_99 = arith.addi %parallel_loop3A_95, %parallel_loop3A_98 : vector<16xi32>
        %parallel_loop3A_100 = arith.constant 21 : i32
        %parallel_loop3A_101 = vector.broadcast %parallel_loop3A_100 : i32 to vector<16xi32>
        %parallel_loop3A_102 = arith.shrui %parallel_loop3A_85, %parallel_loop3A_101 : vector<16xi32>
        %parallel_loop3A_103 = arith.cmpi eq, %parallel_loop3A_102, %bitcast_convert_type3A : vector<16xi32>
        tpu.vector_store_idx %arg7[%parallel_loop3A_99], %broadcast_in_dim3A_12 masked %parallel_loop3A_103 {add = true} : memref<65536xi32, #tpu.memory_space<vmem>>[vector<16xi32>], vector<16xi32>, vector<16xi1>
        %parallel_loop3A_104 = arith.constant 1 : i32
        %parallel_loop3A_105 = arith.addi %parallel_loop3A_70, %parallel_loop3A_104 : i32
        %parallel_loop3A_106 = arith.constant 16 : i32
        %parallel_loop3A_107 = arith.muli %parallel_loop3A_105, %parallel_loop3A_106 : i32
        %parallel_loop3A_108 = arith.index_cast %parallel_loop3A_107 : i32 to index
        %parallel_loop3A_109 = tpu.vector_load %arg5[%parallel_loop3A_108] {strides = array<i32>} : memref<12800xf32, #tpu.memory_space<vmem>>, vector<16xf32>,
        %parallel_loop3A_110 = tpu.bitcast %parallel_loop3A_109 : vector<16xf32> -> vector<16xi32>
        %parallel_loop3A_111 = arith.constant 31 : i32
        %parallel_loop3A_112 = vector.broadcast %parallel_loop3A_111 : i32 to vector<16xi32>
        %parallel_loop3A_113 = arith.shrsi %parallel_loop3A_110, %parallel_loop3A_112 : vector<16xi32>
        %parallel_loop3A_114 = arith.constant -2147483648 : i32
        %parallel_loop3A_115 = vector.broadcast %parallel_loop3A_114 : i32 to vector<16xi32>
        %parallel_loop3A_116 = arith.ori %parallel_loop3A_113, %parallel_loop3A_115 : vector<16xi32>
        %parallel_loop3A_117 = arith.xori %parallel_loop3A_110, %parallel_loop3A_116 : vector<16xi32>
        %parallel_loop3A_118 = tpu.bitcast %parallel_loop3A_117 : vector<16xi32> -> vector<16xi32>
        %parallel_loop3A_119 = arith.constant 10 : i32
        %parallel_loop3A_120 = vector.broadcast %parallel_loop3A_119 : i32 to vector<16xi32>
        %parallel_loop3A_121 = arith.shrui %parallel_loop3A_118, %parallel_loop3A_120 : vector<16xi32>
        %parallel_loop3A_122 = arith.constant 2047 : i32
        %parallel_loop3A_123 = vector.broadcast %parallel_loop3A_122 : i32 to vector<16xi32>
        %parallel_loop3A_124 = arith.andi %parallel_loop3A_121, %parallel_loop3A_123 : vector<16xi32>
        %parallel_loop3A_125 = tpu.bitcast %parallel_loop3A_124 : vector<16xi32> -> vector<16xi32>
        %parallel_loop3A_126 = arith.constant 32 : i32
        %parallel_loop3A_127 = vector.broadcast %parallel_loop3A_126 : i32 to vector<16xi32>
        %parallel_loop3A_128 = arith.muli %parallel_loop3A_125, %parallel_loop3A_127 : vector<16xi32>
        %parallel_loop3A_129 = arith.constant 16 : i32
        %parallel_loop3A_130 = vector.broadcast %parallel_loop3A_129 : i32 to vector<16xi32>
        %parallel_loop3A_131 = arith.addi %parallel_loop3A_130, %iota3A : vector<16xi32>
        %parallel_loop3A_132 = arith.addi %parallel_loop3A_128, %parallel_loop3A_131 : vector<16xi32>
        %parallel_loop3A_133 = arith.constant 21 : i32
        %parallel_loop3A_134 = vector.broadcast %parallel_loop3A_133 : i32 to vector<16xi32>
        %parallel_loop3A_135 = arith.shrui %parallel_loop3A_118, %parallel_loop3A_134 : vector<16xi32>
        %parallel_loop3A_136 = arith.cmpi eq, %parallel_loop3A_135, %bitcast_convert_type3A : vector<16xi32>
        tpu.vector_store_idx %arg7[%parallel_loop3A_132], %broadcast_in_dim3A_12 masked %parallel_loop3A_136 {add = true} : memref<65536xi32, #tpu.memory_space<vmem>>[vector<16xi32>], vector<16xi32>, vector<16xi1>
      } {sc.loop_unroll_factor = 5 : i64, sc.parallel_access}
      %add3A_46 = arith.constant 2 : i32
      %add3A_47 = arith.addi %add3A_39, %add3A_46 : i32
      %lt3A = arith.constant 250 : i32
      %lt3A_48 = arith.cmpi slt, %add3A_47, %lt3A : i32
      %convert_element_type3A = arith.extui %lt3A_48 : i1 to i32
      %cond3A = arith.constant 0 : i32
      %cond3A_49 = arith.cmpi ne, %convert_element_type3A, %cond3A : i32
      scf.if %cond3A_49 {
        %add3A_70 = arith.constant 2 : i32
        %add3A_71 = arith.addi %add3A_39, %add3A_70 : i32
        %mul3A_72 = arith.constant 12800 : i32
        %mul3A_73 = arith.muli %add3A_71, %mul3A_72 : i32
        %add3A_74 = arith.addi %mul3A_2, %mul3A_73 : i32
        %dma_start3A_75 = tpu.memref_slice %arg2[%add3A_74] : memref<102400000xf32, #tpu.memory_space<hbm>> -> memref<12800xf32, #tpu.memory_space<hbm>>
        %dma_start3A_76 = tpu.memref_slice %arg2[%add3A_74] : memref<102400000xf32, #tpu.memory_space<hbm>> -> memref<12800xf32, #tpu.memory_space<hbm>>
        tpu.enqueue_dma source(%dma_start3A_76 : memref<12800xf32, #tpu.memory_space<hbm>>) target(%arg5 : memref<12800xf32, #tpu.memory_space<vmem>>) target_semaphore(%arg9 : memref<!tpu.dma_semaphore, #tpu.memory_space<semaphore_mem>>)
      } else {
      }
      %mul3A_50 = arith.constant 2 : i32
      %mul3A_51 = arith.muli %mul3A_50, %scan3A_34 : i32
      %add3A_52 = arith.constant 1 : i32
      %add3A_53 = arith.addi %mul3A_51, %add3A_52 : i32
      %mul3A_54 = arith.constant 12800 : i32
      %mul3A_55 = arith.muli %add3A_53, %mul3A_54 : i32
      %add3A_56 = arith.addi %mul3A_2, %mul3A_55 : i32
      %dma_wait3A_57 = tpu.memref_slice %arg2[%add3A_56] : memref<102400000xf32, #tpu.memory_space<hbm>> -> memref<12800xf32, #tpu.memory_space<hbm>>
      %dma_wait3A_58 = tpu.memref_slice %arg2[%add3A_56] : memref<102400000xf32, #tpu.memory_space<hbm>> -> memref<12800xf32, #tpu.memory_space<hbm>>
      tpu.wait_dma2 semaphore(%arg10 : memref<!tpu.dma_semaphore, #tpu.memory_space<semaphore_mem>>) src(%dma_wait3A_58 : memref<12800xf32, #tpu.memory_space<hbm>>) dst(%arg6 : memref<12800xf32, #tpu.memory_space<vmem>>)
      %parallel_loop3A_59 = arith.constant 0 : i32
      %parallel_loop3A_60 = arith.constant 800 : i32
      %parallel_loop3A_61 = arith.constant 2 : i32
      scf.for %parallel_loop3A_70 = %parallel_loop3A_59 to %parallel_loop3A_60 step %parallel_loop3A_61  : i32 {
        %parallel_loop3A_71 = arith.constant 0 : i32
        %parallel_loop3A_72 = arith.addi %parallel_loop3A_70, %parallel_loop3A_71 : i32
        %parallel_loop3A_73 = arith.constant 16 : i32
        %parallel_loop3A_74 = arith.muli %parallel_loop3A_72, %parallel_loop3A_73 : i32
        %parallel_loop3A_75 = arith.index_cast %parallel_loop3A_74 : i32 to index
        %parallel_loop3A_76 = tpu.vector_load %arg6[%parallel_loop3A_75] {strides = array<i32>} : memref<12800xf32, #tpu.memory_space<vmem>>, vector<16xf32>,
        %parallel_loop3A_77 = tpu.bitcast %parallel_loop3A_76 : vector<16xf32> -> vector<16xi32>
        %parallel_loop3A_78 = arith.constant 31 : i32
        %parallel_loop3A_79 = vector.broadcast %parallel_loop3A_78 : i32 to vector<16xi32>
        %parallel_loop3A_80 = arith.shrsi %parallel_loop3A_77, %parallel_loop3A_79 : vector<16xi32>
        %parallel_loop3A_81 = arith.constant -2147483648 : i32
        %parallel_loop3A_82 = vector.broadcast %parallel_loop3A_81 : i32 to vector<16xi32>
        %parallel_loop3A_83 = arith.ori %parallel_loop3A_80, %parallel_loop3A_82 : vector<16xi32>
        %parallel_loop3A_84 = arith.xori %parallel_loop3A_77, %parallel_loop3A_83 : vector<16xi32>
        %parallel_loop3A_85 = tpu.bitcast %parallel_loop3A_84 : vector<16xi32> -> vector<16xi32>
        %parallel_loop3A_86 = arith.constant 10 : i32
        %parallel_loop3A_87 = vector.broadcast %parallel_loop3A_86 : i32 to vector<16xi32>
        %parallel_loop3A_88 = arith.shrui %parallel_loop3A_85, %parallel_loop3A_87 : vector<16xi32>
        %parallel_loop3A_89 = arith.constant 2047 : i32
        %parallel_loop3A_90 = vector.broadcast %parallel_loop3A_89 : i32 to vector<16xi32>
        %parallel_loop3A_91 = arith.andi %parallel_loop3A_88, %parallel_loop3A_90 : vector<16xi32>
        %parallel_loop3A_92 = tpu.bitcast %parallel_loop3A_91 : vector<16xi32> -> vector<16xi32>
        %parallel_loop3A_93 = arith.constant 32 : i32
        %parallel_loop3A_94 = vector.broadcast %parallel_loop3A_93 : i32 to vector<16xi32>
        %parallel_loop3A_95 = arith.muli %parallel_loop3A_92, %parallel_loop3A_94 : vector<16xi32>
        %parallel_loop3A_96 = arith.constant 0 : i32
        %parallel_loop3A_97 = vector.broadcast %parallel_loop3A_96 : i32 to vector<16xi32>
        %parallel_loop3A_98 = arith.addi %parallel_loop3A_97, %iota3A : vector<16xi32>
        %parallel_loop3A_99 = arith.addi %parallel_loop3A_95, %parallel_loop3A_98 : vector<16xi32>
        %parallel_loop3A_100 = arith.constant 21 : i32
        %parallel_loop3A_101 = vector.broadcast %parallel_loop3A_100 : i32 to vector<16xi32>
        %parallel_loop3A_102 = arith.shrui %parallel_loop3A_85, %parallel_loop3A_101 : vector<16xi32>
        %parallel_loop3A_103 = arith.cmpi eq, %parallel_loop3A_102, %bitcast_convert_type3A : vector<16xi32>
        tpu.vector_store_idx %arg7[%parallel_loop3A_99], %broadcast_in_dim3A_12 masked %parallel_loop3A_103 {add = true} : memref<65536xi32, #tpu.memory_space<vmem>>[vector<16xi32>], vector<16xi32>, vector<16xi1>
        %parallel_loop3A_104 = arith.constant 1 : i32
        %parallel_loop3A_105 = arith.addi %parallel_loop3A_70, %parallel_loop3A_104 : i32
        %parallel_loop3A_106 = arith.constant 16 : i32
        %parallel_loop3A_107 = arith.muli %parallel_loop3A_105, %parallel_loop3A_106 : i32
        %parallel_loop3A_108 = arith.index_cast %parallel_loop3A_107 : i32 to index
        %parallel_loop3A_109 = tpu.vector_load %arg6[%parallel_loop3A_108] {strides = array<i32>} : memref<12800xf32, #tpu.memory_space<vmem>>, vector<16xf32>,
        %parallel_loop3A_110 = tpu.bitcast %parallel_loop3A_109 : vector<16xf32> -> vector<16xi32>
        %parallel_loop3A_111 = arith.constant 31 : i32
        %parallel_loop3A_112 = vector.broadcast %parallel_loop3A_111 : i32 to vector<16xi32>
        %parallel_loop3A_113 = arith.shrsi %parallel_loop3A_110, %parallel_loop3A_112 : vector<16xi32>
        %parallel_loop3A_114 = arith.constant -2147483648 : i32
        %parallel_loop3A_115 = vector.broadcast %parallel_loop3A_114 : i32 to vector<16xi32>
        %parallel_loop3A_116 = arith.ori %parallel_loop3A_113, %parallel_loop3A_115 : vector<16xi32>
        %parallel_loop3A_117 = arith.xori %parallel_loop3A_110, %parallel_loop3A_116 : vector<16xi32>
        %parallel_loop3A_118 = tpu.bitcast %parallel_loop3A_117 : vector<16xi32> -> vector<16xi32>
        %parallel_loop3A_119 = arith.constant 10 : i32
        %parallel_loop3A_120 = vector.broadcast %parallel_loop3A_119 : i32 to vector<16xi32>
        %parallel_loop3A_121 = arith.shrui %parallel_loop3A_118, %parallel_loop3A_120 : vector<16xi32>
        %parallel_loop3A_122 = arith.constant 2047 : i32
        %parallel_loop3A_123 = vector.broadcast %parallel_loop3A_122 : i32 to vector<16xi32>
        %parallel_loop3A_124 = arith.andi %parallel_loop3A_121, %parallel_loop3A_123 : vector<16xi32>
        %parallel_loop3A_125 = tpu.bitcast %parallel_loop3A_124 : vector<16xi32> -> vector<16xi32>
        %parallel_loop3A_126 = arith.constant 32 : i32
        %parallel_loop3A_127 = vector.broadcast %parallel_loop3A_126 : i32 to vector<16xi32>
        %parallel_loop3A_128 = arith.muli %parallel_loop3A_125, %parallel_loop3A_127 : vector<16xi32>
        %parallel_loop3A_129 = arith.constant 16 : i32
        %parallel_loop3A_130 = vector.broadcast %parallel_loop3A_129 : i32 to vector<16xi32>
        %parallel_loop3A_131 = arith.addi %parallel_loop3A_130, %iota3A : vector<16xi32>
        %parallel_loop3A_132 = arith.addi %parallel_loop3A_128, %parallel_loop3A_131 : vector<16xi32>
        %parallel_loop3A_133 = arith.constant 21 : i32
        %parallel_loop3A_134 = vector.broadcast %parallel_loop3A_133 : i32 to vector<16xi32>
        %parallel_loop3A_135 = arith.shrui %parallel_loop3A_118, %parallel_loop3A_134 : vector<16xi32>
        %parallel_loop3A_136 = arith.cmpi eq, %parallel_loop3A_135, %bitcast_convert_type3A : vector<16xi32>
        tpu.vector_store_idx %arg7[%parallel_loop3A_132], %broadcast_in_dim3A_12 masked %parallel_loop3A_136 {add = true} : memref<65536xi32, #tpu.memory_space<vmem>>[vector<16xi32>], vector<16xi32>, vector<16xi1>
      } {sc.loop_unroll_factor = 5 : i64, sc.parallel_access}
      %add3A_62 = arith.constant 2 : i32
      %add3A_63 = arith.addi %add3A_53, %add3A_62 : i32
      %lt3A_64 = arith.constant 250 : i32
      %lt3A_65 = arith.cmpi slt, %add3A_63, %lt3A_64 : i32
      %convert_element_type3A_66 = arith.extui %lt3A_65 : i1 to i32
      %cond3A_67 = arith.constant 0 : i32
      %cond3A_68 = arith.cmpi ne, %convert_element_type3A_66, %cond3A_67 : i32
      scf.if %cond3A_68 {
        %add3A_70 = arith.constant 2 : i32
        %add3A_71 = arith.addi %add3A_53, %add3A_70 : i32
        %mul3A_72 = arith.constant 12800 : i32
        %mul3A_73 = arith.muli %add3A_71, %mul3A_72 : i32
        %add3A_74 = arith.addi %mul3A_2, %mul3A_73 : i32
        %dma_start3A_75 = tpu.memref_slice %arg2[%add3A_74] : memref<102400000xf32, #tpu.memory_space<hbm>> -> memref<12800xf32, #tpu.memory_space<hbm>>
        %dma_start3A_76 = tpu.memref_slice %arg2[%add3A_74] : memref<102400000xf32, #tpu.memory_space<hbm>> -> memref<12800xf32, #tpu.memory_space<hbm>>
        tpu.enqueue_dma source(%dma_start3A_76 : memref<12800xf32, #tpu.memory_space<hbm>>) target(%arg6 : memref<12800xf32, #tpu.memory_space<vmem>>) target_semaphore(%arg10 : memref<!tpu.dma_semaphore, #tpu.memory_space<semaphore_mem>>)
      } else {
      }
      %scan3A_69 = arith.constant 0 : i32
      scf.yield %scan3A_69 : i32
    }
    %scan3A_26 = arith.constant 125 : i32
    %scan3A_27 = arith.constant 0 : i32
    %scan3A_28 = arith.constant 0 : i32
    %scan3A_29 = arith.constant 2048 : i32
    %scan3A_30 = arith.addi %scan3A_28, %scan3A_29 : i32
    %scan3A_31 = arith.constant 1 : i32
    %scan3A_32 = scf.for %scan3A_34 = %scan3A_28 to %scan3A_30 step %scan3A_31 iter_args(%scan3A_35 = %scan3A_27) -> (i32)  : i32 {
      %mul3A_36 = arith.constant 32 : i32
      %mul3A_37 = arith.muli %scan3A_34, %mul3A_36 : i32
      %get3A_38 = arith.index_cast %mul3A_37 : i32 to index
      %get3A_39 = tpu.vector_load %arg7[%get3A_38] {strides = array<i32>} : memref<65536xi32, #tpu.memory_space<vmem>>, vector<16xi32>,
      %mul3A_40 = arith.constant 32 : i32
      %mul3A_41 = arith.muli %scan3A_34, %mul3A_40 : i32
      %add3A_42 = arith.constant 16 : i32
      %add3A_43 = arith.addi %mul3A_41, %add3A_42 : i32
      %get3A_44 = arith.index_cast %add3A_43 : i32 to index
      %get3A_45 = tpu.vector_load %arg7[%get3A_44] {strides = array<i32>} : memref<65536xi32, #tpu.memory_space<vmem>>, vector<16xi32>,
      %add3A_46 = arith.addi %get3A_39, %get3A_45 : vector<16xi32>
      %mul3A_47 = arith.constant 16 : i32
      %mul3A_48 = arith.muli %scan3A_34, %mul3A_47 : i32
      %swap3A = arith.index_cast %mul3A_48 : i32 to index
      %swap3A_49 = tpu.vector_load %arg8[%swap3A] {strides = array<i32>} : memref<32768xi32, #tpu.memory_space<vmem>>, vector<16xi32>,
      tpu.vector_store %arg8[%swap3A], %add3A_46 {strides = array<i32>} : memref<32768xi32, #tpu.memory_space<vmem>>, vector<16xi32>,
      %scan3A_50 = arith.constant 0 : i32
      scf.yield %scan3A_50 : i32
    }
    %scan3A_33 = arith.constant 2048 : i32
    "tpu.region"() ({
      %run_scoped3A = tpu.sem_alloc : memref<!tpu.dma_semaphore, #tpu.memory_space<semaphore_mem>>
      %dma_start3A_34 = arith.constant 0 : i32
      %dma_start3A_35 = tpu.memref_slice %arg4[%add3A, %dma_start3A_34] : memref<32x32768xi32, #tpu.memory_space<hbm>> -> memref<1x32768xi32, #tpu.memory_space<hbm>>
      %dma_start3A_36 = tpu.memref_squeeze %dma_start3A_35 : memref<1x32768xi32, #tpu.memory_space<hbm>> -> memref<32768xi32, #tpu.memory_space<hbm>>
      %dma_start3A_37 = arith.constant 0 : i32
      %dma_start3A_38 = tpu.memref_slice %arg4[%add3A, %dma_start3A_37] : memref<32x32768xi32, #tpu.memory_space<hbm>> -> memref<1x32768xi32, #tpu.memory_space<hbm>>
      %dma_start3A_39 = tpu.memref_squeeze %dma_start3A_38 : memref<1x32768xi32, #tpu.memory_space<hbm>> -> memref<32768xi32, #tpu.memory_space<hbm>>
      tpu.enqueue_dma source(%arg8 : memref<32768xi32, #tpu.memory_space<vmem>>) target(%dma_start3A_39 : memref<32768xi32, #tpu.memory_space<hbm>>) target_semaphore(%run_scoped3A : memref<!tpu.dma_semaphore, #tpu.memory_space<semaphore_mem>>)
      %dma_wait3A = arith.constant 0 : i32
      %dma_wait3A_40 = tpu.memref_slice %arg4[%add3A, %dma_wait3A] : memref<32x32768xi32, #tpu.memory_space<hbm>> -> memref<1x32768xi32, #tpu.memory_space<hbm>>
      %dma_wait3A_41 = tpu.memref_squeeze %dma_wait3A_40 : memref<1x32768xi32, #tpu.memory_space<hbm>> -> memref<32768xi32, #tpu.memory_space<hbm>>
      %dma_wait3A_42 = arith.constant 0 : i32
      %dma_wait3A_43 = tpu.memref_slice %arg4[%add3A, %dma_wait3A_42] : memref<32x32768xi32, #tpu.memory_space<hbm>> -> memref<1x32768xi32, #tpu.memory_space<hbm>>
      %dma_wait3A_44 = tpu.memref_squeeze %dma_wait3A_43 : memref<1x32768xi32, #tpu.memory_space<hbm>> -> memref<32768xi32, #tpu.memory_space<hbm>>
      tpu.wait_dma2 semaphore(%run_scoped3A : memref<!tpu.dma_semaphore, #tpu.memory_space<semaphore_mem>>) src(%arg8 : memref<32768xi32, #tpu.memory_space<vmem>>) dst(%dma_wait3A_44 : memref<32768xi32, #tpu.memory_space<hbm>>)
      tpu.yield
    }) : () -> ()
    return
  }
}

#map = affine_map<(d0, d1) -> (0)>
#map1 = affine_map<(d0, d1) -> (0, 0)>
module attributes {stable_mosaic.version = 14 : i64} {
  func.func @body(%arg0: i32, %arg1: i32, %arg2: memref<102400000xf32, #tpu.memory_space<hbm>>, %arg3: memref<16xi32, #tpu.memory_space<hbm>>, %arg4: memref<32x16384xi32, #tpu.memory_space<hbm>>, %arg5: memref<12800xf32, #tpu.memory_space<vmem>>, %arg6: memref<12800xf32, #tpu.memory_space<vmem>>, %arg7: memref<32768xi32, #tpu.memory_space<vmem>>, %arg8: memref<16384xi32, #tpu.memory_space<vmem>>, %arg9: memref<!tpu.dma_semaphore, #tpu.memory_space<semaphore_mem>>, %arg10: memref<!tpu.dma_semaphore, #tpu.memory_space<semaphore_mem>>, %arg11: memref<16xi32, #tpu.memory_space<vmem>>) attributes {dimension_semantics = [#tpu.dimension_semantics<core_parallel>, #tpu.dimension_semantics<subcore_parallel>], iteration_bounds = array<i64: 2, 16>, scalar_prefetch = 0 : i64, scratch_operands = 7 : i64, tpu.core_type = #tpu.core_type<sc_vector_subcore>, window_params = [{transform_indices = #map}, {transform_indices = #map}, {transform_indices = #map1}]} {
    %mul3A = arith.constant 2 : i32
    %mul3A_0 = arith.muli %arg1, %mul3A : i32
    %add3A = arith.addi %mul3A_0, %arg0 : i32
    %mul3A_1 = arith.constant 3200000 : i32
    %mul3A_2 = arith.muli %add3A, %mul3A_1 : i32
    %broadcast_in_dim3A = arith.constant 0 : i32
    %broadcast_in_dim3A_3 = vector.broadcast %broadcast_in_dim3A : i32 to vector<16xi32>
    %scan3A = arith.constant 0 : i32
    %scan3A_4 = arith.constant 0 : i32
    %scan3A_5 = arith.constant 2048 : i32
    %scan3A_6 = arith.addi %scan3A_4, %scan3A_5 : i32
    %scan3A_7 = arith.constant 1 : i32
    %scan3A_8 = scf.for %scan3A_34 = %scan3A_4 to %scan3A_6 step %scan3A_7 iter_args(%scan3A_35 = %scan3A) -> (i32)  : i32 {
      %mul3A_36 = arith.constant 16 : i32
      %mul3A_37 = arith.muli %scan3A_34, %mul3A_36 : i32
      %swap3A = arith.index_cast %mul3A_37 : i32 to index
      %swap3A_38 = tpu.vector_load %arg7[%swap3A] {strides = array<i32>} : memref<32768xi32, #tpu.memory_space<vmem>>, vector<16xi32>,
      tpu.vector_store %arg7[%swap3A], %broadcast_in_dim3A_3 {strides = array<i32>} : memref<32768xi32, #tpu.memory_space<vmem>>, vector<16xi32>,
      %scan3A_39 = arith.constant 0 : i32
      scf.yield %scan3A_39 : i32
    }
    %scan3A_9 = arith.constant 2048 : i32
    "tpu.region"() ({
      %run_scoped3A = tpu.sem_alloc : memref<!tpu.dma_semaphore, #tpu.memory_space<semaphore_mem>>
      tpu.enqueue_dma source(%arg3 : memref<16xi32, #tpu.memory_space<hbm>>) target(%arg11 : memref<16xi32, #tpu.memory_space<vmem>>) target_semaphore(%run_scoped3A : memref<!tpu.dma_semaphore, #tpu.memory_space<semaphore_mem>>)
      tpu.wait_dma2 semaphore(%run_scoped3A : memref<!tpu.dma_semaphore, #tpu.memory_space<semaphore_mem>>) src(%arg3 : memref<16xi32, #tpu.memory_space<hbm>>) dst(%arg11 : memref<16xi32, #tpu.memory_space<vmem>>)
      tpu.yield
    }) : () -> ()
    %get3A = arith.constant 0 : index
    %get3A_10 = tpu.vector_load %arg11[%get3A] {strides = array<i32>} : memref<16xi32, #tpu.memory_space<vmem>>, vector<16xi32>,
    %bitcast_convert_type3A = tpu.bitcast %get3A_10 : vector<16xi32> -> vector<16xi32>
    %iota3A = tpu.iota {dimensions = array<i32: 0>} : vector<16xi32>
    %broadcast_in_dim3A_11 = arith.constant 1 : i32
    %broadcast_in_dim3A_12 = vector.broadcast %broadcast_in_dim3A_11 : i32 to vector<16xi32>
    %add3A_13 = arith.constant 0 : i32
    %add3A_14 = arith.addi %mul3A_2, %add3A_13 : i32
    %dma_start3A = tpu.memref_slice %arg2[%add3A_14] : memref<102400000xf32, #tpu.memory_space<hbm>> -> memref<12800xf32, #tpu.memory_space<hbm>>
    %dma_start3A_15 = tpu.memref_slice %arg2[%add3A_14] : memref<102400000xf32, #tpu.memory_space<hbm>> -> memref<12800xf32, #tpu.memory_space<hbm>>
    tpu.enqueue_dma source(%dma_start3A_15 : memref<12800xf32, #tpu.memory_space<hbm>>) target(%arg5 : memref<12800xf32, #tpu.memory_space<vmem>>) target_semaphore(%arg9 : memref<!tpu.dma_semaphore, #tpu.memory_space<semaphore_mem>>)
    %add3A_16 = arith.constant 12800 : i32
    %add3A_17 = arith.addi %mul3A_2, %add3A_16 : i32
    %dma_start3A_18 = tpu.memref_slice %arg2[%add3A_17] : memref<102400000xf32, #tpu.memory_space<hbm>> -> memref<12800xf32, #tpu.memory_space<hbm>>
    %dma_start3A_19 = tpu.memref_slice %arg2[%add3A_17] : memref<102400000xf32, #tpu.memory_space<hbm>> -> memref<12800xf32, #tpu.memory_space<hbm>>
    tpu.enqueue_dma source(%dma_start3A_19 : memref<12800xf32, #tpu.memory_space<hbm>>) target(%arg6 : memref<12800xf32, #tpu.memory_space<vmem>>) target_semaphore(%arg10 : memref<!tpu.dma_semaphore, #tpu.memory_space<semaphore_mem>>)
    %scan3A_20 = arith.constant 0 : i32
    %scan3A_21 = arith.constant 0 : i32
    %scan3A_22 = arith.constant 125 : i32
    %scan3A_23 = arith.addi %scan3A_21, %scan3A_22 : i32
    %scan3A_24 = arith.constant 1 : i32
    %scan3A_25 = scf.for %scan3A_34 = %scan3A_21 to %scan3A_23 step %scan3A_24 iter_args(%scan3A_35 = %scan3A_20) -> (i32)  : i32 {
      %mul3A_36 = arith.constant 2 : i32
      %mul3A_37 = arith.muli %mul3A_36, %scan3A_34 : i32
      %add3A_38 = arith.constant 0 : i32
      %add3A_39 = arith.addi %mul3A_37, %add3A_38 : i32
      %mul3A_40 = arith.constant 12800 : i32
      %mul3A_41 = arith.muli %add3A_39, %mul3A_40 : i32
      %add3A_42 = arith.addi %mul3A_2, %mul3A_41 : i32
      %dma_wait3A = tpu.memref_slice %arg2[%add3A_42] : memref<102400000xf32, #tpu.memory_space<hbm>> -> memref<12800xf32, #tpu.memory_space<hbm>>
      %dma_wait3A_43 = tpu.memref_slice %arg2[%add3A_42] : memref<102400000xf32, #tpu.memory_space<hbm>> -> memref<12800xf32, #tpu.memory_space<hbm>>
      tpu.wait_dma2 semaphore(%arg9 : memref<!tpu.dma_semaphore, #tpu.memory_space<semaphore_mem>>) src(%dma_wait3A_43 : memref<12800xf32, #tpu.memory_space<hbm>>) dst(%arg5 : memref<12800xf32, #tpu.memory_space<vmem>>)
      %parallel_loop3A = arith.constant 0 : i32
      %parallel_loop3A_44 = arith.constant 800 : i32
      %parallel_loop3A_45 = arith.constant 2 : i32
      scf.for %parallel_loop3A_70 = %parallel_loop3A to %parallel_loop3A_44 step %parallel_loop3A_45  : i32 {
        %parallel_loop3A_71 = arith.constant 0 : i32
        %parallel_loop3A_72 = arith.addi %parallel_loop3A_70, %parallel_loop3A_71 : i32
        %parallel_loop3A_73 = arith.constant 16 : i32
        %parallel_loop3A_74 = arith.muli %parallel_loop3A_72, %parallel_loop3A_73 : i32
        %parallel_loop3A_75 = arith.index_cast %parallel_loop3A_74 : i32 to index
        %parallel_loop3A_76 = tpu.vector_load %arg5[%parallel_loop3A_75] {strides = array<i32>} : memref<12800xf32, #tpu.memory_space<vmem>>, vector<16xf32>,
        %parallel_loop3A_77 = tpu.bitcast %parallel_loop3A_76 : vector<16xf32> -> vector<16xi32>
        %parallel_loop3A_78 = arith.constant 31 : i32
        %parallel_loop3A_79 = vector.broadcast %parallel_loop3A_78 : i32 to vector<16xi32>
        %parallel_loop3A_80 = arith.shrsi %parallel_loop3A_77, %parallel_loop3A_79 : vector<16xi32>
        %parallel_loop3A_81 = arith.constant -2147483648 : i32
        %parallel_loop3A_82 = vector.broadcast %parallel_loop3A_81 : i32 to vector<16xi32>
        %parallel_loop3A_83 = arith.ori %parallel_loop3A_80, %parallel_loop3A_82 : vector<16xi32>
        %parallel_loop3A_84 = arith.xori %parallel_loop3A_77, %parallel_loop3A_83 : vector<16xi32>
        %parallel_loop3A_85 = tpu.bitcast %parallel_loop3A_84 : vector<16xi32> -> vector<16xi32>
        %parallel_loop3A_86 = arith.constant 0 : i32
        %parallel_loop3A_87 = vector.broadcast %parallel_loop3A_86 : i32 to vector<16xi32>
        %parallel_loop3A_88 = arith.shrui %parallel_loop3A_85, %parallel_loop3A_87 : vector<16xi32>
        %parallel_loop3A_89 = arith.constant 1023 : i32
        %parallel_loop3A_90 = vector.broadcast %parallel_loop3A_89 : i32 to vector<16xi32>
        %parallel_loop3A_91 = arith.andi %parallel_loop3A_88, %parallel_loop3A_90 : vector<16xi32>
        %parallel_loop3A_92 = tpu.bitcast %parallel_loop3A_91 : vector<16xi32> -> vector<16xi32>
        %parallel_loop3A_93 = arith.constant 32 : i32
        %parallel_loop3A_94 = vector.broadcast %parallel_loop3A_93 : i32 to vector<16xi32>
        %parallel_loop3A_95 = arith.muli %parallel_loop3A_92, %parallel_loop3A_94 : vector<16xi32>
        %parallel_loop3A_96 = arith.constant 0 : i32
        %parallel_loop3A_97 = vector.broadcast %parallel_loop3A_96 : i32 to vector<16xi32>
        %parallel_loop3A_98 = arith.addi %parallel_loop3A_97, %iota3A : vector<16xi32>
        %parallel_loop3A_99 = arith.addi %parallel_loop3A_95, %parallel_loop3A_98 : vector<16xi32>
        %parallel_loop3A_100 = arith.constant 10 : i32
        %parallel_loop3A_101 = vector.broadcast %parallel_loop3A_100 : i32 to vector<16xi32>
        %parallel_loop3A_102 = arith.shrui %parallel_loop3A_85, %parallel_loop3A_101 : vector<16xi32>
        %parallel_loop3A_103 = arith.cmpi eq, %parallel_loop3A_102, %bitcast_convert_type3A : vector<16xi32>
        tpu.vector_store_idx %arg7[%parallel_loop3A_99], %broadcast_in_dim3A_12 masked %parallel_loop3A_103 {add = true} : memref<32768xi32, #tpu.memory_space<vmem>>[vector<16xi32>], vector<16xi32>, vector<16xi1>
        %parallel_loop3A_104 = arith.constant 1 : i32
        %parallel_loop3A_105 = arith.addi %parallel_loop3A_70, %parallel_loop3A_104 : i32
        %parallel_loop3A_106 = arith.constant 16 : i32
        %parallel_loop3A_107 = arith.muli %parallel_loop3A_105, %parallel_loop3A_106 : i32
        %parallel_loop3A_108 = arith.index_cast %parallel_loop3A_107 : i32 to index
        %parallel_loop3A_109 = tpu.vector_load %arg5[%parallel_loop3A_108] {strides = array<i32>} : memref<12800xf32, #tpu.memory_space<vmem>>, vector<16xf32>,
        %parallel_loop3A_110 = tpu.bitcast %parallel_loop3A_109 : vector<16xf32> -> vector<16xi32>
        %parallel_loop3A_111 = arith.constant 31 : i32
        %parallel_loop3A_112 = vector.broadcast %parallel_loop3A_111 : i32 to vector<16xi32>
        %parallel_loop3A_113 = arith.shrsi %parallel_loop3A_110, %parallel_loop3A_112 : vector<16xi32>
        %parallel_loop3A_114 = arith.constant -2147483648 : i32
        %parallel_loop3A_115 = vector.broadcast %parallel_loop3A_114 : i32 to vector<16xi32>
        %parallel_loop3A_116 = arith.ori %parallel_loop3A_113, %parallel_loop3A_115 : vector<16xi32>
        %parallel_loop3A_117 = arith.xori %parallel_loop3A_110, %parallel_loop3A_116 : vector<16xi32>
        %parallel_loop3A_118 = tpu.bitcast %parallel_loop3A_117 : vector<16xi32> -> vector<16xi32>
        %parallel_loop3A_119 = arith.constant 0 : i32
        %parallel_loop3A_120 = vector.broadcast %parallel_loop3A_119 : i32 to vector<16xi32>
        %parallel_loop3A_121 = arith.shrui %parallel_loop3A_118, %parallel_loop3A_120 : vector<16xi32>
        %parallel_loop3A_122 = arith.constant 1023 : i32
        %parallel_loop3A_123 = vector.broadcast %parallel_loop3A_122 : i32 to vector<16xi32>
        %parallel_loop3A_124 = arith.andi %parallel_loop3A_121, %parallel_loop3A_123 : vector<16xi32>
        %parallel_loop3A_125 = tpu.bitcast %parallel_loop3A_124 : vector<16xi32> -> vector<16xi32>
        %parallel_loop3A_126 = arith.constant 32 : i32
        %parallel_loop3A_127 = vector.broadcast %parallel_loop3A_126 : i32 to vector<16xi32>
        %parallel_loop3A_128 = arith.muli %parallel_loop3A_125, %parallel_loop3A_127 : vector<16xi32>
        %parallel_loop3A_129 = arith.constant 16 : i32
        %parallel_loop3A_130 = vector.broadcast %parallel_loop3A_129 : i32 to vector<16xi32>
        %parallel_loop3A_131 = arith.addi %parallel_loop3A_130, %iota3A : vector<16xi32>
        %parallel_loop3A_132 = arith.addi %parallel_loop3A_128, %parallel_loop3A_131 : vector<16xi32>
        %parallel_loop3A_133 = arith.constant 10 : i32
        %parallel_loop3A_134 = vector.broadcast %parallel_loop3A_133 : i32 to vector<16xi32>
        %parallel_loop3A_135 = arith.shrui %parallel_loop3A_118, %parallel_loop3A_134 : vector<16xi32>
        %parallel_loop3A_136 = arith.cmpi eq, %parallel_loop3A_135, %bitcast_convert_type3A : vector<16xi32>
        tpu.vector_store_idx %arg7[%parallel_loop3A_132], %broadcast_in_dim3A_12 masked %parallel_loop3A_136 {add = true} : memref<32768xi32, #tpu.memory_space<vmem>>[vector<16xi32>], vector<16xi32>, vector<16xi1>
      } {sc.loop_unroll_factor = 5 : i64, sc.parallel_access}
      %add3A_46 = arith.constant 2 : i32
      %add3A_47 = arith.addi %add3A_39, %add3A_46 : i32
      %lt3A = arith.constant 250 : i32
      %lt3A_48 = arith.cmpi slt, %add3A_47, %lt3A : i32
      %convert_element_type3A = arith.extui %lt3A_48 : i1 to i32
      %cond3A = arith.constant 0 : i32
      %cond3A_49 = arith.cmpi ne, %convert_element_type3A, %cond3A : i32
      scf.if %cond3A_49 {
        %add3A_70 = arith.constant 2 : i32
        %add3A_71 = arith.addi %add3A_39, %add3A_70 : i32
        %mul3A_72 = arith.constant 12800 : i32
        %mul3A_73 = arith.muli %add3A_71, %mul3A_72 : i32
        %add3A_74 = arith.addi %mul3A_2, %mul3A_73 : i32
        %dma_start3A_75 = tpu.memref_slice %arg2[%add3A_74] : memref<102400000xf32, #tpu.memory_space<hbm>> -> memref<12800xf32, #tpu.memory_space<hbm>>
        %dma_start3A_76 = tpu.memref_slice %arg2[%add3A_74] : memref<102400000xf32, #tpu.memory_space<hbm>> -> memref<12800xf32, #tpu.memory_space<hbm>>
        tpu.enqueue_dma source(%dma_start3A_76 : memref<12800xf32, #tpu.memory_space<hbm>>) target(%arg5 : memref<12800xf32, #tpu.memory_space<vmem>>) target_semaphore(%arg9 : memref<!tpu.dma_semaphore, #tpu.memory_space<semaphore_mem>>)
      } else {
      }
      %mul3A_50 = arith.constant 2 : i32
      %mul3A_51 = arith.muli %mul3A_50, %scan3A_34 : i32
      %add3A_52 = arith.constant 1 : i32
      %add3A_53 = arith.addi %mul3A_51, %add3A_52 : i32
      %mul3A_54 = arith.constant 12800 : i32
      %mul3A_55 = arith.muli %add3A_53, %mul3A_54 : i32
      %add3A_56 = arith.addi %mul3A_2, %mul3A_55 : i32
      %dma_wait3A_57 = tpu.memref_slice %arg2[%add3A_56] : memref<102400000xf32, #tpu.memory_space<hbm>> -> memref<12800xf32, #tpu.memory_space<hbm>>
      %dma_wait3A_58 = tpu.memref_slice %arg2[%add3A_56] : memref<102400000xf32, #tpu.memory_space<hbm>> -> memref<12800xf32, #tpu.memory_space<hbm>>
      tpu.wait_dma2 semaphore(%arg10 : memref<!tpu.dma_semaphore, #tpu.memory_space<semaphore_mem>>) src(%dma_wait3A_58 : memref<12800xf32, #tpu.memory_space<hbm>>) dst(%arg6 : memref<12800xf32, #tpu.memory_space<vmem>>)
      %parallel_loop3A_59 = arith.constant 0 : i32
      %parallel_loop3A_60 = arith.constant 800 : i32
      %parallel_loop3A_61 = arith.constant 2 : i32
      scf.for %parallel_loop3A_70 = %parallel_loop3A_59 to %parallel_loop3A_60 step %parallel_loop3A_61  : i32 {
        %parallel_loop3A_71 = arith.constant 0 : i32
        %parallel_loop3A_72 = arith.addi %parallel_loop3A_70, %parallel_loop3A_71 : i32
        %parallel_loop3A_73 = arith.constant 16 : i32
        %parallel_loop3A_74 = arith.muli %parallel_loop3A_72, %parallel_loop3A_73 : i32
        %parallel_loop3A_75 = arith.index_cast %parallel_loop3A_74 : i32 to index
        %parallel_loop3A_76 = tpu.vector_load %arg6[%parallel_loop3A_75] {strides = array<i32>} : memref<12800xf32, #tpu.memory_space<vmem>>, vector<16xf32>,
        %parallel_loop3A_77 = tpu.bitcast %parallel_loop3A_76 : vector<16xf32> -> vector<16xi32>
        %parallel_loop3A_78 = arith.constant 31 : i32
        %parallel_loop3A_79 = vector.broadcast %parallel_loop3A_78 : i32 to vector<16xi32>
        %parallel_loop3A_80 = arith.shrsi %parallel_loop3A_77, %parallel_loop3A_79 : vector<16xi32>
        %parallel_loop3A_81 = arith.constant -2147483648 : i32
        %parallel_loop3A_82 = vector.broadcast %parallel_loop3A_81 : i32 to vector<16xi32>
        %parallel_loop3A_83 = arith.ori %parallel_loop3A_80, %parallel_loop3A_82 : vector<16xi32>
        %parallel_loop3A_84 = arith.xori %parallel_loop3A_77, %parallel_loop3A_83 : vector<16xi32>
        %parallel_loop3A_85 = tpu.bitcast %parallel_loop3A_84 : vector<16xi32> -> vector<16xi32>
        %parallel_loop3A_86 = arith.constant 0 : i32
        %parallel_loop3A_87 = vector.broadcast %parallel_loop3A_86 : i32 to vector<16xi32>
        %parallel_loop3A_88 = arith.shrui %parallel_loop3A_85, %parallel_loop3A_87 : vector<16xi32>
        %parallel_loop3A_89 = arith.constant 1023 : i32
        %parallel_loop3A_90 = vector.broadcast %parallel_loop3A_89 : i32 to vector<16xi32>
        %parallel_loop3A_91 = arith.andi %parallel_loop3A_88, %parallel_loop3A_90 : vector<16xi32>
        %parallel_loop3A_92 = tpu.bitcast %parallel_loop3A_91 : vector<16xi32> -> vector<16xi32>
        %parallel_loop3A_93 = arith.constant 32 : i32
        %parallel_loop3A_94 = vector.broadcast %parallel_loop3A_93 : i32 to vector<16xi32>
        %parallel_loop3A_95 = arith.muli %parallel_loop3A_92, %parallel_loop3A_94 : vector<16xi32>
        %parallel_loop3A_96 = arith.constant 0 : i32
        %parallel_loop3A_97 = vector.broadcast %parallel_loop3A_96 : i32 to vector<16xi32>
        %parallel_loop3A_98 = arith.addi %parallel_loop3A_97, %iota3A : vector<16xi32>
        %parallel_loop3A_99 = arith.addi %parallel_loop3A_95, %parallel_loop3A_98 : vector<16xi32>
        %parallel_loop3A_100 = arith.constant 10 : i32
        %parallel_loop3A_101 = vector.broadcast %parallel_loop3A_100 : i32 to vector<16xi32>
        %parallel_loop3A_102 = arith.shrui %parallel_loop3A_85, %parallel_loop3A_101 : vector<16xi32>
        %parallel_loop3A_103 = arith.cmpi eq, %parallel_loop3A_102, %bitcast_convert_type3A : vector<16xi32>
        tpu.vector_store_idx %arg7[%parallel_loop3A_99], %broadcast_in_dim3A_12 masked %parallel_loop3A_103 {add = true} : memref<32768xi32, #tpu.memory_space<vmem>>[vector<16xi32>], vector<16xi32>, vector<16xi1>
        %parallel_loop3A_104 = arith.constant 1 : i32
        %parallel_loop3A_105 = arith.addi %parallel_loop3A_70, %parallel_loop3A_104 : i32
        %parallel_loop3A_106 = arith.constant 16 : i32
        %parallel_loop3A_107 = arith.muli %parallel_loop3A_105, %parallel_loop3A_106 : i32
        %parallel_loop3A_108 = arith.index_cast %parallel_loop3A_107 : i32 to index
        %parallel_loop3A_109 = tpu.vector_load %arg6[%parallel_loop3A_108] {strides = array<i32>} : memref<12800xf32, #tpu.memory_space<vmem>>, vector<16xf32>,
        %parallel_loop3A_110 = tpu.bitcast %parallel_loop3A_109 : vector<16xf32> -> vector<16xi32>
        %parallel_loop3A_111 = arith.constant 31 : i32
        %parallel_loop3A_112 = vector.broadcast %parallel_loop3A_111 : i32 to vector<16xi32>
        %parallel_loop3A_113 = arith.shrsi %parallel_loop3A_110, %parallel_loop3A_112 : vector<16xi32>
        %parallel_loop3A_114 = arith.constant -2147483648 : i32
        %parallel_loop3A_115 = vector.broadcast %parallel_loop3A_114 : i32 to vector<16xi32>
        %parallel_loop3A_116 = arith.ori %parallel_loop3A_113, %parallel_loop3A_115 : vector<16xi32>
        %parallel_loop3A_117 = arith.xori %parallel_loop3A_110, %parallel_loop3A_116 : vector<16xi32>
        %parallel_loop3A_118 = tpu.bitcast %parallel_loop3A_117 : vector<16xi32> -> vector<16xi32>
        %parallel_loop3A_119 = arith.constant 0 : i32
        %parallel_loop3A_120 = vector.broadcast %parallel_loop3A_119 : i32 to vector<16xi32>
        %parallel_loop3A_121 = arith.shrui %parallel_loop3A_118, %parallel_loop3A_120 : vector<16xi32>
        %parallel_loop3A_122 = arith.constant 1023 : i32
        %parallel_loop3A_123 = vector.broadcast %parallel_loop3A_122 : i32 to vector<16xi32>
        %parallel_loop3A_124 = arith.andi %parallel_loop3A_121, %parallel_loop3A_123 : vector<16xi32>
        %parallel_loop3A_125 = tpu.bitcast %parallel_loop3A_124 : vector<16xi32> -> vector<16xi32>
        %parallel_loop3A_126 = arith.constant 32 : i32
        %parallel_loop3A_127 = vector.broadcast %parallel_loop3A_126 : i32 to vector<16xi32>
        %parallel_loop3A_128 = arith.muli %parallel_loop3A_125, %parallel_loop3A_127 : vector<16xi32>
        %parallel_loop3A_129 = arith.constant 16 : i32
        %parallel_loop3A_130 = vector.broadcast %parallel_loop3A_129 : i32 to vector<16xi32>
        %parallel_loop3A_131 = arith.addi %parallel_loop3A_130, %iota3A : vector<16xi32>
        %parallel_loop3A_132 = arith.addi %parallel_loop3A_128, %parallel_loop3A_131 : vector<16xi32>
        %parallel_loop3A_133 = arith.constant 10 : i32
        %parallel_loop3A_134 = vector.broadcast %parallel_loop3A_133 : i32 to vector<16xi32>
        %parallel_loop3A_135 = arith.shrui %parallel_loop3A_118, %parallel_loop3A_134 : vector<16xi32>
        %parallel_loop3A_136 = arith.cmpi eq, %parallel_loop3A_135, %bitcast_convert_type3A : vector<16xi32>
        tpu.vector_store_idx %arg7[%parallel_loop3A_132], %broadcast_in_dim3A_12 masked %parallel_loop3A_136 {add = true} : memref<32768xi32, #tpu.memory_space<vmem>>[vector<16xi32>], vector<16xi32>, vector<16xi1>
      } {sc.loop_unroll_factor = 5 : i64, sc.parallel_access}
      %add3A_62 = arith.constant 2 : i32
      %add3A_63 = arith.addi %add3A_53, %add3A_62 : i32
      %lt3A_64 = arith.constant 250 : i32
      %lt3A_65 = arith.cmpi slt, %add3A_63, %lt3A_64 : i32
      %convert_element_type3A_66 = arith.extui %lt3A_65 : i1 to i32
      %cond3A_67 = arith.constant 0 : i32
      %cond3A_68 = arith.cmpi ne, %convert_element_type3A_66, %cond3A_67 : i32
      scf.if %cond3A_68 {
        %add3A_70 = arith.constant 2 : i32
        %add3A_71 = arith.addi %add3A_53, %add3A_70 : i32
        %mul3A_72 = arith.constant 12800 : i32
        %mul3A_73 = arith.muli %add3A_71, %mul3A_72 : i32
        %add3A_74 = arith.addi %mul3A_2, %mul3A_73 : i32
        %dma_start3A_75 = tpu.memref_slice %arg2[%add3A_74] : memref<102400000xf32, #tpu.memory_space<hbm>> -> memref<12800xf32, #tpu.memory_space<hbm>>
        %dma_start3A_76 = tpu.memref_slice %arg2[%add3A_74] : memref<102400000xf32, #tpu.memory_space<hbm>> -> memref<12800xf32, #tpu.memory_space<hbm>>
        tpu.enqueue_dma source(%dma_start3A_76 : memref<12800xf32, #tpu.memory_space<hbm>>) target(%arg6 : memref<12800xf32, #tpu.memory_space<vmem>>) target_semaphore(%arg10 : memref<!tpu.dma_semaphore, #tpu.memory_space<semaphore_mem>>)
      } else {
      }
      %scan3A_69 = arith.constant 0 : i32
      scf.yield %scan3A_69 : i32
    }
    %scan3A_26 = arith.constant 125 : i32
    %scan3A_27 = arith.constant 0 : i32
    %scan3A_28 = arith.constant 0 : i32
    %scan3A_29 = arith.constant 1024 : i32
    %scan3A_30 = arith.addi %scan3A_28, %scan3A_29 : i32
    %scan3A_31 = arith.constant 1 : i32
    %scan3A_32 = scf.for %scan3A_34 = %scan3A_28 to %scan3A_30 step %scan3A_31 iter_args(%scan3A_35 = %scan3A_27) -> (i32)  : i32 {
      %mul3A_36 = arith.constant 32 : i32
      %mul3A_37 = arith.muli %scan3A_34, %mul3A_36 : i32
      %get3A_38 = arith.index_cast %mul3A_37 : i32 to index
      %get3A_39 = tpu.vector_load %arg7[%get3A_38] {strides = array<i32>} : memref<32768xi32, #tpu.memory_space<vmem>>, vector<16xi32>,
      %mul3A_40 = arith.constant 32 : i32
      %mul3A_41 = arith.muli %scan3A_34, %mul3A_40 : i32
      %add3A_42 = arith.constant 16 : i32
      %add3A_43 = arith.addi %mul3A_41, %add3A_42 : i32
      %get3A_44 = arith.index_cast %add3A_43 : i32 to index
      %get3A_45 = tpu.vector_load %arg7[%get3A_44] {strides = array<i32>} : memref<32768xi32, #tpu.memory_space<vmem>>, vector<16xi32>,
      %add3A_46 = arith.addi %get3A_39, %get3A_45 : vector<16xi32>
      %mul3A_47 = arith.constant 16 : i32
      %mul3A_48 = arith.muli %scan3A_34, %mul3A_47 : i32
      %swap3A = arith.index_cast %mul3A_48 : i32 to index
      %swap3A_49 = tpu.vector_load %arg8[%swap3A] {strides = array<i32>} : memref<16384xi32, #tpu.memory_space<vmem>>, vector<16xi32>,
      tpu.vector_store %arg8[%swap3A], %add3A_46 {strides = array<i32>} : memref<16384xi32, #tpu.memory_space<vmem>>, vector<16xi32>,
      %scan3A_50 = arith.constant 0 : i32
      scf.yield %scan3A_50 : i32
    }
    %scan3A_33 = arith.constant 1024 : i32
    "tpu.region"() ({
      %run_scoped3A = tpu.sem_alloc : memref<!tpu.dma_semaphore, #tpu.memory_space<semaphore_mem>>
      %dma_start3A_34 = arith.constant 0 : i32
      %dma_start3A_35 = tpu.memref_slice %arg4[%add3A, %dma_start3A_34] : memref<32x16384xi32, #tpu.memory_space<hbm>> -> memref<1x16384xi32, #tpu.memory_space<hbm>>
      %dma_start3A_36 = tpu.memref_squeeze %dma_start3A_35 : memref<1x16384xi32, #tpu.memory_space<hbm>> -> memref<16384xi32, #tpu.memory_space<hbm>>
      %dma_start3A_37 = arith.constant 0 : i32
      %dma_start3A_38 = tpu.memref_slice %arg4[%add3A, %dma_start3A_37] : memref<32x16384xi32, #tpu.memory_space<hbm>> -> memref<1x16384xi32, #tpu.memory_space<hbm>>
      %dma_start3A_39 = tpu.memref_squeeze %dma_start3A_38 : memref<1x16384xi32, #tpu.memory_space<hbm>> -> memref<16384xi32, #tpu.memory_space<hbm>>
      tpu.enqueue_dma source(%arg8 : memref<16384xi32, #tpu.memory_space<vmem>>) target(%dma_start3A_39 : memref<16384xi32, #tpu.memory_space<hbm>>) target_semaphore(%run_scoped3A : memref<!tpu.dma_semaphore, #tpu.memory_space<semaphore_mem>>)
      %dma_wait3A = arith.constant 0 : i32
      %dma_wait3A_40 = tpu.memref_slice %arg4[%add3A, %dma_wait3A] : memref<32x16384xi32, #tpu.memory_space<hbm>> -> memref<1x16384xi32, #tpu.memory_space<hbm>>
      %dma_wait3A_41 = tpu.memref_squeeze %dma_wait3A_40 : memref<1x16384xi32, #tpu.memory_space<hbm>> -> memref<16384xi32, #tpu.memory_space<hbm>>
      %dma_wait3A_42 = arith.constant 0 : i32
      %dma_wait3A_43 = tpu.memref_slice %arg4[%add3A, %dma_wait3A_42] : memref<32x16384xi32, #tpu.memory_space<hbm>> -> memref<1x16384xi32, #tpu.memory_space<hbm>>
      %dma_wait3A_44 = tpu.memref_squeeze %dma_wait3A_43 : memref<1x16384xi32, #tpu.memory_space<hbm>> -> memref<16384xi32, #tpu.memory_space<hbm>>
      tpu.wait_dma2 semaphore(%run_scoped3A : memref<!tpu.dma_semaphore, #tpu.memory_space<semaphore_mem>>) src(%arg8 : memref<16384xi32, #tpu.memory_space<vmem>>) dst(%dma_wait3A_44 : memref<16384xi32, #tpu.memory_space<hbm>>)
      tpu.yield
    }) : () -> ()
    return
  }
}

module attributes {stable_mosaic.version = 14 : i64} {
  func.func @_mask_body(%arg0: i32, %arg1: i32, %arg2: memref<128x12800xf32, #tpu.memory_space<vmem>>, %arg3: memref<1xf32, #tpu.memory_space<smem>>, %arg4: memref<128x12800xf32, #tpu.memory_space<vmem>>) attributes {dimension_semantics = [#tpu.dimension_semantics<arbitrary>, #tpu.dimension_semantics<arbitrary>], iteration_bounds = array<i64: 8, 8>, scalar_prefetch = 0 : i64, scratch_operands = 0 : i64, tpu.core_type = #tpu.core_type<tc>, window_params = [{transform_indices = @transform_0, window_bounds = array<i64: 128, 12800>}, {transform_indices = @transform_1, window_bounds = array<i64: 1>}, {transform_indices = @transform_2, window_bounds = array<i64: 128, 12800>}]} {
    %get3A = arith.constant 0 : index
    %get3A_0 = memref.load %arg3[%get3A] : memref<1xf32, #tpu.memory_space<smem>>
    %get3A_1 = arith.constant 0 : index
    %get3A_2 = arith.constant 0 : index
    %get3A_3 = vector.load %arg2[%get3A_1, %get3A_2] : memref<128x12800xf32, #tpu.memory_space<vmem>>, vector<128x12800xf32>
    %max3A = arith.constant 0.000000e+00 : f32
    %max3A_4 = vector.broadcast %max3A : f32 to vector<128x12800xf32>
    %max3A_5 = arith.maximumf %get3A_3, %max3A_4 : vector<128x12800xf32>
    %ge3A = vector.broadcast %get3A_0 : f32 to vector<128x12800xf32>
    %ge3A_6 = arith.cmpf oge, %get3A_3, %ge3A : vector<128x12800xf32>
    %convert_element_type3A = arith.extui %ge3A_6 : vector<128x12800xi1> to vector<128x12800xi32>
    %convert_element_type3A_7 = arith.sitofp %convert_element_type3A : vector<128x12800xi32> to vector<128x12800xf32>
    %mul3A = arith.mulf %max3A_5, %convert_element_type3A_7 : vector<128x12800xf32>
    %swap3A = arith.constant 0 : index
    %swap3A_8 = arith.constant 0 : index
    %swap3A_9 = vector.load %arg4[%swap3A, %swap3A_8] : memref<128x12800xf32, #tpu.memory_space<vmem>>, vector<128x12800xf32>
    tpu.vector_store %arg4[%swap3A, %swap3A_8], %mul3A {strides = array<i32>} : memref<128x12800xf32, #tpu.memory_space<vmem>>, vector<128x12800xf32>,
    return
  }
  func.func @transform_0(%arg0: i32, %arg1: i32) -> (i32, i32) {
    %c0_i32 = arith.constant 0 : i32
    return %arg0, %arg1 : i32, i32
  }
  func.func @transform_1(%arg0: i32, %arg1: i32) -> i32 {
    %c0_i32 = arith.constant 0 : i32
    %c0_i32_0 = arith.constant 0 : i32
    return %c0_i32 : i32
  }
  func.func @transform_2(%arg0: i32, %arg1: i32) -> (i32, i32) {
    %c0_i32 = arith.constant 0 : i32
    return %arg0, %arg1 : i32, i32
  }
}

</mosaic_0001>

<sc_bundles>
// kernel: kernel.12.cloned.1.call-start
scs
__scs_entry_jumppad:
0x0: {  	(pc) =	sbr.rel $0x88, $3  }
0x1: {  	(tag) =	ssettag $0x0;
	lr =	simm.s32 $0x1  }
0x2: {  	[smem:$0x3FA0] =	sst lr;
	_ =	strace $0xD0000000  }
0x3: {  	_ = 	snop  }
0x4: {  	_ = 	snop  }
0x5: {  	_ = 	snop  }
0x6: {  	_ = 	snop  }
0x7: {  	_ = 	snop  }
__scs_overlays_trampoline_lowered:
0x8: {  	[smem:$0x3FAF] =	sst s0  }
0x9: {  	[smem:$0x3FB0] =	sst s1  }
0xa: {  	[smem:$0x3FB1] =	sst s2  }
0xb: {  	[smem:$0x3FB2] =	sst s3  }
0xc: {  	[smem:$0x3FB3] =	sst s4  }
0xd: {  	[smem:$0x3FB4] =	sst s5  }
0xe: {  	[smem:$0x3FB5] =	sst s6  }
0xf: {  	[smem:$0x3FB6] =	sst s7  }
0x10: {  	[smem:$0x3FB7] =	sst s8  }
0x11: {  	[smem:$0x3FB8] =	sst s9;
	s0 =	simm.s32 @!p0 $0x0  }
0x12: {  	s1 =	sld [smem:$0x3F9E];
	s0 =	simm.s32 @p0 $0x1  }
0x13: {  	[smem:$0x3FB9] =	sst s0;
	s0 =	simm.s32 @!p1 $0x0  }
0x14: {  	s2 =	sld [smem:$0x3F9D];
	s0 =	simm.s32 @p1 $0x1  }
0x15: {  	[smem:$0x3FBA] =	sst s0;
	s0 =	simm.s32 @!p2 $0x0  }
0x16: {  	s3 =	sld [smem:$0x3FDB];
	s0 =	simm.s32 @p2 $0x1  }
0x17: {  	s4 =	simm.s32 $0x1BF5;
	[smem:$0x3FBC] =	sst s0  }
0x18: {  	s0 =	sld [smem:$0x3F9F];
	_ =	swait.ge [sflag:s4], $0x0  }
0x19: {  	s7 =	sld [smem:$0x3FA0]  }
0x1a: {  	s8 =	sadd.s32 $0xFFFFE003, lr  }
0x1b: {  	s9 =	sadd.s32 $0xFFFFFEF7, lr;
	s5 =	simm.s32 $0xFFFFFFFF;
	p2 =	slt.u32 s8, $0xFFFFF086  }
0x1c: {  	p1 =	slt.u32 s9, $0xF7A;
	s5 =	simm.s32 @!p2 $0x0  }
0x1d: {  	s5 =	simm.s32 @p1 $0x1;
	p0 =	seq.s32 s7, s2  }
0x1e: {  	s7 =	smul.u32 @!p0 $0xF7A, s2;
	p2 =	seq.s32 @!p0 s5, $0x0  }
0x1f: {  	s9 =	smul.u32 $0xF7A, s1;
	s8 =	simm.s32 @!p0 $0x1BF5;
	p2 =	por !p2, p0  }
0x20: {  	[sflag:s8] =	ssyncset.s32 @!p0 $0xFFFFF086;
	s6 =	sadd.s32 @!p0 s3, s7;
	s7 =	simm.s32 @!p0 $0x108  }
0x21: {  	s3 =	sadd.s32 s3, s9;
	s6 =	sadd.s32 @!p0 $0x88, s6;
	s7 =	simm.s32 @p2 $0x1082  }
0x22: {  	[simem:s7], [sflag:s8] =	dma.local @!p0 [hbm:s6], $0xF7A  }
0x23: {  	s9 =	sor.u32 $0xD0000000, s2;
	s6 =	simm.s32 $0x108;
	_ =	swait.ge @!p0 [sflag:s8], $0x0  }
0x24: {  	s3 =	sadd.s32 $0x88, s3;
	s6 =	simm.s32 @!p1 $0x1082;
	[sflag:s4] =	ssyncset.s32 $0xFFFFF086  }
0x25: {  	[simem:s6], [sflag:s4] =	dma.local [hbm:s3], $0xF7A  }
0x26: {  	[smem:$0x3FA0] =	sst s1;
	(tag) =	ssettag s2;
	_ =	strace s9  }
0x27: {  	s1 =	sld [smem:$0x3FB0]  }
0x28: {  	s2 =	sld [smem:$0x3FB1]  }
0x29: {  	s4 =	sld [smem:$0x3FB3]  }
0x2a: {  	p0 =	seq.s32 s5, $0x0;
	s5 =	sld [smem:$0x3FB4]  }
0x2b: {  	s6 =	sld [smem:$0x3FB5]  }
0x2c: {  	s7 =	sld [smem:$0x3FB6]  }
0x2d: {  	s3 =	simm.s32 $0x108;
	s8 =	sld [smem:$0x3FB7]  }
0x2e: {  	s3 =	simm.s32 @!p0 $0x1082;
	s9 =	sld [smem:$0x3FB8]  }
0x2f: {  	lr =	sadd.s32 s0, s3;
	s0 =	sld [smem:$0x3FAF]  }
0x30: {  	s3 =	sld [smem:$0x3FB2]  }
0x31: {  	[smem:$0x3FBB] =	sst s10  }
0x32: {  	s10 =	sld [smem:$0x3FB9];
	_ =	sdelay $0x3  }
0x33: {  	p0 =	seq.s32 s10, $0x1;
	s10 =	sld [smem:$0x3FBB];
	_ =	sdelay $0x3  }
0x34: {  	[smem:$0x3FBB] =	sst s10  }
0x35: {  	s10 =	sld [smem:$0x3FBA];
	_ =	sdelay $0x3  }
0x36: {  	p1 =	seq.s32 s10, $0x1;
	s10 =	sld [smem:$0x3FBB];
	_ =	sdelay $0x3  }
0x37: {  	[smem:$0x3FBB] =	sst s10  }
0x38: {  	s10 =	sld [smem:$0x3FBC]  }
0x39: {  	_ = 	snop;
	(pc) =	sbr.ind lr, $3  }
0x3a: {  	_ = 	snop  }
0x3b: {  	_ = 	snop  }
0x3c: {  	p2 =	seq.s32 s10, $0x1;
	s10 =	sld [smem:$0x3FBB]  }
0x3d: {  	_ =	shalt  }
0x3e: {  	_ =	shalt  }
0x3f: {  	_ =	shalt  }
0x40: {  	_ =	shalt  }
0x41: {  	_ =	shalt  }
0x42: {  	_ =	shalt  }
0x43: {  	_ =	shalt  }
0x44: {  	_ =	shalt  }
0x45: {  	_ =	shalt  }
0x46: {  	_ =	shalt  }
0x47: {  	_ =	shalt  }
0x48: {  	_ =	shalt  }
0x49: {  	_ =	shalt  }
0x4a: {  	_ =	shalt  }
0x4b: {  	_ =	shalt  }
0x4c: {  	_ =	shalt  }
0x4d: {  	_ =	shalt  }
0x4e: {  	_ =	shalt  }
0x4f: {  	_ =	shalt  }
0x50: {  	_ =	shalt  }
0x51: {  	_ =	shalt  }
0x52: {  	_ =	shalt  }
0x53: {  	_ =	shalt  }
0x54: {  	_ =	shalt  }
0x55: {  	_ =	shalt  }
0x56: {  	_ =	shalt  }
0x57: {  	_ =	shalt  }
0x58: {  	_ =	shalt  }
0x59: {  	_ =	shalt  }
0x5a: {  	_ =	shalt  }
0x5b: {  	_ =	shalt  }
0x5c: {  	_ =	shalt  }
0x5d: {  	_ =	shalt  }
0x5e: {  	_ =	shalt  }
0x5f: {  	_ =	shalt  }
0x60: {  	_ =	shalt  }
0x61: {  	_ =	shalt  }
0x62: {  	_ =	shalt  }
0x63: {  	_ =	shalt  }
0x64: {  	_ =	shalt  }
0x65: {  	_ =	shalt  }
0x66: {  	_ =	shalt  }
0x67: {  	_ =	shalt  }
0x68: {  	_ =	shalt  }
0x69: {  	_ =	shalt  }
0x6a: {  	_ =	shalt  }
0x6b: {  	_ =	shalt  }
0x6c: {  	_ =	shalt  }
0x6d: {  	_ =	shalt  }
0x6e: {  	_ =	shalt  }
0x6f: {  	_ =	shalt  }
0x70: {  	_ =	shalt  }
0x71: {  	_ =	shalt  }
0x72: {  	_ =	shalt  }
0x73: {  	_ =	shalt  }
0x74: {  	_ =	shalt  }
0x75: {  	_ =	shalt  }
0x76: {  	_ =	shalt  }
0x77: {  	_ =	shalt  }
0x78: {  	_ =	shalt  }
0x79: {  	_ =	shalt  }
0x7a: {  	_ =	shalt  }
0x7b: {  	_ =	shalt  }
0x7c: {  	_ =	shalt  }
0x7d: {  	_ =	shalt  }
0x7e: {  	_ =	shalt  }
0x7f: {  	_ =	shalt  }
0x80: {  	_ =	shalt  }
0x81: {  	_ =	shalt  }
0x82: {  	_ =	shalt  }
0x83: {  	_ =	shalt  }
0x84: {  	_ =	shalt  }
0x85: {  	_ =	shalt  }
0x86: {  	_ =	shalt  }
0x87: {  	_ =	shalt  }
.Lfunc_end0:
.L_simem_size_0:
called_computation.2_lowered:
.L_overlay_start_0:
0x88: {  	s2 =	sld [smem:$0x3FD9]  }
0x89: {  	s3 =	sld [smem:$0x3FFE];
	_ =	sdelay $0x1  }
0x8a: {  	s1 =	srdreg.scid  }
0x8b: {  	s0 =	sand.u32 $0x1, s1  }
0x8c: {  	s17 =	sshll.u32 s0, $0xA;
	s2 =	sadd.s32 s3, s2  }
0x8d: {  	s2 =	sadd.s32 s2, s17  }
0x8e: {  	[smem:$0x3FC7] =	sst s2  }
0x8f: {  	_ = 	snop  }
0x90: {  	s2 =	sld [smem:$0x3FD0];
	(tm) =	ssettm $0x1  }
0x91: {  	s18 =	sld [smem:$0x3FFB];
	_ =	sdelay $0x3  }
0x92: {  	_ =	strace s18  }
0x93: {  	s3 =	sld [smem:$0x3FFC];
	_ =	sdelay $0x3  }
0x94: {  	_ =	strace s3  }
0x95: {  	s3 =	sld [smem:$0x3FFD];
	_ =	sdelay $0x3  }
0x96: {  	_ =	strace s3  }
0x97: {  	_ =	strace $0x8FFFFFFF  }
0x98: {  	s19 =	sld [smem:$0x3FDB];
	_ =	sdelay $0x1  }
0x99: {  	s4 =	simm.s32 $_scs_section_size  }
0x9a: {  	s5 =	simm.s32 $_size__tile_overlayer_lowered;
	s6 =	simm.s32 $_tile_overlayer_lowered  }
0x9b: {  	s22 =	simm.s32 $0x1BFF;
	s21 =	sshll.u32 s6, $0x1;
	s3 =	sadd.s32 s4, s19  }
0x9c: {  	s7 =	simm.s32 $0x0;
	s20 =	sshll.u32 s5, $0x1;
	s5 =	sadd.s32 s21, s3  }
0x9d: {  	[timem:s7], [sflag:s22] =	dma.local [hbm:s5], s20  }
0x9e: {  	_ =	swait.ge [sflag:s22], s20  }
0x9f: {  	s4 =	ssub.s32 $0x0, s20;
	[sflag:s22] =	ssyncset.done $0x0  }
0xa0: {  	[sflag:s22] =	ssyncadd.s32 s4;
	_ =	sdelay $0x1  }
0xa1: {  	s23 =	simm.s32 $0x1B8B  }
0xa2: {  	_ =	swait.ge [sflag:s23], $0x1  }
0xa3: {  	[sflag:s23] =	ssyncset.done $0x0  }
0xa4: {  	s25 =	simm.s32 $0x1B8E;
	s24 =	sld [smem:$0x3FFE];
	[sflag:s23] =	ssyncadd.s32 $0xFFFFFFFF  }
0xa5: {  	s26 =	simm.s32 $execute0_lowered;
	[smem:$0x3FD2] =	sst s25  }
0xa6: {  	s5 =	sshll.u32 s26, $0x1;
	_ =	strace $0x8000004C;
	[dreg:$0x1] =	wrdreg $0xFFFFFFFF  }
0xa7: {  	s28 =	simm.s32 $_size_execute0_lowered;
	s3 =	sadd.s32 s3, s5;
	[dreg:$0x0] =	wrdreg $0x0  }
0xa8: {  	s5 =	sshll.u32 s28, $0x1;
	[dreg:$0x2] =	wrdreg s3  }
0xa9: {  	[dreg:$0x3] =	wrdreg s5  }
0xaa: {  	[dreg:$0x4] =	wrdreg $0xC0  }
0xab: {  	_ =	task [dreg:s7], $0x5FFFF  }
0xac: {  	[dreg:$0x1] =	wrdreg $0xFFFFFFFF  }
0xad: {  	[dreg:$0x0] =	wrdreg $0x60  }
0xae: {  	[dreg:$0x2] =	wrdreg s2  }
0xaf: {  	[dreg:$0x3] =	wrdreg s24  }
0xb0: {  	[dreg:$0x4] =	wrdreg $0x9  }
0xb1: {  	_ =	task.clear_ibuf [dreg:s7], $0x5FFFF;
	_ =	strace $0x9000004C  }
0xb2: {  	s29 =	simm.s32 $0x9;
	_ =	strace $0x8000004E  }
0xb3: {  	_ =	swait.ge [sflag:s29], $0x1  }
0xb4: {  	[sflag:s29] =	ssyncadd.s32 $0xFFFFFFFF  }
0xb5: {  	_ =	strace $0x9000004E  }
0xb6: {  	_ =	sfence  }
0xb7: {  	s30 =	sld [smem:$0x0];
	_ =	sdelay $0x2  }
0xb8: {  	s31 =	sshll.u32 s1, $0xD;
	s1 =	sshrl.u32 s1, $0x2  }
0xb9: {  	s3 =	sand.u32 $0x4000, s31;
	s1 =	sadd.s32 s1, s30  }
0xba: {  	s0 =	sor.u32 s3, s0;
	s1 =	sshll.u32 s1, $0x11  }
0xbb: {  	s0 =	sor.u32 s1, s0  }
0xbc: {  	s0 =	sadd.s32 $0x8F2B, s0  }
0xbd: {  	[sflag:s0] =	ssyncadd.remote.s32 $0x1  }
0xbe: {  	_ =	sfence.sel $0xFFFF  }
0xbf: {  	[dreg:$0x0] =	wrdreg $0xFFFFFFFF;
	(pc) =	sbr.abs _section_cstart, $3  }
0xc0: {  	[dreg:$0x1] =	wrdreg $0xFFFFFFFF  }
0xc1: {  	_ =	task.clear_ibuf [dreg:s7], $0x2FFFF;
	_ =	strace $0x9FFFFFFF  }
0xc2: {  	(tm) =	ssettm $0x7FFFFFFF  }
0xc3: {  	_ =	shalt  }
tec
execute0_lowered:
.L_overlay_start_1:
0x0: {  	(tag) =	ssettag $0x1  }
0x1: {  	s2 =	rddreg [dreg:$0x0]  }
0x2: {  	s5 =	rddreg [dreg:$0x1]  }
0x3: {  	s0 =	rddreg [dreg:$0x2]  }
0x4: {  	s3 =	simm.s32 $0x0;
	s1 =	stileid.u32;
	s4 =	srdreg.scid  }
0x5: {  	s13 =	simm.s32 $0x3200;
	s14 =	simm.s32 $0x1;
	s15 =	simm.s32 $0x6400  }
0x6: {  	s16 =	simm.s32 $0x2;
	s17 =	simm.s32 $0x80;
	s18 =	simm.s32 $0x400  }
0x7: {  	s19 =	simm.s32 $0xE400;
	s20 =	simm.s32 $0x0;
	[smem:$0x7FF] =	sst s3  }
0x8: {  	s6 =	sand.u32 $0x1, s4;
	s28 =	sshll.u32 s1, $0x1;
	s8 =	sshll.u32 s1, $0xC  }
0x9: {  	s4 =	sadd.s32 $0xC38800, s5;
	_ =	strace $0x8000004D;
	s7 =	sor.u32 s6, s28  }
0xa: {  	s8 =	sand.u32 $0xC000, s8;
	s6 =	ssub.s32 $0x2, s6;
	s9 =	smul.u32 $0x30D400, s7  }
0xb: {  	s10 =	sadd.s32 s8, s5;
	s30 =	sshrl.u32 s6, $0x1;
	s7 =	sshll.u32 s7, $0x4  }
0xc: {  	s11 =	ssub.s32 s6, s30;
	s12 =	sand.u32 $0x70, s7;
	s29 =	sshrl.u32 s9, $0x3  }
0xd: {  	s7 =	sadd.s32 $0x6400, s9;
	s8 =	sadd.s32 $0x9600, s9;
	s31 =	sadd.s32 s12, s10  }
0xe: {  	v0 =	vlaneseq.u32;
	s10 =	smax.u32 s11, $0x1;
	s11 =	simm.s32 $0x12400;
	s5 =	sadd.s32 s2, s29  }
0xf: {  	v1 =	vimm.s32 $0x0;
	v2 =	vimm.s32 $0x1;
	v3 =	vor.u32 $0x10, v0;
	s12 =	simm.s32 $0x3;
	s9 =	sadd.s32 $0xC38A00, s31;
	s6 =	sadd.s32 $0x640, s5  }
.LBB2_1:
0x10: {  	s21 =	simm.s32 $0x40;
	s22 =	simm.s32 $0x0  }
.LBB2_2:
0x11: {  	p0 =	sne.s32 s21, $0x1FFC0;
	[tilespmem:s22+$0x6400] =	vst v1;
	s22 =	smov.u32 s21;
	s21 =	sadd.s32 $0x40, s21  }
.Ltmp0:
0x12: {  	(pc) =	sbr.rel @p0 .LBB2_2-.Ltmp0, $2  }
0x13: {  	_ =	sdelay $0x2  }
0x14: {  	s22 =	sshra.s32 s22, $0x2  }
0x15: {  	[tilespmem:s22+$0x6400] =	vst v1;
	s21 =	simm.s32 $0x0  }
0x16: {  	[tilespmem:s11], [sflag:$0x3] =	stream.linear.gather [hbm4b:s4+s21], $0x80, $0x38;
	[tilespmem:$0x12480] =	vst v63  }
0x17: {  	_ =	swait.ge [sflag:s12], $0x80  }
0x18: {  	[sflag:s12] =	ssyncset.done $0x0  }
0x19: {  	[sflag:s12] =	ssyncadd.s32 $0xFFFFFF80  }
0x1a: {  	v4 =	vld [tilespmem:$0x12400];
	[tilespmem:s21], [sflag:$0x1] =	stream.linear.gather [hbm4b:s5+s21], $0x3200, $0x38  }
0x1b: {  	_ = 	snop  }
0x1c: {  	[tilespmem:s13], [sflag:$0x2] =	stream.linear.gather [hbm4b:s6+s21], $0x3200, $0x38;
	[tilespmem:$0x12480] =	vst v63  }
.LBB2_4:
0x1d: {  	_ =	swait.ge [sflag:s14], $0x3200  }
0x1e: {  	[sflag:s14] =	ssyncset.done $0x0  }
0x1f: {  	s23 =	simm.s32 $0x50;
	[sflag:s14] =	ssyncadd.s32 $0xFFFFCE00  }
0x20: {  	v5 =	vld [tilespmem:s23+$0x30];
	_ =	sdelay $0x3  }
0x21: {  	v6 =	vld [tilespmem:s23+$0xFFFFFFB0]  }
0x22: {  	v7 =	vshra.s32 v5, $0x1F  }
0x23: {  	v7 =	vor.u32 $0x80000000, v7  }
0x24: {  	v5 =	vxor.u32 v5, v7  }
0x25: {  	v8 =	vld [tilespmem:s23+$0xFFFFFFD0];
	v7 =	vshll.u32 v5, $0x5;
	v5 =	vshrl.u32 v5, $0xA  }
0x26: {  	v9 =	vld [tilespmem:s23+$0xFFFFFFF0];
	v7 =	vor.u32 v0, v7;
	vm0 =	veq.s32 v5, v4;
	v5 =	vshra.s32 v6, $0x1F  }
0x27: {  	v10 =	vld [tilespmem:s23+$0x10];
	v7 =	vand.u32 $0x7FEF, v7;
	v5 =	vor.u32 $0x80000000, v5  }
0x28: {  	v5 =	vxor.u32 v6, v5  }
0x29: {  	v6 =	vshll.u32 v5, $0x5;
	v5 =	vshrl.u32 v5, $0xA  }
0x2a: {  	v6 =	vor.u32 v0, v6;
	vm1 =	veq.s32 v5, v4  }
0x2b: {  	v11 =	vshra.s32 v9, $0x1F;
	v5 =	vand.u32 $0x7FEF, v6;
	v6 =	vshra.s32 v8, $0x1F  }
0x2c: {  	v11 =	vor.u32 $0x80000000, v11;
	[tilespmem:v7+s15+$0x0] =	vst.idx.add.s32.msk vm0, v2;
	v6 =	vor.u32 $0x80000000, v6;
	v7 =	vshra.s32 v10, $0x1F  }
0x2d: {  	v12 =	vld [tilespmem:s23+$0x40];
	v7 =	vor.u32 $0x80000000, v7;
	v6 =	vxor.u32 v8, v6;
	v8 =	vxor.u32 v9, v11  }
0x2e: {  	s22 =	simm.s32 $0xF0;
	v7 =	vxor.u32 v10, v7;
	v10 =	vshll.u32 v8, $0x5;
	v8 =	vshrl.u32 v8, $0xA  }
0x2f: {  	vm2 =	veq.s32 v8, v4;
	v8 =	vld [tilespmem:s22+$0xFFFFFFD0]  }
0x30: {  	v9 =	vshll.u32 v6, $0x5;
	v11 =	vshll.u32 v7, $0x5;
	[tilespmem:v5+s15+$0x0] =	vst.idx.add.s32.msk vm1, v2  }
0x31: {  	v6 =	vshrl.u32 v6, $0xA;
	v5 =	vor.u32 v0, v10;
	v10 =	vor.u32 v0, v11;
	v11 =	vld [tilespmem:s22+$0x30]  }
0x32: {  	v9 =	vor.u32 v0, v9;
	vm1 =	veq.s32 v6, v4;
	v13 =	vld [tilespmem:s23+$0xFFFFFFC0];
	v6 =	vshra.s32 v12, $0x1F  }
0x33: {  	v7 =	vshrl.u32 v7, $0xA;
	v9 =	vand.u32 $0x7FEF, v9;
	v6 =	vor.u32 $0x80000000, v6  }
0x34: {  	vm3 =	veq.s32 v7, v4;
	v5 =	vand.u32 $0x7FEF, v5;
	v6 =	vxor.u32 v12, v6  }
0x35: {  	v16 =	vld [tilespmem:s22+$0xFFFFFFB0];
	v7 =	vand.u32 $0x7FEF, v10;
	v17 =	vshra.s32 v8, $0x1F;
	v10 =	vshll.u32 v6, $0x5  }
0x36: {  	v12 =	vld [tilespmem:s22+$0xFFFFFFF0];
	v6 =	vshrl.u32 v6, $0xA;
	v14 =	vshra.s32 v11, $0x1F;
	v10 =	vor.u32 v3, v10  }
0x37: {  	vm0 =	veq.s32 v6, v4;
	v6 =	vld [tilespmem:s22+$0x10];
	v15 =	vshra.s32 v13, $0x1F;
	v14 =	vor.u32 $0x80000000, v14  }
0x38: {  	v10 =	vand.u32 $0x7FFF, v10;
	v15 =	vor.u32 $0x80000000, v15;
	v11 =	vxor.u32 v11, v14  }
0x39: {  	v14 =	vxor.u32 v13, v15;
	v13 =	vshll.u32 v11, $0x5;
	v11 =	vshrl.u32 v11, $0xA  }
0x3a: {  	v15 =	vor.u32 $0x80000000, v17;
	v13 =	vor.u32 v0, v13;
	vm4 =	veq.s32 v11, v4  }
0x3b: {  	[tilespmem:v9+s15+$0x0] =	vst.idx.add.s32.msk vm1, v2;
	v9 =	vshra.s32 v12, $0x1F;
	v8 =	vxor.u32 v8, v15;
	v13 =	vand.u32 $0x7FEF, v13  }
0x3c: {  	[tilespmem:v5+s15+$0x0] =	vst.idx.add.s32.msk vm2, v2;
	v5 =	vor.u32 $0x80000000, v9;
	v9 =	vshra.s32 v16, $0x1F;
	v11 =	vshra.s32 v6, $0x1F  }
0x3d: {  	[tilespmem:v7+s15+$0x0] =	vst.idx.add.s32.msk vm3, v2;
	v7 =	vor.u32 $0x80000000, v9;
	v5 =	vxor.u32 v12, v5;
	v12 =	vshll.u32 v8, $0x5  }
0x3e: {  	v9 =	vld [tilespmem:s23+$0xFFFFFFE0];
	v8 =	vshrl.u32 v8, $0xA;
	v11 =	vor.u32 $0x80000000, v11;
	v7 =	vxor.u32 v16, v7  }
0x3f: {  	v60 =	vshll.u32 v5, $0x5;
	v12 =	vor.u32 v0, v12;
	v6 =	vxor.u32 v6, v11;
	v11 =	vld [tilespmem:s23+$0x0]  }
0x40: {  	v5 =	vshrl.u32 v5, $0xA;
	vm2 =	veq.s32 v8, v4;
	v15 =	vshll.u32 v7, $0x5;
	[tilespmem:v13+s15+$0x0] =	vst.idx.add.s32.msk vm4, v2  }
0x41: {  	v7 =	vshrl.u32 v7, $0xA;
	v16 =	vor.u32 v0, v60;
	v12 =	vand.u32 $0x7FEF, v12;
	v13 =	vld [tilespmem:s23+$0x20]  }
0x42: {  	vm3 =	veq.s32 v5, v4;
	v61 =	vshll.u32 v6, $0x5;
	v15 =	vor.u32 v0, v15;
	v62 =	vld [tilespmem:s22+$0x40]  }
0x43: {  	vm1 =	veq.s32 v7, v4;
	v6 =	vshrl.u32 v6, $0xA;
	v5 =	vand.u32 $0x7FEF, v16  }
0x44: {  	v7 =	vor.u32 v0, v61;
	v15 =	vand.u32 $0x7FEF, v15;
	vm15 =	veq.s32 v6, v4  }
0x45: {  	v6 =	vand.u32 $0x7FEF, v7;
	v7 =	vshra.s32 v9, $0x1F;
	v8 =	vshra.s32 v11, $0x1F  }
0x46: {  	[tilespmem:v10+s15+$0x0] =	vst.idx.add.s32.msk vm0, v2;
	v7 =	vor.u32 $0x80000000, v7;
	v63 =	vor.u32 $0x80000000, v8;
	v18 =	vshra.s32 v13, $0x1F  }
0x47: {  	[tilespmem:v12+s15+$0x0] =	vst.idx.add.s32.msk vm2, v2;
	v8 =	vxor.u32 v9, v7;
	v10 =	vshra.s32 v62, $0x1F;
	v7 =	vor.u32 $0x80000000, v18  }
0x48: {  	[tilespmem:v5+s15+$0x0] =	vst.idx.add.s32.msk vm3, v2;
	v9 =	vxor.u32 v11, v63;
	v10 =	vor.u32 $0x80000000, v10;
	v7 =	vxor.u32 v13, v7  }
0x49: {  	[tilespmem:v15+s15+$0x0] =	vst.idx.add.s32.msk vm1, v2;
	v13 =	vshll.u32 v14, $0x5;
	v14 =	vshrl.u32 v14, $0xA;
	v11 =	vxor.u32 v62, v10  }
0x4a: {  	[tilespmem:v6+s15+$0x0] =	vst.idx.add.s32.msk vm15, v2;
	v10 =	vshll.u32 v8, $0x5;
	v5 =	vshll.u32 v11, $0x5;
	v12 =	vshrl.u32 v11, $0xA  }
0x4b: {  	v13 =	vor.u32 v3, v13;
	v5 =	vor.u32 v3, v5;
	vm0 =	veq.s32 v12, v4  }
0x4c: {  	s24 =	simm.s32 $0x190;
	s23 =	simm.s32 $0xA;
	v6 =	vld [tilespmem:s22+$0xFFFFFFC0];
	v11 =	vshll.u32 v9, $0x5;
	v12 =	vshll.u32 v7, $0x5;
	v5 =	vand.u32 $0x7FFF, v5  }
.LBB2_5:
0x4d: {  	v15 =	vld [tilespmem:s24+$0x30];
	s23 =	sadd.s32 $0xA, s23;
	v10 =	vor.u32 v3, v10;
	v8 =	vshrl.u32 v8, $0xA;
	v11 =	vor.u32 v3, v11  }
0x4e: {  	v9 =	vshrl.u32 v9, $0xA;
	v12 =	vor.u32 v3, v12;
	v7 =	vshrl.u32 v7, $0xA;
	v16 =	vld [tilespmem:s24+$0xFFFFFFD0];
	p0 =	slt.u32 s23, $0x316  }
0x4f: {  	vm3 =	veq.s32 v14, v4;
	v13 =	vand.u32 $0x7FFF, v13;
	vm2 =	veq.s32 v8, v4;
	v17 =	vld [tilespmem:s24+$0xFFFFFFF0]  }
0x50: {  	v10 =	vand.u32 $0x7FFF, v10;
	vm1 =	veq.s32 v9, v4;
	v9 =	vand.u32 $0x7FFF, v11;
	v8 =	vld [tilespmem:s24+$0x10]  }
0x51: {  	v11 =	vshra.s32 v6, $0x1F;
	[tilespmem:v5+s15+$0x0] =	vst.idx.add.s32.msk vm0, v2;
	vm0 =	veq.s32 v7, v4;
	v5 =	vand.u32 $0x7FFF, v12  }
0x52: {  	v7 =	vld [tilespmem:s24+$0xFFFFFFB0];
	v12 =	vshra.s32 v15, $0x1F;
	v11 =	vor.u32 $0x80000000, v11  }
0x53: {  	v14 =	vshra.s32 v16, $0x1F;
	v12 =	vor.u32 $0x80000000, v12;
	v18 =	vxor.u32 v6, v11;
	v6 =	vld [tilespmem:s22+$0xFFFFFFE0]  }
0x54: {  	v11 =	vor.u32 $0x80000000, v14;
	v14 =	vshra.s32 v17, $0x1F;
	v12 =	vxor.u32 v15, v12;
	v15 =	vld [tilespmem:s22+$0x0]  }
0x55: {  	v19 =	vshra.s32 v8, $0x1F;
	v20 =	vshll.u32 v12, $0x5;
	v12 =	vshrl.u32 v12, $0xA;
	v21 =	vld [tilespmem:s22+$0x20];
	s22 =	smov.u32 s24  }
0x56: {  	v14 =	vor.u32 $0x80000000, v14;
	v20 =	vor.u32 v0, v20;
	vm4 =	veq.s32 v12, v4;
	[tilespmem:v13+s15+$0x0] =	vst.idx.add.s32.msk vm3, v2  }
0x57: {  	v13 =	vor.u32 $0x80000000, v19;
	v12 =	vshra.s32 v7, $0x1F;
	v19 =	vand.u32 $0x7FEF, v20;
	[tilespmem:v10+s15+$0x0] =	vst.idx.add.s32.msk vm2, v2  }
0x58: {  	v11 =	vxor.u32 v16, v11;
	v10 =	vor.u32 $0x80000000, v12;
	v12 =	vxor.u32 v17, v14;
	[tilespmem:v9+s15+$0x0] =	vst.idx.add.s32.msk vm1, v2  }
0x59: {  	v8 =	vxor.u32 v8, v13;
	v9 =	vshll.u32 v11, $0x5;
	v7 =	vxor.u32 v7, v10;
	[tilespmem:v5+s15+$0x0] =	vst.idx.add.s32.msk vm0, v2  }
0x5a: {  	v13 =	vshll.u32 v8, $0x5;
	v10 =	vshll.u32 v12, $0x5;
	v5 =	vshll.u32 v7, $0x5  }
0x5b: {  	v9 =	vor.u32 v0, v9;
	v7 =	vshrl.u32 v7, $0xA;
	v5 =	vor.u32 v0, v5  }
0x5c: {  	v11 =	vshrl.u32 v11, $0xA;
	v12 =	vshrl.u32 v12, $0xA;
	v10 =	vor.u32 v0, v10;
	[tilespmem:v19+s15+$0x0] =	vst.idx.add.s32.msk vm4, v2  }
0x5d: {  	v8 =	vshrl.u32 v8, $0xA;
	vm0 =	veq.s32 v7, v4;
	v7 =	vor.u32 v0, v13;
	v13 =	vld [tilespmem:s24+$0x40]  }
0x5e: {  	vm1 =	veq.s32 v11, v4;
	v11 =	vand.u32 $0x7FEF, v9;
	v5 =	vand.u32 $0x7FEF, v5  }
0x5f: {  	vm3 =	veq.s32 v8, v4;
	vm2 =	veq.s32 v12, v4;
	v12 =	vand.u32 $0x7FEF, v10  }
0x60: {  	v8 =	vshra.s32 v15, $0x1F;
	v14 =	vand.u32 $0x7FEF, v7;
	v7 =	vshra.s32 v6, $0x1F  }
0x61: {  	v9 =	vor.u32 $0x80000000, v8;
	v10 =	vshra.s32 v21, $0x1F;
	v7 =	vor.u32 $0x80000000, v7  }
0x62: {  	v8 =	vxor.u32 v6, v7;
	v6 =	vor.u32 $0x80000000, v10;
	v16 =	vshra.s32 v13, $0x1F  }
.Ltmp1:
0x63: {  	v9 =	vxor.u32 v15, v9;
	v7 =	vxor.u32 v21, v6;
	[tilespmem:v5+s15+$0x0] =	vst.idx.add.s32.msk vm0, v2;
	v5 =	vor.u32 $0x80000000, v16;
	(pc) =	sbr.rel @p0 .LBB2_5-.Ltmp1, $4  }
0x64: {  	v10 =	vshll.u32 v8, $0x5;
	[tilespmem:v11+s15+$0x0] =	vst.idx.add.s32.msk vm1, v2;
	v5 =	vxor.u32 v13, v5;
	v13 =	vshll.u32 v18, $0x5  }
0x65: {  	v11 =	vshll.u32 v9, $0x5;
	[tilespmem:v12+s15+$0x0] =	vst.idx.add.s32.msk vm2, v2;
	v6 =	vshll.u32 v5, $0x5;
	v5 =	vshrl.u32 v5, $0xA  }
0x66: {  	v12 =	vshll.u32 v7, $0x5;
	[tilespmem:v14+s15+$0x0] =	vst.idx.add.s32.msk vm3, v2;
	v14 =	vor.u32 v3, v6;
	vm0 =	veq.s32 v5, v4  }
0x67: {  	s24 =	sadd.s32 $0xA0, s24;
	v13 =	vor.u32 v3, v13;
	v6 =	vld [tilespmem:s22+$0xFFFFFFC0];
	v5 =	vand.u32 $0x7FFF, v14;
	v14 =	vshrl.u32 v18, $0xA  }
0x68: {  	v16 =	vld [tilespmem:s22+$0x0]  }
0x69: {  	v10 =	vor.u32 v3, v10;
	v8 =	vshrl.u32 v8, $0xA;
	v11 =	vor.u32 v3, v11;
	v17 =	vld [tilespmem:s22+$0x20]  }
0x6a: {  	v15 =	vld [tilespmem:s22+$0xFFFFFFE0];
	v9 =	vshrl.u32 v9, $0xA;
	v12 =	vor.u32 v3, v12;
	v7 =	vshrl.u32 v7, $0xA  }
0x6b: {  	vm4 =	veq.s32 v14, v4;
	v13 =	vand.u32 $0x7FFF, v13;
	vm3 =	veq.s32 v8, v4  }
0x6c: {  	v8 =	vand.u32 $0x7FFF, v10;
	vm1 =	veq.s32 v9, v4;
	v9 =	vshra.s32 v6, $0x1F  }
0x6d: {  	v10 =	vand.u32 $0x7FFF, v11;
	vm2 =	veq.s32 v7, v4;
	v7 =	vor.u32 $0x80000000, v9  }
0x6e: {  	v9 =	vand.u32 $0x7FFF, v12;
	v11 =	vshra.s32 v16, $0x1F;
	v12 =	vshra.s32 v17, $0x1F  }
0x6f: {  	v6 =	vxor.u32 v6, v7;
	v7 =	vshra.s32 v15, $0x1F;
	v11 =	vor.u32 $0x80000000, v11  }
0x70: {  	v12 =	vor.u32 $0x80000000, v12;
	v7 =	vor.u32 $0x80000000, v7;
	v11 =	vxor.u32 v16, v11  }
0x71: {  	v12 =	vxor.u32 v17, v12;
	v14 =	vshll.u32 v6, $0x5;
	v6 =	vshrl.u32 v6, $0xA  }
0x72: {  	v7 =	vxor.u32 v15, v7;
	v16 =	vshll.u32 v11, $0x5;
	v17 =	vshll.u32 v12, $0x5  }
0x73: {  	[tilespmem:v5+s15+$0x0] =	vst.idx.add.s32.msk vm0, v2;
	v14 =	vor.u32 v3, v14;
	vm5 =	veq.s32 v6, v4;
	v5 =	vshrl.u32 v11, $0xA  }
0x74: {  	v15 =	vshll.u32 v7, $0x5;
	v7 =	vshrl.u32 v7, $0xA;
	v16 =	vor.u32 v3, v16  }
0x75: {  	v6 =	vand.u32 $0x7FFF, v14;
	vm13 =	veq.s32 v5, v4;
	v15 =	vor.u32 v3, v15  }
0x76: {  	[tilespmem:v8+s15+$0x0] =	vst.idx.add.s32.msk vm3, v2;
	vm0 =	veq.s32 v7, v4;
	v7 =	vshrl.u32 v12, $0xA;
	v8 =	vand.u32 $0x7FFF, v16  }
0x77: {  	[tilespmem:v13+s15+$0x0] =	vst.idx.add.s32.msk vm4, v2;
	v5 =	vor.u32 v3, v17;
	v11 =	vand.u32 $0x7FFF, v15;
	vm3 =	veq.s32 v7, v4  }
0x78: {  	p0 =	seq.s32 s21, $0x7C;
	[tilespmem:v10+s15+$0x0] =	vst.idx.add.s32.msk vm1, v2;
	v5 =	vand.u32 $0x7FFF, v5  }
0x79: {  	s22 =	smul.u32 @!p0 $0x6400, s21;
	[tilespmem:v9+s15+$0x0] =	vst.idx.add.s32.msk vm2, v2  }
0x7a: {  	[tilespmem:v6+s15+$0x0] =	vst.idx.add.s32.msk vm5, v2  }
0x7b: {  	s22 =	sadd.s32 @!p0 s22, s7;
	[tilespmem:v8+s15+$0x0] =	vst.idx.add.s32.msk vm13, v2  }
0x7c: {  	s22 =	sshrl.u32 @!p0 s22, $0x3;
	[tilespmem:v11+s15+$0x0] =	vst.idx.add.s32.msk vm0, v2  }
0x7d: {  	s23 =	simm.s32 @!p0 $0x0;
	s22 =	sadd.s32 @!p0 s2, s22;
	[tilespmem:v5+s15+$0x0] =	vst.idx.add.s32.msk vm3, v2  }
0x7e: {  	[tilespmem:s23], [sflag:$0x1] =	stream.linear.gather @!p0 [hbm4b:s22+s23], $0x3200, $0x38;
	[tilespmem:$0x12480] =	vst v63  }
0x7f: {  	_ =	swait.ge [sflag:s16], $0x3200  }
0x80: {  	[sflag:s16] =	ssyncset.done $0x0  }
0x81: {  	s31 =	simm.s32 $0x3250;
	[sflag:s16] =	ssyncadd.s32 $0xFFFFCE00  }
0x82: {  	v5 =	vld [tilespmem:s31+$0x30];
	_ =	sdelay $0x3  }
0x83: {  	v6 =	vld [tilespmem:s31+$0xFFFFFFB0]  }
0x84: {  	v7 =	vshra.s32 v5, $0x1F  }
0x85: {  	v7 =	vor.u32 $0x80000000, v7  }
0x86: {  	v5 =	vxor.u32 v5, v7  }
0x87: {  	v8 =	vld [tilespmem:s31+$0xFFFFFFD0];
	v7 =	vshll.u32 v5, $0x5;
	v5 =	vshrl.u32 v5, $0xA  }
0x88: {  	v9 =	vld [tilespmem:s31+$0xFFFFFFF0];
	v7 =	vor.u32 v0, v7;
	vm0 =	veq.s32 v5, v4;
	v5 =	vshra.s32 v6, $0x1F  }
0x89: {  	v10 =	vld [tilespmem:s31+$0x10];
	v7 =	vand.u32 $0x7FEF, v7;
	v5 =	vor.u32 $0x80000000, v5  }
0x8a: {  	v5 =	vxor.u32 v6, v5  }
0x8b: {  	v6 =	vshll.u32 v5, $0x5;
	v5 =	vshrl.u32 v5, $0xA  }
0x8c: {  	v6 =	vor.u32 v0, v6;
	vm1 =	veq.s32 v5, v4  }
0x8d: {  	v11 =	vshra.s32 v9, $0x1F;
	v5 =	vand.u32 $0x7FEF, v6;
	v6 =	vshra.s32 v8, $0x1F  }
0x8e: {  	v11 =	vor.u32 $0x80000000, v11;
	[tilespmem:v7+s15+$0x0] =	vst.idx.add.s32.msk vm0, v2;
	v6 =	vor.u32 $0x80000000, v6;
	v7 =	vshra.s32 v10, $0x1F  }
0x8f: {  	v12 =	vld [tilespmem:s31+$0x40];
	v7 =	vor.u32 $0x80000000, v7;
	v6 =	vxor.u32 v8, v6;
	v8 =	vxor.u32 v9, v11  }
0x90: {  	s22 =	simm.s32 $0x32F0;
	v7 =	vxor.u32 v10, v7;
	v10 =	vshll.u32 v8, $0x5;
	v8 =	vshrl.u32 v8, $0xA  }
0x91: {  	vm2 =	veq.s32 v8, v4;
	v8 =	vld [tilespmem:s22+$0xFFFFFFD0]  }
0x92: {  	v9 =	vshll.u32 v6, $0x5;
	v11 =	vshll.u32 v7, $0x5;
	[tilespmem:v5+s15+$0x0] =	vst.idx.add.s32.msk vm1, v2  }
0x93: {  	v6 =	vshrl.u32 v6, $0xA;
	v5 =	vor.u32 v0, v10;
	v10 =	vor.u32 v0, v11;
	v11 =	vld [tilespmem:s22+$0x30]  }
0x94: {  	v9 =	vor.u32 v0, v9;
	vm1 =	veq.s32 v6, v4;
	v13 =	vld [tilespmem:s31+$0xFFFFFFC0];
	v6 =	vshra.s32 v12, $0x1F  }
0x95: {  	v7 =	vshrl.u32 v7, $0xA;
	v9 =	vand.u32 $0x7FEF, v9;
	v6 =	vor.u32 $0x80000000, v6  }
0x96: {  	vm3 =	veq.s32 v7, v4;
	v5 =	vand.u32 $0x7FEF, v5;
	v6 =	vxor.u32 v12, v6  }
0x97: {  	v58 =	vld [tilespmem:s22+$0xFFFFFFB0];
	v7 =	vand.u32 $0x7FEF, v10;
	v59 =	vshra.s32 v8, $0x1F;
	v10 =	vshll.u32 v6, $0x5  }
0x98: {  	v12 =	vld [tilespmem:s22+$0xFFFFFFF0];
	v6 =	vshrl.u32 v6, $0xA;
	v14 =	vshra.s32 v11, $0x1F;
	v10 =	vor.u32 v3, v10  }
0x99: {  	vm0 =	veq.s32 v6, v4;
	v6 =	vld [tilespmem:s22+$0x10];
	v15 =	vshra.s32 v13, $0x1F;
	v14 =	vor.u32 $0x80000000, v14  }
0x9a: {  	v10 =	vand.u32 $0x7FFF, v10;
	v15 =	vor.u32 $0x80000000, v15;
	v11 =	vxor.u32 v11, v14  }
0x9b: {  	v14 =	vxor.u32 v13, v15;
	v13 =	vshll.u32 v11, $0x5;
	v11 =	vshrl.u32 v11, $0xA  }
0x9c: {  	v15 =	vor.u32 $0x80000000, v59;
	v13 =	vor.u32 v0, v13;
	vm14 =	veq.s32 v11, v4  }
0x9d: {  	[tilespmem:v9+s15+$0x0] =	vst.idx.add.s32.msk vm1, v2;
	v9 =	vshra.s32 v12, $0x1F;
	v8 =	vxor.u32 v8, v15;
	v13 =	vand.u32 $0x7FEF, v13  }
0x9e: {  	[tilespmem:v5+s15+$0x0] =	vst.idx.add.s32.msk vm2, v2;
	v5 =	vor.u32 $0x80000000, v9;
	v9 =	vshra.s32 v58, $0x1F;
	v11 =	vshra.s32 v6, $0x1F  }
0x9f: {  	[tilespmem:v7+s15+$0x0] =	vst.idx.add.s32.msk vm3, v2;
	v7 =	vor.u32 $0x80000000, v9;
	v5 =	vxor.u32 v12, v5;
	v12 =	vshll.u32 v8, $0x5  }
0xa0: {  	v9 =	vld [tilespmem:s31+$0xFFFFFFE0];
	v8 =	vshrl.u32 v8, $0xA;
	v11 =	vor.u32 $0x80000000, v11;
	v7 =	vxor.u32 v58, v7  }
0xa1: {  	v60 =	vshll.u32 v5, $0x5;
	v12 =	vor.u32 v0, v12;
	v6 =	vxor.u32 v6, v11;
	v11 =	vld [tilespmem:s31+$0x0]  }
0xa2: {  	v5 =	vshrl.u32 v5, $0xA;
	vm2 =	veq.s32 v8, v4;
	v15 =	vshll.u32 v7, $0x5;
	[tilespmem:v13+s15+$0x0] =	vst.idx.add.s32.msk vm14, v2  }
0xa3: {  	v7 =	vshrl.u32 v7, $0xA;
	v16 =	vor.u32 v0, v60;
	v12 =	vand.u32 $0x7FEF, v12;
	v13 =	vld [tilespmem:s31+$0x20]  }
0xa4: {  	vm3 =	veq.s32 v5, v4;
	v61 =	vshll.u32 v6, $0x5;
	v15 =	vor.u32 v0, v15;
	v62 =	vld [tilespmem:s22+$0x40]  }
0xa5: {  	vm1 =	veq.s32 v7, v4;
	v6 =	vshrl.u32 v6, $0xA;
	v5 =	vand.u32 $0x7FEF, v16  }
0xa6: {  	v7 =	vor.u32 v0, v61;
	v15 =	vand.u32 $0x7FEF, v15;
	vm15 =	veq.s32 v6, v4  }
0xa7: {  	v6 =	vand.u32 $0x7FEF, v7;
	v7 =	vshra.s32 v9, $0x1F;
	v8 =	vshra.s32 v11, $0x1F  }
0xa8: {  	[tilespmem:v10+s15+$0x0] =	vst.idx.add.s32.msk vm0, v2;
	v7 =	vor.u32 $0x80000000, v7;
	v63 =	vor.u32 $0x80000000, v8;
	v18 =	vshra.s32 v13, $0x1F  }
0xa9: {  	[tilespmem:v12+s15+$0x0] =	vst.idx.add.s32.msk vm2, v2;
	v8 =	vxor.u32 v9, v7;
	v10 =	vshra.s32 v62, $0x1F;
	v7 =	vor.u32 $0x80000000, v18  }
0xaa: {  	[tilespmem:v5+s15+$0x0] =	vst.idx.add.s32.msk vm3, v2;
	v9 =	vxor.u32 v11, v63;
	v10 =	vor.u32 $0x80000000, v10;
	v7 =	vxor.u32 v13, v7  }
0xab: {  	[tilespmem:v15+s15+$0x0] =	vst.idx.add.s32.msk vm1, v2;
	v13 =	vshll.u32 v14, $0x5;
	v14 =	vshrl.u32 v14, $0xA;
	v11 =	vxor.u32 v62, v10  }
0xac: {  	[tilespmem:v6+s15+$0x0] =	vst.idx.add.s32.msk vm15, v2;
	v10 =	vshll.u32 v8, $0x5;
	v5 =	vshll.u32 v11, $0x5;
	v12 =	vshrl.u32 v11, $0xA  }
0xad: {  	v13 =	vor.u32 v3, v13;
	v5 =	vor.u32 v3, v5;
	vm0 =	veq.s32 v12, v4  }
0xae: {  	s24 =	simm.s32 $0x3390;
	s23 =	simm.s32 $0xA;
	v6 =	vld [tilespmem:s22+$0xFFFFFFC0];
	v11 =	vshll.u32 v9, $0x5;
	v12 =	vshll.u32 v7, $0x5;
	v5 =	vand.u32 $0x7FFF, v5  }
.LBB2_7:
0xaf: {  	v15 =	vld [tilespmem:s24+$0x30];
	s23 =	sadd.s32 $0xA, s23;
	v10 =	vor.u32 v3, v10;
	v8 =	vshrl.u32 v8, $0xA;
	v11 =	vor.u32 v3, v11  }
0xb0: {  	v9 =	vshrl.u32 v9, $0xA;
	v12 =	vor.u32 v3, v12;
	v7 =	vshrl.u32 v7, $0xA;
	v16 =	vld [tilespmem:s24+$0xFFFFFFD0];
	p1 =	slt.u32 s23, $0x316  }
0xb1: {  	vm3 =	veq.s32 v14, v4;
	v13 =	vand.u32 $0x7FFF, v13;
	vm2 =	veq.s32 v8, v4;
	v17 =	vld [tilespmem:s24+$0xFFFFFFF0]  }
0xb2: {  	v10 =	vand.u32 $0x7FFF, v10;
	vm1 =	veq.s32 v9, v4;
	v9 =	vand.u32 $0x7FFF, v11;
	v8 =	vld [tilespmem:s24+$0x10]  }
0xb3: {  	v11 =	vshra.s32 v6, $0x1F;
	[tilespmem:v5+s15+$0x0] =	vst.idx.add.s32.msk vm0, v2;
	vm0 =	veq.s32 v7, v4;
	v5 =	vand.u32 $0x7FFF, v12  }
0xb4: {  	v7 =	vld [tilespmem:s24+$0xFFFFFFB0];
	v12 =	vshra.s32 v15, $0x1F;
	v11 =	vor.u32 $0x80000000, v11  }
0xb5: {  	v14 =	vshra.s32 v16, $0x1F;
	v12 =	vor.u32 $0x80000000, v12;
	v18 =	vxor.u32 v6, v11;
	v6 =	vld [tilespmem:s22+$0xFFFFFFE0]  }
0xb6: {  	v11 =	vor.u32 $0x80000000, v14;
	v14 =	vshra.s32 v17, $0x1F;
	v12 =	vxor.u32 v15, v12;
	v15 =	vld [tilespmem:s22+$0x0]  }
0xb7: {  	v19 =	vshra.s32 v8, $0x1F;
	v20 =	vshll.u32 v12, $0x5;
	v12 =	vshrl.u32 v12, $0xA;
	v21 =	vld [tilespmem:s22+$0x20];
	s22 =	smov.u32 s24  }
0xb8: {  	v14 =	vor.u32 $0x80000000, v14;
	v20 =	vor.u32 v0, v20;
	vm4 =	veq.s32 v12, v4;
	[tilespmem:v13+s15+$0x0] =	vst.idx.add.s32.msk vm3, v2  }
0xb9: {  	v13 =	vor.u32 $0x80000000, v19;
	v12 =	vshra.s32 v7, $0x1F;
	v19 =	vand.u32 $0x7FEF, v20;
	[tilespmem:v10+s15+$0x0] =	vst.idx.add.s32.msk vm2, v2  }
0xba: {  	v11 =	vxor.u32 v16, v11;
	v10 =	vor.u32 $0x80000000, v12;
	v12 =	vxor.u32 v17, v14;
	[tilespmem:v9+s15+$0x0] =	vst.idx.add.s32.msk vm1, v2  }
0xbb: {  	v8 =	vxor.u32 v8, v13;
	v9 =	vshll.u32 v11, $0x5;
	v7 =	vxor.u32 v7, v10;
	[tilespmem:v5+s15+$0x0] =	vst.idx.add.s32.msk vm0, v2  }
0xbc: {  	v13 =	vshll.u32 v8, $0x5;
	v10 =	vshll.u32 v12, $0x5;
	v5 =	vshll.u32 v7, $0x5  }
0xbd: {  	v9 =	vor.u32 v0, v9;
	v7 =	vshrl.u32 v7, $0xA;
	v5 =	vor.u32 v0, v5  }
0xbe: {  	v11 =	vshrl.u32 v11, $0xA;
	v12 =	vshrl.u32 v12, $0xA;
	v10 =	vor.u32 v0, v10;
	[tilespmem:v19+s15+$0x0] =	vst.idx.add.s32.msk vm4, v2  }
0xbf: {  	v8 =	vshrl.u32 v8, $0xA;
	vm0 =	veq.s32 v7, v4;
	v7 =	vor.u32 v0, v13;
	v13 =	vld [tilespmem:s24+$0x40]  }
0xc0: {  	vm1 =	veq.s32 v11, v4;
	v11 =	vand.u32 $0x7FEF, v9;
	v5 =	vand.u32 $0x7FEF, v5  }
0xc1: {  	vm3 =	veq.s32 v8, v4;
	vm2 =	veq.s32 v12, v4;
	v12 =	vand.u32 $0x7FEF, v10  }
0xc2: {  	v8 =	vshra.s32 v15, $0x1F;
	v14 =	vand.u32 $0x7FEF, v7;
	v7 =	vshra.s32 v6, $0x1F  }
0xc3: {  	v9 =	vor.u32 $0x80000000, v8;
	v10 =	vshra.s32 v21, $0x1F;
	v7 =	vor.u32 $0x80000000, v7  }
0xc4: {  	v8 =	vxor.u32 v6, v7;
	v6 =	vor.u32 $0x80000000, v10;
	v16 =	vshra.s32 v13, $0x1F  }
.Ltmp2:
0xc5: {  	v9 =	vxor.u32 v15, v9;
	v7 =	vxor.u32 v21, v6;
	[tilespmem:v5+s15+$0x0] =	vst.idx.add.s32.msk vm0, v2;
	v5 =	vor.u32 $0x80000000, v16;
	(pc) =	sbr.rel @p1 .LBB2_7-.Ltmp2, $4  }
0xc6: {  	v10 =	vshll.u32 v8, $0x5;
	[tilespmem:v11+s15+$0x0] =	vst.idx.add.s32.msk vm1, v2;
	v5 =	vxor.u32 v13, v5;
	v13 =	vshll.u32 v18, $0x5  }
0xc7: {  	v11 =	vshll.u32 v9, $0x5;
	[tilespmem:v12+s15+$0x0] =	vst.idx.add.s32.msk vm2, v2;
	v6 =	vshll.u32 v5, $0x5;
	v5 =	vshrl.u32 v5, $0xA  }
0xc8: {  	v12 =	vshll.u32 v7, $0x5;
	[tilespmem:v14+s15+$0x0] =	vst.idx.add.s32.msk vm3, v2;
	v14 =	vor.u32 v3, v6;
	vm0 =	veq.s32 v5, v4  }
0xc9: {  	s24 =	sadd.s32 $0xA0, s24;
	v13 =	vor.u32 v3, v13;
	v6 =	vld [tilespmem:s22+$0xFFFFFFC0];
	v5 =	vand.u32 $0x7FFF, v14;
	v14 =	vshrl.u32 v18, $0xA  }
0xca: {  	v15 =	vld [tilespmem:s22+$0xFFFFFFE0]  }
0xcb: {  	v10 =	vor.u32 v3, v10;
	v8 =	vshrl.u32 v8, $0xA;
	vm1 =	veq.s32 v14, v4;
	v54 =	vld [tilespmem:s22+$0x0]  }
0xcc: {  	v11 =	vor.u32 v3, v11;
	v9 =	vshrl.u32 v9, $0xA;
	v55 =	vld [tilespmem:s22+$0x20];
	v12 =	vor.u32 v3, v12  }
0xcd: {  	v7 =	vshrl.u32 v7, $0xA;
	v13 =	vand.u32 $0x7FFF, v13;
	vm2 =	veq.s32 v8, v4  }
0xce: {  	v10 =	vand.u32 $0x7FFF, v10;
	vm3 =	veq.s32 v9, v4;
	vm4 =	veq.s32 v7, v4  }
0xcf: {  	v11 =	vand.u32 $0x7FFF, v11;
	v12 =	vand.u32 $0x7FFF, v12;
	v56 =	vshra.s32 v6, $0x1F  }
0xd0: {  	v7 =	vor.u32 $0x80000000, v56;
	v57 =	vshra.s32 v15, $0x1F;
	v58 =	vshra.s32 v54, $0x1F  }
0xd1: {  	v59 =	vshra.s32 v55, $0x1F;
	v6 =	vxor.u32 v6, v7;
	v7 =	vor.u32 $0x80000000, v57  }
0xd2: {  	v9 =	vor.u32 $0x80000000, v58;
	v7 =	vxor.u32 v15, v7;
	v15 =	vor.u32 $0x80000000, v59  }
0xd3: {  	v9 =	vxor.u32 v54, v9;
	v60 =	vshll.u32 v6, $0x5;
	v6 =	vshrl.u32 v6, $0xA  }
0xd4: {  	v8 =	vxor.u32 v55, v15;
	v61 =	vshll.u32 v7, $0x5;
	v7 =	vshrl.u32 v7, $0xA  }
0xd5: {  	vm5 =	veq.s32 v6, v4;
	v6 =	vshll.u32 v9, $0x5;
	v14 =	vor.u32 v3, v60  }
0xd6: {  	vm6 =	veq.s32 v7, v4;
	v7 =	vshll.u32 v8, $0x5;
	v15 =	vor.u32 v3, v61  }
0xd7: {  	[tilespmem:v5+s15+$0x0] =	vst.idx.add.s32.msk vm0, v2;
	v5 =	vor.u32 v3, v6;
	v6 =	vshrl.u32 v9, $0xA;
	v62 =	vand.u32 $0x7FFF, v14  }
0xd8: {  	[tilespmem:v13+s15+$0x0] =	vst.idx.add.s32.msk vm1, v2;
	v8 =	vshrl.u32 v8, $0xA;
	v63 =	vand.u32 $0x7FFF, v15;
	vm14 =	veq.s32 v6, v4  }
0xd9: {  	[tilespmem:v10+s15+$0x0] =	vst.idx.add.s32.msk vm2, v2;
	v6 =	vor.u32 v3, v7;
	v5 =	vand.u32 $0x7FFF, v5;
	vm15 =	veq.s32 v8, v4  }
0xda: {  	[tilespmem:v11+s15+$0x0] =	vst.idx.add.s32.msk vm3, v2;
	v6 =	vand.u32 $0x7FFF, v6  }
.Ltmp3:
0xdb: {  	[tilespmem:v12+s15+$0x0] =	vst.idx.add.s32.msk vm4, v2;
	(pc) =	sbr.rel @p0 .LBB2_9-.Ltmp3, $4  }
0xdc: {  	[tilespmem:v62+s15+$0x0] =	vst.idx.add.s32.msk vm5, v2  }
0xdd: {  	[tilespmem:v63+s15+$0x0] =	vst.idx.add.s32.msk vm6, v2  }
0xde: {  	[tilespmem:v5+s15+$0x0] =	vst.idx.add.s32.msk vm14, v2  }
0xdf: {  	[tilespmem:v6+s15+$0x0] =	vst.idx.add.s32.msk vm15, v2  }
0xe0: {  	s22 =	smul.u32 $0x6400, s21  }
.Ltmp4:
0xe1: {  	_ = 	snop;
	(pc) =	sbr.rel .LBB2_4-.Ltmp4, $4  }
0xe2: {  	s22 =	sadd.s32 s22, s8  }
0xe3: {  	s22 =	sshrl.u32 s22, $0x3  }
0xe4: {  	s21 =	sadd.s32 $0x1, s21;
	s22 =	sadd.s32 s2, s22  }
0xe5: {  	[tilespmem:s13], [sflag:$0x2] =	stream.linear.gather [hbm4b:s22+s3], $0x3200, $0x38;
	[tilespmem:$0x12480] =	vst v63  }
.LBB2_9:
0xe6: {  	s22 =	simm.s32 $0x6410  }
0xe7: {  	v4 =	vld [tilespmem:s22+$0x0]  }
0xe8: {  	s21 =	simm.s32 $0x0;
	s23 =	simm.s32 $0x40;
	v5 =	vld [tilespmem:s22+$0xFFFFFFF0]  }
.LBB2_10:
0xe9: {  	p0 =	sne.s32 s23, $0xFFC0;
	_ =	sdelay $0x2  }
.Ltmp5:
0xea: {  	(pc) =	sbr.rel @p0 .LBB2_10-.Ltmp5, $4  }
0xeb: {  	s24 =	sshra.s32 s21, $0x2;
	s21 =	smov.u32 s23;
	v4 =	vadd.s32 v5, v4  }
0xec: {  	s22 =	sadd.s32 $0x20, s22;
	[tilespmem:s24+$0xE400] =	vst v4  }
0xed: {  	v4 =	vld [tilespmem:s22+$0x0]  }
0xee: {  	s23 =	sadd.s32 $0x40, s23;
	v5 =	vld [tilespmem:s22+$0xFFFFFFF0]  }
0xef: {  	_ =	sdelay $0x2  }
0xf0: {  	s20 =	sadd.s32 $0x1, s20  }
0xf1: {  	s21 =	sshra.s32 s21, $0x2;
	p0 =	sne.s32 s20, s10;
	v4 =	vadd.s32 v5, v4  }
.Ltmp6:
0xf2: {  	[tilespmem:s21+$0xE400] =	vst v4;
	(pc) =	sbr.rel @p0 .LBB2_1-.Ltmp6, $4  }
0xf3: {  	[hbm4b:s9+s17] =	stream.strided.scatter [tilespmem:s19], [sflag:$0x3], $0x4000, s18, s17, $0x38;
	[tilespmem:$0x12480] =	vst v63  }
0xf4: {  	_ =	swait.ge [sflag:s12], $0x4000  }
0xf5: {  	[sflag:s12] =	ssyncset.done $0x0  }
0xf6: {  	[sflag:s12] =	ssyncadd.s32 $0xFFFFC000  }
0xf7: {  	_ =	sfence.sel $0x180000  }
0xf8: {  	[bflag:$0x0] =	sbarrier.arrive $0xFFFF  }
0xf9: {  	p0 =	sne.s32 s1, $0x0;
	_ =	strace $0x9000004D  }
0xfa: {  	s0 =	sadd.s32 @!p0 $0x100000, s0;
	[bflag:$0x2] =	sbarrier.arrive $0xFFFF  }
0xfb: {  	[sflag:s0] =	ssyncadd.tile.s32 @!p0 $0x1;
	_ =	shalt  }
.Lfunc_end2:
_tile_overlayer_lowered:
.L_overlay_start_2:
0xfc: {  	(tag) =	ssettag $0x2  }
0xfd: {  	s0 =	rddreg [dreg:$0x0];
	s2 =	stileid.u32  }
0xfe: {  	s1 =	rddreg [dreg:$0x1];
	p0 =	sne.s32 s2, $0x0  }
0xff: {  	s3 =	rddreg [dreg:$0x2];
	[bflag:$0x3] =	sbarrier.arrive $0xFFFF;
	s2 =	simm.s32 @!p0 $0x1C03  }
0x100: {  	[timem:s3], [sflag:s2] =	dma.local @!p0 [hbm:s0], s1  }
0x101: {  	s0 =	simm.s32 @!p0 $0x3  }
0x102: {  	_ =	swait.ge @!p0 [sflag:s0], s1  }
0x103: {  	s1 =	ssub.s32 @!p0 $0x0, s1;
	[sflag:s0] =	ssyncset.done @!p0 $0x0  }
0x104: {  	[sflag:s0] =	ssyncadd.s32 @!p0 s1  }
0x105: {  	[bflag:$0x3] =	sbarrier.arrive $0xFFFF  }
0x106: {  	_ =	shalt  }

// kernel: kernel.6.cloned.1.call-start
scs
__scs_entry_jumppad:
0x0: {  	(pc) =	sbr.rel $0x88, $3  }
0x1: {  	(tag) =	ssettag $0x0;
	lr =	simm.s32 $0x1  }
0x2: {  	[smem:$0x3FA0] =	sst lr;
	_ =	strace $0xD0000000  }
0x3: {  	_ = 	snop  }
0x4: {  	_ = 	snop  }
0x5: {  	_ = 	snop  }
0x6: {  	_ = 	snop  }
0x7: {  	_ = 	snop  }
__scs_overlays_trampoline_lowered:
0x8: {  	[smem:$0x3FAF] =	sst s0  }
0x9: {  	[smem:$0x3FB0] =	sst s1  }
0xa: {  	[smem:$0x3FB1] =	sst s2  }
0xb: {  	[smem:$0x3FB2] =	sst s3  }
0xc: {  	[smem:$0x3FB3] =	sst s4  }
0xd: {  	[smem:$0x3FB4] =	sst s5  }
0xe: {  	[smem:$0x3FB5] =	sst s6  }
0xf: {  	[smem:$0x3FB6] =	sst s7  }
0x10: {  	[smem:$0x3FB7] =	sst s8  }
0x11: {  	[smem:$0x3FB8] =	sst s9;
	s0 =	simm.s32 @!p0 $0x0  }
0x12: {  	s1 =	sld [smem:$0x3F9E];
	s0 =	simm.s32 @p0 $0x1  }
0x13: {  	[smem:$0x3FB9] =	sst s0;
	s0 =	simm.s32 @!p1 $0x0  }
0x14: {  	s2 =	sld [smem:$0x3F9D];
	s0 =	simm.s32 @p1 $0x1  }
0x15: {  	[smem:$0x3FBA] =	sst s0;
	s0 =	simm.s32 @!p2 $0x0  }
0x16: {  	s3 =	sld [smem:$0x3FDB];
	s0 =	simm.s32 @p2 $0x1  }
0x17: {  	s4 =	simm.s32 $0x1BF5;
	[smem:$0x3FBC] =	sst s0  }
0x18: {  	s0 =	sld [smem:$0x3F9F];
	_ =	swait.ge [sflag:s4], $0x0  }
0x19: {  	s7 =	sld [smem:$0x3FA0]  }
0x1a: {  	s8 =	sadd.s32 $0xFFFFE003, lr  }
0x1b: {  	s9 =	sadd.s32 $0xFFFFFEF7, lr;
	s5 =	simm.s32 $0xFFFFFFFF;
	p2 =	slt.u32 s8, $0xFFFFF086  }
0x1c: {  	p1 =	slt.u32 s9, $0xF7A;
	s5 =	simm.s32 @!p2 $0x0  }
0x1d: {  	s5 =	simm.s32 @p1 $0x1;
	p0 =	seq.s32 s7, s2  }
0x1e: {  	s7 =	smul.u32 @!p0 $0xF7A, s2;
	p2 =	seq.s32 @!p0 s5, $0x0  }
0x1f: {  	s9 =	smul.u32 $0xF7A, s1;
	s8 =	simm.s32 @!p0 $0x1BF5;
	p2 =	por !p2, p0  }
0x20: {  	[sflag:s8] =	ssyncset.s32 @!p0 $0xFFFFF086;
	s6 =	sadd.s32 @!p0 s3, s7;
	s7 =	simm.s32 @!p0 $0x108  }
0x21: {  	s3 =	sadd.s32 s3, s9;
	s6 =	sadd.s32 @!p0 $0x88, s6;
	s7 =	simm.s32 @p2 $0x1082  }
0x22: {  	[simem:s7], [sflag:s8] =	dma.local @!p0 [hbm:s6], $0xF7A  }
0x23: {  	s9 =	sor.u32 $0xD0000000, s2;
	s6 =	simm.s32 $0x108;
	_ =	swait.ge @!p0 [sflag:s8], $0x0  }
0x24: {  	s3 =	sadd.s32 $0x88, s3;
	s6 =	simm.s32 @!p1 $0x1082;
	[sflag:s4] =	ssyncset.s32 $0xFFFFF086  }
0x25: {  	[simem:s6], [sflag:s4] =	dma.local [hbm:s3], $0xF7A  }
0x26: {  	[smem:$0x3FA0] =	sst s1;
	(tag) =	ssettag s2;
	_ =	strace s9  }
0x27: {  	s1 =	sld [smem:$0x3FB0]  }
0x28: {  	s2 =	sld [smem:$0x3FB1]  }
0x29: {  	s4 =	sld [smem:$0x3FB3]  }
0x2a: {  	p0 =	seq.s32 s5, $0x0;
	s5 =	sld [smem:$0x3FB4]  }
0x2b: {  	s6 =	sld [smem:$0x3FB5]  }
0x2c: {  	s7 =	sld [smem:$0x3FB6]  }
0x2d: {  	s3 =	simm.s32 $0x108;
	s8 =	sld [smem:$0x3FB7]  }
0x2e: {  	s3 =	simm.s32 @!p0 $0x1082;
	s9 =	sld [smem:$0x3FB8]  }
0x2f: {  	lr =	sadd.s32 s0, s3;
	s0 =	sld [smem:$0x3FAF]  }
0x30: {  	s3 =	sld [smem:$0x3FB2]  }
0x31: {  	[smem:$0x3FBB] =	sst s10  }
0x32: {  	s10 =	sld [smem:$0x3FB9];
	_ =	sdelay $0x3  }
0x33: {  	p0 =	seq.s32 s10, $0x1;
	s10 =	sld [smem:$0x3FBB];
	_ =	sdelay $0x3  }
0x34: {  	[smem:$0x3FBB] =	sst s10  }
0x35: {  	s10 =	sld [smem:$0x3FBA];
	_ =	sdelay $0x3  }
0x36: {  	p1 =	seq.s32 s10, $0x1;
	s10 =	sld [smem:$0x3FBB];
	_ =	sdelay $0x3  }
0x37: {  	[smem:$0x3FBB] =	sst s10  }
0x38: {  	s10 =	sld [smem:$0x3FBC]  }
0x39: {  	_ = 	snop;
	(pc) =	sbr.ind lr, $3  }
0x3a: {  	_ = 	snop  }
0x3b: {  	_ = 	snop  }
0x3c: {  	p2 =	seq.s32 s10, $0x1;
	s10 =	sld [smem:$0x3FBB]  }
0x3d: {  	_ =	shalt  }
0x3e: {  	_ =	shalt  }
0x3f: {  	_ =	shalt  }
0x40: {  	_ =	shalt  }
0x41: {  	_ =	shalt  }
0x42: {  	_ =	shalt  }
0x43: {  	_ =	shalt  }
0x44: {  	_ =	shalt  }
0x45: {  	_ =	shalt  }
0x46: {  	_ =	shalt  }
0x47: {  	_ =	shalt  }
0x48: {  	_ =	shalt  }
0x49: {  	_ =	shalt  }
0x4a: {  	_ =	shalt  }
0x4b: {  	_ =	shalt  }
0x4c: {  	_ =	shalt  }
0x4d: {  	_ =	shalt  }
0x4e: {  	_ =	shalt  }
0x4f: {  	_ =	shalt  }
0x50: {  	_ =	shalt  }
0x51: {  	_ =	shalt  }
0x52: {  	_ =	shalt  }
0x53: {  	_ =	shalt  }
0x54: {  	_ =	shalt  }
0x55: {  	_ =	shalt  }
0x56: {  	_ =	shalt  }
0x57: {  	_ =	shalt  }
0x58: {  	_ =	shalt  }
0x59: {  	_ =	shalt  }
0x5a: {  	_ =	shalt  }
0x5b: {  	_ =	shalt  }
0x5c: {  	_ =	shalt  }
0x5d: {  	_ =	shalt  }
0x5e: {  	_ =	shalt  }
0x5f: {  	_ =	shalt  }
0x60: {  	_ =	shalt  }
0x61: {  	_ =	shalt  }
0x62: {  	_ =	shalt  }
0x63: {  	_ =	shalt  }
0x64: {  	_ =	shalt  }
0x65: {  	_ =	shalt  }
0x66: {  	_ =	shalt  }
0x67: {  	_ =	shalt  }
0x68: {  	_ =	shalt  }
0x69: {  	_ =	shalt  }
0x6a: {  	_ =	shalt  }
0x6b: {  	_ =	shalt  }
0x6c: {  	_ =	shalt  }
0x6d: {  	_ =	shalt  }
0x6e: {  	_ =	shalt  }
0x6f: {  	_ =	shalt  }
0x70: {  	_ =	shalt  }
0x71: {  	_ =	shalt  }
0x72: {  	_ =	shalt  }
0x73: {  	_ =	shalt  }
0x74: {  	_ =	shalt  }
0x75: {  	_ =	shalt  }
0x76: {  	_ =	shalt  }
0x77: {  	_ =	shalt  }
0x78: {  	_ =	shalt  }
0x79: {  	_ =	shalt  }
0x7a: {  	_ =	shalt  }
0x7b: {  	_ =	shalt  }
0x7c: {  	_ =	shalt  }
0x7d: {  	_ =	shalt  }
0x7e: {  	_ =	shalt  }
0x7f: {  	_ =	shalt  }
0x80: {  	_ =	shalt  }
0x81: {  	_ =	shalt  }
0x82: {  	_ =	shalt  }
0x83: {  	_ =	shalt  }
0x84: {  	_ =	shalt  }
0x85: {  	_ =	shalt  }
0x86: {  	_ =	shalt  }
0x87: {  	_ =	shalt  }
.Lfunc_end0:
.L_simem_size_0:
called_computation_lowered:
.L_overlay_start_0:
0x88: {  	s2 =	sld [smem:$0x3FD9]  }
0x89: {  	s3 =	sld [smem:$0x3FFE];
	_ =	sdelay $0x1  }
0x8a: {  	s1 =	srdreg.scid  }
0x8b: {  	s0 =	sand.u32 $0x1, s1  }
0x8c: {  	s17 =	sshll.u32 s0, $0xA;
	s2 =	sadd.s32 s3, s2  }
0x8d: {  	s2 =	sadd.s32 s2, s17  }
0x8e: {  	[smem:$0x3FC7] =	sst s2  }
0x8f: {  	_ = 	snop  }
0x90: {  	s2 =	sld [smem:$0x3FD0];
	(tm) =	ssettm $0x1  }
0x91: {  	s18 =	sld [smem:$0x3FFB];
	_ =	sdelay $0x3  }
0x92: {  	_ =	strace s18  }
0x93: {  	s3 =	sld [smem:$0x3FFC];
	_ =	sdelay $0x3  }
0x94: {  	_ =	strace s3  }
0x95: {  	s3 =	sld [smem:$0x3FFD];
	_ =	sdelay $0x3  }
0x96: {  	_ =	strace s3  }
0x97: {  	_ =	strace $0x8FFFFFFF  }
0x98: {  	s19 =	sld [smem:$0x3FDB];
	_ =	sdelay $0x1  }
0x99: {  	s4 =	simm.s32 $_scs_section_size  }
0x9a: {  	s5 =	simm.s32 $_size__tile_overlayer_lowered;
	s6 =	simm.s32 $_tile_overlayer_lowered  }
0x9b: {  	s22 =	simm.s32 $0x1BFF;
	s21 =	sshll.u32 s6, $0x1;
	s3 =	sadd.s32 s4, s19  }
0x9c: {  	s7 =	simm.s32 $0x0;
	s20 =	sshll.u32 s5, $0x1;
	s5 =	sadd.s32 s21, s3  }
0x9d: {  	[timem:s7], [sflag:s22] =	dma.local [hbm:s5], s20  }
0x9e: {  	_ =	swait.ge [sflag:s22], s20  }
0x9f: {  	s4 =	ssub.s32 $0x0, s20;
	[sflag:s22] =	ssyncset.done $0x0  }
0xa0: {  	[sflag:s22] =	ssyncadd.s32 s4;
	_ =	sdelay $0x1  }
0xa1: {  	s23 =	simm.s32 $0x1B8B  }
0xa2: {  	_ =	swait.ge [sflag:s23], $0x1  }
0xa3: {  	[sflag:s23] =	ssyncset.done $0x0  }
0xa4: {  	s25 =	simm.s32 $0x1B8E;
	s24 =	sld [smem:$0x3FFE];
	[sflag:s23] =	ssyncadd.s32 $0xFFFFFFFF  }
0xa5: {  	s26 =	simm.s32 $execute0_lowered;
	[smem:$0x3FD2] =	sst s25  }
0xa6: {  	s5 =	sshll.u32 s26, $0x1;
	_ =	strace $0x80000046;
	[dreg:$0x1] =	wrdreg $0xFFFFFFFF  }
0xa7: {  	s28 =	simm.s32 $_size_execute0_lowered;
	s3 =	sadd.s32 s3, s5;
	[dreg:$0x0] =	wrdreg $0x0  }
0xa8: {  	s5 =	sshll.u32 s28, $0x1;
	[dreg:$0x2] =	wrdreg s3  }
0xa9: {  	[dreg:$0x3] =	wrdreg s5  }
0xaa: {  	[dreg:$0x4] =	wrdreg $0xC0  }
0xab: {  	_ =	task [dreg:s7], $0x5FFFF  }
0xac: {  	[dreg:$0x1] =	wrdreg $0xFFFFFFFF  }
0xad: {  	[dreg:$0x0] =	wrdreg $0x60  }
0xae: {  	[dreg:$0x2] =	wrdreg s2  }
0xaf: {  	[dreg:$0x3] =	wrdreg s24  }
0xb0: {  	[dreg:$0x4] =	wrdreg $0x9  }
0xb1: {  	_ =	task.clear_ibuf [dreg:s7], $0x5FFFF;
	_ =	strace $0x90000046  }
0xb2: {  	s29 =	simm.s32 $0x9;
	_ =	strace $0x80000048  }
0xb3: {  	_ =	swait.ge [sflag:s29], $0x1  }
0xb4: {  	[sflag:s29] =	ssyncadd.s32 $0xFFFFFFFF  }
0xb5: {  	_ =	strace $0x90000048  }
0xb6: {  	_ =	sfence  }
0xb7: {  	s30 =	sld [smem:$0x0];
	_ =	sdelay $0x2  }
0xb8: {  	s31 =	sshll.u32 s1, $0xD;
	s1 =	sshrl.u32 s1, $0x2  }
0xb9: {  	s3 =	sand.u32 $0x4000, s31;
	s1 =	sadd.s32 s1, s30  }
0xba: {  	s0 =	sor.u32 s3, s0;
	s1 =	sshll.u32 s1, $0x11  }
0xbb: {  	s0 =	sor.u32 s1, s0  }
0xbc: {  	s0 =	sadd.s32 $0x8F2B, s0  }
0xbd: {  	[sflag:s0] =	ssyncadd.remote.s32 $0x1  }
0xbe: {  	_ =	sfence.sel $0xFFFF  }
0xbf: {  	[dreg:$0x0] =	wrdreg $0xFFFFFFFF;
	(pc) =	sbr.abs _section_cstart, $3  }
0xc0: {  	[dreg:$0x1] =	wrdreg $0xFFFFFFFF  }
0xc1: {  	_ =	task.clear_ibuf [dreg:s7], $0x2FFFF;
	_ =	strace $0x9FFFFFFF  }
0xc2: {  	(tm) =	ssettm $0x7FFFFFFF  }
0xc3: {  	_ =	shalt  }
tec
execute0_lowered:
.L_overlay_start_1:
0x0: {  	(tag) =	ssettag $0x1  }
0x1: {  	s2 =	rddreg [dreg:$0x0]  }
0x2: {  	s4 =	rddreg [dreg:$0x1]  }
0x3: {  	s1 =	stileid.u32;
	s3 =	srdreg.scid  }
0x4: {  	s0 =	rddreg [dreg:$0x2];
	s11 =	simm.s32 $0x1;
	s12 =	simm.s32 $0x6400  }
0x5: {  	s13 =	simm.s32 $0x2;
	s14 =	simm.s32 $0x80;
	s15 =	simm.s32 $0x400  }
0x6: {  	s16 =	simm.s32 $0x16400;
	s17 =	simm.s32 $0x3;
	s18 =	simm.s32 $0x0  }
0x7: {  	s5 =	sand.u32 $0x1, s3;
	s6 =	sshll.u32 s1, $0x1;
	s3 =	simm.s32 $0x0  }
0x8: {  	s7 =	sshll.u32 s1, $0xD;
	s6 =	sor.u32 s5, s6;
	[smem:$0x7FF] =	sst s3  }
0x9: {  	s7 =	sand.u32 $0x18000, s7;
	s30 =	ssub.s32 $0x2, s5;
	s8 =	smul.u32 $0x30D400, s6  }
0xa: {  	_ =	strace $0x80000047;
	s7 =	sadd.s32 s7, s4;
	s5 =	sshrl.u32 s30, $0x1  }
0xb: {  	s6 =	sshll.u32 s6, $0x4;
	s10 =	ssub.s32 s30, s5;
	s9 =	sshrl.u32 s8, $0x3  }
0xc: {  	s31 =	sand.u32 $0x70, s6;
	s6 =	sadd.s32 $0x6400, s8;
	s4 =	sadd.s32 s2, s9  }
0xd: {  	v0 =	vlaneseq.u32;
	s9 =	sadd.s32 s31, s7;
	s7 =	sadd.s32 $0x9600, s8;
	s5 =	sadd.s32 $0x640, s4  }
0xe: {  	v1 =	vimm.s32 $0x0;
	v2 =	vimm.s32 $0x1;
	v3 =	vor.u32 $0x10, v0;
	s8 =	sadd.s32 $0xC38000, s9;
	s9 =	smax.u32 s10, $0x1;
	s10 =	simm.s32 $0x3200  }
.LBB2_1:
0xf: {  	s19 =	simm.s32 $0x40;
	s20 =	simm.s32 $0x0  }
.LBB2_2:
0x10: {  	p0 =	sne.s32 s19, $0x3FFC0;
	[tilespmem:s20+$0x6400] =	vst v1;
	s20 =	smov.u32 s19;
	s19 =	sadd.s32 $0x40, s19  }
.Ltmp0:
0x11: {  	(pc) =	sbr.rel @p0 .LBB2_2-.Ltmp0, $2  }
0x12: {  	_ =	sdelay $0x2  }
0x13: {  	s20 =	sshra.s32 s20, $0x2  }
0x14: {  	[tilespmem:s20+$0x6400] =	vst v1;
	s19 =	simm.s32 $0x0  }
0x15: {  	[tilespmem:s19], [sflag:$0x1] =	stream.linear.gather [hbm4b:s4+s19], $0x3200, $0x38;
	[tilespmem:$0x1E400] =	vst v63  }
0x16: {  	_ = 	snop  }
0x17: {  	[tilespmem:s10], [sflag:$0x2] =	stream.linear.gather [hbm4b:s5+s19], $0x3200, $0x38;
	[tilespmem:$0x1E400] =	vst v63  }
.LBB2_4:
0x18: {  	_ =	swait.ge [sflag:s11], $0x3200  }
0x19: {  	[sflag:s11] =	ssyncset.done $0x0  }
0x1a: {  	s21 =	simm.s32 $0x50;
	[sflag:s11] =	ssyncadd.s32 $0xFFFFCE00  }
0x1b: {  	v4 =	vld [tilespmem:s21+$0x30];
	_ =	sdelay $0x4  }
0x1c: {  	v5 =	vshra.s32 v4, $0x1F  }
0x1d: {  	v5 =	vor.u32 $0x80000000, v5  }
0x1e: {  	v4 =	vxor.u32 v4, v5;
	v5 =	vld [tilespmem:s21+$0xFFFFFFD0]  }
0x1f: {  	v7 =	vld [tilespmem:s21+$0xFFFFFFB0];
	v4 =	vshrl.u32 v4, $0x10  }
0x20: {  	v4 =	vand.u32 $0xFFE0, v4  }
0x21: {  	v6 =	vld [tilespmem:s21+$0xFFFFFFF0];
	v4 =	vor.u32 v0, v4  }
0x22: {  	v8 =	vld [tilespmem:s21+$0x10]  }
0x23: {  	v9 =	vshra.s32 v5, $0x1F  }
0x24: {  	v11 =	vshra.s32 v7, $0x1F;
	v9 =	vor.u32 $0x80000000, v9  }
0x25: {  	v11 =	vor.u32 $0x80000000, v11;
	v5 =	vxor.u32 v5, v9  }
0x26: {  	v10 =	vshra.s32 v6, $0x1F;
	v7 =	vxor.u32 v7, v11;
	[tilespmem:v4+s12+$0x0] =	vst.idx.add.s32.msk $0xffff, v2;
	v5 =	vshrl.u32 v5, $0x10  }
0x27: {  	v4 =	vor.u32 $0x80000000, v10;
	v10 =	vshra.s32 v8, $0x1F;
	v12 =	vld [tilespmem:s21+$0x40];
	v5 =	vand.u32 $0xFFE0, v5  }
0x28: {  	s20 =	simm.s32 $0xF0;
	v4 =	vxor.u32 v6, v4;
	v6 =	vshrl.u32 v7, $0x10;
	v5 =	vor.u32 v0, v5  }
0x29: {  	v9 =	vld [tilespmem:s20+$0xFFFFFFD0];
	v10 =	vor.u32 $0x80000000, v10;
	v4 =	vshrl.u32 v4, $0x10;
	v6 =	vand.u32 $0xFFE0, v6  }
0x2a: {  	v7 =	vxor.u32 v8, v10;
	v8 =	vld [tilespmem:s20+$0x30];
	v6 =	vor.u32 v0, v6;
	v4 =	vand.u32 $0xFFE0, v4  }
0x2b: {  	v13 =	vld [tilespmem:s20+$0x10];
	v7 =	vshrl.u32 v7, $0x10;
	v4 =	vor.u32 v0, v4  }
0x2c: {  	v11 =	vld [tilespmem:s20+$0xFFFFFFF0];
	v7 =	vand.u32 $0xFFE0, v7;
	v10 =	vshra.s32 v12, $0x1F  }
0x2d: {  	v7 =	vor.u32 v0, v7;
	v10 =	vor.u32 $0x80000000, v10;
	[tilespmem:v5+s12+$0x0] =	vst.idx.add.s32.msk $0xffff, v2  }
0x2e: {  	v10 =	vxor.u32 v12, v10;
	v12 =	vld [tilespmem:s20+$0xFFFFFFB0]  }
0x2f: {  	v5 =	vshra.s32 v9, $0x1F;
	[tilespmem:v6+s12+$0x0] =	vst.idx.add.s32.msk $0xffff, v2;
	v6 =	vshra.s32 v8, $0x1F  }
0x30: {  	v10 =	vshrl.u32 v10, $0x10;
	v6 =	vor.u32 $0x80000000, v6;
	[tilespmem:v4+s12+$0x0] =	vst.idx.add.s32.msk $0xffff, v2;
	v4 =	vor.u32 $0x80000000, v5  }
0x31: {  	v5 =	vshra.s32 v11, $0x1F;
	v10 =	vand.u32 $0xFFE0, v10;
	v6 =	vxor.u32 v8, v6  }
0x32: {  	[tilespmem:v7+s12+$0x0] =	vst.idx.add.s32.msk $0xffff, v2;
	v5 =	vor.u32 $0x80000000, v5;
	v7 =	vshra.s32 v13, $0x1F;
	v4 =	vxor.u32 v9, v4  }
0x33: {  	v14 =	vld [tilespmem:s21+$0xFFFFFFC0];
	v10 =	vor.u32 v3, v10;
	v6 =	vshrl.u32 v6, $0x10;
	v7 =	vor.u32 $0x80000000, v7  }
0x34: {  	v4 =	vshrl.u32 v4, $0x10;
	v6 =	vand.u32 $0xFFE0, v6;
	v8 =	vshra.s32 v12, $0x1F  }
0x35: {  	v15 =	vld [tilespmem:s21+$0xFFFFFFE0];
	v5 =	vxor.u32 v11, v5;
	v9 =	vor.u32 v0, v6;
	v8 =	vor.u32 $0x80000000, v8  }
0x36: {  	v5 =	vshrl.u32 v5, $0x10;
	v7 =	vxor.u32 v13, v7;
	v6 =	vxor.u32 v12, v8  }
0x37: {  	v16 =	vld [tilespmem:s21+$0x0];
	v4 =	vand.u32 $0xFFE0, v4;
	v7 =	vshrl.u32 v7, $0x10;
	v8 =	vshrl.u32 v6, $0x10  }
0x38: {  	v5 =	vand.u32 $0xFFE0, v5;
	v12 =	vshra.s32 v14, $0x1F;
	v6 =	vld [tilespmem:s21+$0x20];
	v8 =	vand.u32 $0xFFE0, v8  }
0x39: {  	v11 =	vor.u32 v0, v8;
	v8 =	vand.u32 $0xFFE0, v7;
	v7 =	vor.u32 v0, v4  }
0x3a: {  	v4 =	vor.u32 v0, v5;
	[tilespmem:v9+s12+$0x0] =	vst.idx.add.s32.msk $0xffff, v2;
	v5 =	vor.u32 v0, v8;
	v8 =	vshra.s32 v15, $0x1F  }
0x3b: {  	v9 =	vor.u32 $0x80000000, v12;
	v12 =	vor.u32 $0x80000000, v8;
	v8 =	vld [tilespmem:s20+$0x40]  }
0x3c: {  	[tilespmem:v10+s12+$0x0] =	vst.idx.add.s32.msk $0xffff, v2;
	v10 =	vshra.s32 v16, $0x1F;
	v14 =	vxor.u32 v14, v9  }
0x3d: {  	v17 =	vor.u32 $0x80000000, v10;
	v10 =	vshrl.u32 v14, $0x10;
	v13 =	vshra.s32 v6, $0x1F  }
0x3e: {  	s22 =	simm.s32 $0x190;
	s21 =	simm.s32 $0xA;
	v9 =	vor.u32 $0x80000000, v13;
	[tilespmem:v11+s12+$0x0] =	vst.idx.add.s32.msk $0xffff, v2;
	v11 =	vxor.u32 v15, v12;
	v12 =	vxor.u32 v16, v17  }
.LBB2_5:
0x3f: {  	v13 =	vld [tilespmem:s22+$0x30];
	s21 =	sadd.s32 $0xA, s21;
	v11 =	vshrl.u32 v11, $0x10;
	v12 =	vshrl.u32 v12, $0x10;
	v6 =	vxor.u32 v6, v9  }
0x40: {  	v10 =	vand.u32 $0xFFE0, v10;
	v9 =	vld [tilespmem:s22+$0xFFFFFFD0];
	p0 =	slt.u32 s21, $0x316;
	v14 =	vshra.s32 v8, $0x1F;
	v6 =	vshrl.u32 v6, $0x10  }
0x41: {  	v11 =	vand.u32 $0xFFE0, v11;
	v12 =	vand.u32 $0xFFE0, v12;
	v15 =	vld [tilespmem:s22+$0xFFFFFFF0];
	v14 =	vor.u32 $0x80000000, v14  }
0x42: {  	v10 =	vor.u32 v3, v10;
	v6 =	vand.u32 $0xFFE0, v6;
	v16 =	vld [tilespmem:s22+$0x10];
	v8 =	vxor.u32 v8, v14  }
0x43: {  	v11 =	vor.u32 v3, v11;
	v12 =	vor.u32 v3, v12;
	v14 =	vld [tilespmem:s22+$0xFFFFFFB0];
	v8 =	vshrl.u32 v8, $0x10  }
0x44: {  	v18 =	vor.u32 v3, v6;
	v17 =	vshra.s32 v13, $0x1F;
	[tilespmem:v7+s12+$0x0] =	vst.idx.add.s32.msk $0xffff, v2;
	v7 =	vand.u32 $0xFFE0, v8  }
0x45: {  	v6 =	vshra.s32 v9, $0x1F;
	v8 =	vor.u32 $0x80000000, v17;
	[tilespmem:v4+s12+$0x0] =	vst.idx.add.s32.msk $0xffff, v2;
	v4 =	vor.u32 v3, v7  }
0x46: {  	v6 =	vor.u32 $0x80000000, v6;
	v7 =	vshra.s32 v15, $0x1F;
	v8 =	vxor.u32 v13, v8;
	[tilespmem:v5+s12+$0x0] =	vst.idx.add.s32.msk $0xffff, v2  }
0x47: {  	v5 =	vor.u32 $0x80000000, v7;
	v7 =	vshra.s32 v16, $0x1F;
	v8 =	vshrl.u32 v8, $0x10;
	v13 =	vld [tilespmem:s20+$0xFFFFFFC0]  }
0x48: {  	v17 =	vshra.s32 v14, $0x1F;
	v7 =	vor.u32 $0x80000000, v7;
	v8 =	vand.u32 $0xFFE0, v8;
	v19 =	vld [tilespmem:s20+$0xFFFFFFE0]  }
0x49: {  	v6 =	vxor.u32 v9, v6;
	v17 =	vor.u32 $0x80000000, v17;
	v8 =	vor.u32 v0, v8;
	v20 =	vld [tilespmem:s20+$0x0]  }
0x4a: {  	v5 =	vxor.u32 v15, v5;
	v9 =	vxor.u32 v14, v17;
	v14 =	vshrl.u32 v6, $0x10;
	[tilespmem:v4+s12+$0x0] =	vst.idx.add.s32.msk $0xffff, v2  }
0x4b: {  	v5 =	vshrl.u32 v5, $0x10;
	v7 =	vxor.u32 v16, v7;
	v4 =	vshrl.u32 v9, $0x10;
	v6 =	vld [tilespmem:s20+$0x20];
	s20 =	smov.u32 s22  }
0x4c: {  	v7 =	vshrl.u32 v7, $0x10;
	v9 =	vand.u32 $0xFFE0, v14;
	v4 =	vand.u32 $0xFFE0, v4;
	[tilespmem:v10+s12+$0x0] =	vst.idx.add.s32.msk $0xffff, v2  }
0x4d: {  	v10 =	vor.u32 v0, v4;
	v4 =	vand.u32 $0xFFE0, v5;
	v5 =	vand.u32 $0xFFE0, v7;
	[tilespmem:v11+s12+$0x0] =	vst.idx.add.s32.msk $0xffff, v2  }
.Ltmp1:
0x4e: {  	v7 =	vor.u32 v0, v9;
	v9 =	vshra.s32 v13, $0x1F;
	v4 =	vor.u32 v0, v4;
	[tilespmem:v8+s12+$0x0] =	vst.idx.add.s32.msk $0xffff, v2;
	(pc) =	sbr.rel @p0 .LBB2_5-.Ltmp1, $4  }
0x4f: {  	v11 =	vshra.s32 v19, $0x1F;
	v5 =	vor.u32 v0, v5;
	v14 =	vshra.s32 v20, $0x1F;
	v8 =	vld [tilespmem:s22+$0x40]  }
0x50: {  	v9 =	vor.u32 $0x80000000, v9;
	v11 =	vor.u32 $0x80000000, v11;
	v15 =	vshra.s32 v6, $0x1F;
	[tilespmem:v12+s12+$0x0] =	vst.idx.add.s32.msk $0xffff, v2  }
0x51: {  	v12 =	vxor.u32 v13, v9;
	v13 =	vor.u32 $0x80000000, v14;
	v9 =	vor.u32 $0x80000000, v15;
	[tilespmem:v18+s12+$0x0] =	vst.idx.add.s32.msk $0xffff, v2  }
0x52: {  	s22 =	sadd.s32 $0xA0, s22;
	v11 =	vxor.u32 v19, v11;
	[tilespmem:v10+s12+$0x0] =	vst.idx.add.s32.msk $0xffff, v2;
	v10 =	vshrl.u32 v12, $0x10;
	v12 =	vxor.u32 v20, v13  }
0x53: {  	_ =	sdelay $0x3  }
0x54: {  	[tilespmem:v7+s12+$0x0] =	vst.idx.add.s32.msk $0xffff, v2  }
0x55: {  	[tilespmem:v4+s12+$0x0] =	vst.idx.add.s32.msk $0xffff, v2  }
0x56: {  	[tilespmem:v5+s12+$0x0] =	vst.idx.add.s32.msk $0xffff, v2  }
0x57: {  	v4 =	vld [tilespmem:s20+$0xFFFFFFC0];
	v5 =	vshrl.u32 v11, $0x10;
	v7 =	vshrl.u32 v12, $0x10;
	v6 =	vxor.u32 v6, v9  }
0x58: {  	v9 =	vand.u32 $0xFFE0, v10;
	v11 =	vshra.s32 v8, $0x1F;
	v12 =	vld [tilespmem:s20+$0xFFFFFFE0];
	v6 =	vshrl.u32 v6, $0x10  }
0x59: {  	v5 =	vand.u32 $0xFFE0, v5;
	v7 =	vand.u32 $0xFFE0, v7;
	v10 =	vor.u32 $0x80000000, v11;
	v11 =	vld [tilespmem:s20+$0x0]  }
0x5a: {  	v9 =	vor.u32 v3, v9;
	v6 =	vand.u32 $0xFFE0, v6;
	v8 =	vxor.u32 v8, v10;
	v10 =	vld [tilespmem:s20+$0x20]  }
0x5b: {  	v5 =	vor.u32 v3, v5;
	v7 =	vor.u32 v3, v7;
	v8 =	vshrl.u32 v8, $0x10  }
0x5c: {  	v6 =	vor.u32 v3, v6;
	v8 =	vand.u32 $0xFFE0, v8;
	v13 =	vshra.s32 v4, $0x1F  }
0x5d: {  	v8 =	vor.u32 v3, v8;
	v14 =	vshra.s32 v12, $0x1F;
	v13 =	vor.u32 $0x80000000, v13  }
0x5e: {  	v15 =	vshra.s32 v11, $0x1F;
	v14 =	vor.u32 $0x80000000, v14;
	v4 =	vxor.u32 v4, v13  }
0x5f: {  	v16 =	vshra.s32 v10, $0x1F;
	v13 =	vor.u32 $0x80000000, v15;
	v4 =	vshrl.u32 v4, $0x10  }
0x60: {  	v12 =	vxor.u32 v12, v14;
	v15 =	vor.u32 $0x80000000, v16;
	v11 =	vxor.u32 v11, v13  }
0x61: {  	v12 =	vshrl.u32 v12, $0x10;
	v4 =	vand.u32 $0xFFE0, v4;
	v11 =	vshrl.u32 v11, $0x10  }
0x62: {  	v4 =	vor.u32 v3, v4;
	[tilespmem:v8+s12+$0x0] =	vst.idx.add.s32.msk $0xffff, v2;
	v8 =	vxor.u32 v10, v15;
	v10 =	vand.u32 $0xFFE0, v12  }
0x63: {  	[tilespmem:v9+s12+$0x0] =	vst.idx.add.s32.msk $0xffff, v2;
	v9 =	vand.u32 $0xFFE0, v11;
	v8 =	vshrl.u32 v8, $0x10;
	v10 =	vor.u32 v3, v10  }
0x64: {  	[tilespmem:v5+s12+$0x0] =	vst.idx.add.s32.msk $0xffff, v2;
	v5 =	vand.u32 $0xFFE0, v8;
	v8 =	vor.u32 v3, v9  }
0x65: {  	p0 =	seq.s32 s19, $0x7C;
	[tilespmem:v7+s12+$0x0] =	vst.idx.add.s32.msk $0xffff, v2;
	v5 =	vor.u32 v3, v5  }
0x66: {  	s20 =	smul.u32 @!p0 $0x6400, s19;
	[tilespmem:v6+s12+$0x0] =	vst.idx.add.s32.msk $0xffff, v2  }
0x67: {  	[tilespmem:v4+s12+$0x0] =	vst.idx.add.s32.msk $0xffff, v2  }
0x68: {  	s20 =	sadd.s32 @!p0 s20, s6;
	[tilespmem:v10+s12+$0x0] =	vst.idx.add.s32.msk $0xffff, v2  }
0x69: {  	s20 =	sshrl.u32 @!p0 s20, $0x3;
	[tilespmem:v8+s12+$0x0] =	vst.idx.add.s32.msk $0xffff, v2  }
0x6a: {  	s21 =	simm.s32 @!p0 $0x0;
	s20 =	sadd.s32 @!p0 s2, s20;
	[tilespmem:v5+s12+$0x0] =	vst.idx.add.s32.msk $0xffff, v2  }
0x6b: {  	[tilespmem:s21], [sflag:$0x1] =	stream.linear.gather @!p0 [hbm4b:s20+s21], $0x3200, $0x38;
	[tilespmem:$0x1E400] =	vst v63  }
0x6c: {  	_ =	swait.ge [sflag:s13], $0x3200  }
0x6d: {  	[sflag:s13] =	ssyncset.done $0x0  }
0x6e: {  	s31 =	simm.s32 $0x3250;
	[sflag:s13] =	ssyncadd.s32 $0xFFFFCE00  }
0x6f: {  	v4 =	vld [tilespmem:s31+$0x30];
	_ =	sdelay $0x4  }
0x70: {  	v5 =	vshra.s32 v4, $0x1F  }
0x71: {  	v5 =	vor.u32 $0x80000000, v5  }
0x72: {  	v4 =	vxor.u32 v4, v5;
	v5 =	vld [tilespmem:s31+$0xFFFFFFD0]  }
0x73: {  	v7 =	vld [tilespmem:s31+$0xFFFFFFB0];
	v4 =	vshrl.u32 v4, $0x10  }
0x74: {  	v4 =	vand.u32 $0xFFE0, v4  }
0x75: {  	v6 =	vld [tilespmem:s31+$0xFFFFFFF0];
	v4 =	vor.u32 v0, v4  }
0x76: {  	v8 =	vld [tilespmem:s31+$0x10]  }
0x77: {  	v9 =	vshra.s32 v5, $0x1F  }
0x78: {  	v11 =	vshra.s32 v7, $0x1F;
	v9 =	vor.u32 $0x80000000, v9  }
0x79: {  	v11 =	vor.u32 $0x80000000, v11;
	v5 =	vxor.u32 v5, v9  }
0x7a: {  	v10 =	vshra.s32 v6, $0x1F;
	v7 =	vxor.u32 v7, v11;
	[tilespmem:v4+s12+$0x0] =	vst.idx.add.s32.msk $0xffff, v2;
	v5 =	vshrl.u32 v5, $0x10  }
0x7b: {  	v4 =	vor.u32 $0x80000000, v10;
	v10 =	vshra.s32 v8, $0x1F;
	v12 =	vld [tilespmem:s31+$0x40];
	v5 =	vand.u32 $0xFFE0, v5  }
0x7c: {  	s20 =	simm.s32 $0x32F0;
	v4 =	vxor.u32 v6, v4;
	v6 =	vshrl.u32 v7, $0x10;
	v5 =	vor.u32 v0, v5  }
0x7d: {  	v9 =	vld [tilespmem:s20+$0xFFFFFFD0];
	v10 =	vor.u32 $0x80000000, v10;
	v4 =	vshrl.u32 v4, $0x10;
	v6 =	vand.u32 $0xFFE0, v6  }
0x7e: {  	v7 =	vxor.u32 v8, v10;
	v8 =	vld [tilespmem:s20+$0x30];
	v6 =	vor.u32 v0, v6;
	v4 =	vand.u32 $0xFFE0, v4  }
0x7f: {  	v11 =	vld [tilespmem:s20+$0xFFFFFFF0];
	v7 =	vshrl.u32 v7, $0x10;
	v4 =	vor.u32 v0, v4  }
0x80: {  	v13 =	vld [tilespmem:s20+$0x10];
	v7 =	vand.u32 $0xFFE0, v7;
	v10 =	vshra.s32 v12, $0x1F  }
0x81: {  	v7 =	vor.u32 v0, v7;
	v10 =	vor.u32 $0x80000000, v10;
	[tilespmem:v5+s12+$0x0] =	vst.idx.add.s32.msk $0xffff, v2  }
0x82: {  	v10 =	vxor.u32 v12, v10;
	v12 =	vld [tilespmem:s20+$0xFFFFFFB0]  }
0x83: {  	v5 =	vshra.s32 v9, $0x1F;
	[tilespmem:v6+s12+$0x0] =	vst.idx.add.s32.msk $0xffff, v2;
	v6 =	vshra.s32 v8, $0x1F;
	v10 =	vshrl.u32 v10, $0x10  }
0x84: {  	v6 =	vor.u32 $0x80000000, v6;
	[tilespmem:v4+s12+$0x0] =	vst.idx.add.s32.msk $0xffff, v2;
	v4 =	vor.u32 $0x80000000, v5;
	v5 =	vshra.s32 v11, $0x1F  }
0x85: {  	v10 =	vand.u32 $0xFFE0, v10;
	v6 =	vxor.u32 v8, v6;
	v5 =	vor.u32 $0x80000000, v5  }
0x86: {  	[tilespmem:v7+s12+$0x0] =	vst.idx.add.s32.msk $0xffff, v2;
	v7 =	vshra.s32 v13, $0x1F;
	v4 =	vxor.u32 v9, v4;
	v6 =	vshrl.u32 v6, $0x10  }
0x87: {  	v14 =	vld [tilespmem:s31+$0xFFFFFFC0];
	v10 =	vor.u32 v3, v10;
	v6 =	vand.u32 $0xFFE0, v6;
	v8 =	vshra.s32 v12, $0x1F  }
0x88: {  	v15 =	vld [tilespmem:s31+$0xFFFFFFE0];
	v7 =	vor.u32 $0x80000000, v7;
	v9 =	vor.u32 v0, v6;
	v8 =	vor.u32 $0x80000000, v8  }
0x89: {  	v4 =	vshrl.u32 v4, $0x10;
	v5 =	vxor.u32 v11, v5;
	v6 =	vxor.u32 v12, v8  }
0x8a: {  	v63 =	vld [tilespmem:s31+$0x0];
	v5 =	vshrl.u32 v5, $0x10;
	v7 =	vxor.u32 v13, v7;
	v8 =	vshrl.u32 v6, $0x10  }
0x8b: {  	v4 =	vand.u32 $0xFFE0, v4;
	v7 =	vshrl.u32 v7, $0x10;
	v6 =	vld [tilespmem:s31+$0x20];
	v8 =	vand.u32 $0xFFE0, v8  }
0x8c: {  	v12 =	vshra.s32 v14, $0x1F;
	v11 =	vor.u32 v0, v8;
	v8 =	vand.u32 $0xFFE0, v7  }
0x8d: {  	v7 =	vor.u32 v0, v4;
	[tilespmem:v9+s12+$0x0] =	vst.idx.add.s32.msk $0xffff, v2;
	v4 =	vor.u32 v0, v8;
	v8 =	vshra.s32 v15, $0x1F  }
0x8e: {  	v5 =	vand.u32 $0xFFE0, v5;
	v9 =	vor.u32 $0x80000000, v12;
	v12 =	vor.u32 $0x80000000, v8;
	v8 =	vld [tilespmem:s20+$0x40]  }
0x8f: {  	v5 =	vor.u32 v0, v5;
	[tilespmem:v10+s12+$0x0] =	vst.idx.add.s32.msk $0xffff, v2;
	v10 =	vshra.s32 v63, $0x1F;
	v14 =	vxor.u32 v14, v9  }
0x90: {  	v17 =	vor.u32 $0x80000000, v10;
	v10 =	vshrl.u32 v14, $0x10;
	v13 =	vshra.s32 v6, $0x1F  }
0x91: {  	s22 =	simm.s32 $0x3390;
	s21 =	simm.s32 $0xA;
	v9 =	vor.u32 $0x80000000, v13;
	[tilespmem:v11+s12+$0x0] =	vst.idx.add.s32.msk $0xffff, v2;
	v11 =	vxor.u32 v15, v12;
	v12 =	vxor.u32 v63, v17  }
.LBB2_7:
0x92: {  	v13 =	vld [tilespmem:s22+$0x30];
	s21 =	sadd.s32 $0xA, s21;
	v11 =	vshrl.u32 v11, $0x10;
	v12 =	vshrl.u32 v12, $0x10;
	v6 =	vxor.u32 v6, v9  }
0x93: {  	v10 =	vand.u32 $0xFFE0, v10;
	v9 =	vld [tilespmem:s22+$0xFFFFFFD0];
	p1 =	slt.u32 s21, $0x316;
	v14 =	vshra.s32 v8, $0x1F;
	v6 =	vshrl.u32 v6, $0x10  }
0x94: {  	v11 =	vand.u32 $0xFFE0, v11;
	v12 =	vand.u32 $0xFFE0, v12;
	v15 =	vld [tilespmem:s22+$0xFFFFFFF0];
	v14 =	vor.u32 $0x80000000, v14  }
0x95: {  	v10 =	vor.u32 v3, v10;
	v6 =	vand.u32 $0xFFE0, v6;
	v16 =	vld [tilespmem:s22+$0x10];
	v8 =	vxor.u32 v8, v14  }
0x96: {  	v11 =	vor.u32 v3, v11;
	v12 =	vor.u32 v3, v12;
	v14 =	vld [tilespmem:s22+$0xFFFFFFB0];
	v8 =	vshrl.u32 v8, $0x10  }
0x97: {  	v18 =	vor.u32 v3, v6;
	v17 =	vshra.s32 v13, $0x1F;
	[tilespmem:v7+s12+$0x0] =	vst.idx.add.s32.msk $0xffff, v2;
	v7 =	vand.u32 $0xFFE0, v8  }
0x98: {  	v6 =	vshra.s32 v9, $0x1F;
	v8 =	vor.u32 $0x80000000, v17;
	[tilespmem:v5+s12+$0x0] =	vst.idx.add.s32.msk $0xffff, v2;
	v5 =	vor.u32 v3, v7  }
0x99: {  	v6 =	vor.u32 $0x80000000, v6;
	v7 =	vshra.s32 v15, $0x1F;
	v8 =	vxor.u32 v13, v8;
	[tilespmem:v4+s12+$0x0] =	vst.idx.add.s32.msk $0xffff, v2  }
0x9a: {  	v4 =	vor.u32 $0x80000000, v7;
	v7 =	vshra.s32 v16, $0x1F;
	v8 =	vshrl.u32 v8, $0x10;
	v13 =	vld [tilespmem:s20+$0xFFFFFFC0]  }
0x9b: {  	v17 =	vshra.s32 v14, $0x1F;
	v7 =	vor.u32 $0x80000000, v7;
	v8 =	vand.u32 $0xFFE0, v8;
	v19 =	vld [tilespmem:s20+$0xFFFFFFE0]  }
0x9c: {  	v6 =	vxor.u32 v9, v6;
	v17 =	vor.u32 $0x80000000, v17;
	v8 =	vor.u32 v0, v8;
	v20 =	vld [tilespmem:s20+$0x0]  }
0x9d: {  	v4 =	vxor.u32 v15, v4;
	v9 =	vxor.u32 v14, v17;
	v14 =	vshrl.u32 v6, $0x10;
	[tilespmem:v5+s12+$0x0] =	vst.idx.add.s32.msk $0xffff, v2  }
0x9e: {  	v4 =	vshrl.u32 v4, $0x10;
	v7 =	vxor.u32 v16, v7;
	v5 =	vshrl.u32 v9, $0x10;
	v6 =	vld [tilespmem:s20+$0x20];
	s20 =	smov.u32 s22  }
0x9f: {  	v7 =	vshrl.u32 v7, $0x10;
	v9 =	vand.u32 $0xFFE0, v14;
	v5 =	vand.u32 $0xFFE0, v5;
	[tilespmem:v10+s12+$0x0] =	vst.idx.add.s32.msk $0xffff, v2  }
0xa0: {  	v4 =	vand.u32 $0xFFE0, v4;
	v14 =	vand.u32 $0xFFE0, v7;
	v10 =	vor.u32 v0, v5;
	[tilespmem:v11+s12+$0x0] =	vst.idx.add.s32.msk $0xffff, v2  }
.Ltmp2:
0xa1: {  	v7 =	vor.u32 v0, v9;
	v9 =	vshra.s32 v13, $0x1F;
	v5 =	vor.u32 v0, v4;
	[tilespmem:v8+s12+$0x0] =	vst.idx.add.s32.msk $0xffff, v2;
	(pc) =	sbr.rel @p1 .LBB2_7-.Ltmp2, $4  }
0xa2: {  	v4 =	vor.u32 v0, v14;
	v11 =	vshra.s32 v19, $0x1F;
	v14 =	vshra.s32 v20, $0x1F;
	v8 =	vld [tilespmem:s22+$0x40]  }
0xa3: {  	v9 =	vor.u32 $0x80000000, v9;
	v11 =	vor.u32 $0x80000000, v11;
	v15 =	vshra.s32 v6, $0x1F;
	[tilespmem:v12+s12+$0x0] =	vst.idx.add.s32.msk $0xffff, v2  }
0xa4: {  	v12 =	vxor.u32 v13, v9;
	v13 =	vor.u32 $0x80000000, v14;
	v9 =	vor.u32 $0x80000000, v15;
	[tilespmem:v18+s12+$0x0] =	vst.idx.add.s32.msk $0xffff, v2  }
0xa5: {  	s22 =	sadd.s32 $0xA0, s22;
	v11 =	vxor.u32 v19, v11;
	[tilespmem:v10+s12+$0x0] =	vst.idx.add.s32.msk $0xffff, v2;
	v10 =	vshrl.u32 v12, $0x10;
	v12 =	vxor.u32 v20, v13  }
0xa6: {  	_ =	sdelay $0x2  }
0xa7: {  	v13 =	vld [tilespmem:s20+$0xFFFFFFC0]  }
0xa8: {  	[tilespmem:v7+s12+$0x0] =	vst.idx.add.s32.msk $0xffff, v2  }
0xa9: {  	[tilespmem:v5+s12+$0x0] =	vst.idx.add.s32.msk $0xffff, v2  }
0xaa: {  	v11 =	vshrl.u32 v11, $0x10;
	v12 =	vshrl.u32 v12, $0x10;
	v6 =	vxor.u32 v6, v9;
	[tilespmem:v4+s12+$0x0] =	vst.idx.add.s32.msk $0xffff, v2  }
0xab: {  	v57 =	vand.u32 $0xFFE0, v10;
	v7 =	vld [tilespmem:s20+$0xFFFFFFE0];
	v5 =	vshra.s32 v8, $0x1F;
	v6 =	vshrl.u32 v6, $0x10  }
0xac: {  	v58 =	vld [tilespmem:s20+$0x0];
	v11 =	vand.u32 $0xFFE0, v11;
	v12 =	vand.u32 $0xFFE0, v12;
	v5 =	vor.u32 $0x80000000, v5  }
0xad: {  	v59 =	vld [tilespmem:s20+$0x20];
	v9 =	vor.u32 v3, v57;
	v6 =	vand.u32 $0xFFE0, v6;
	v5 =	vxor.u32 v8, v5  }
0xae: {  	v11 =	vor.u32 v3, v11;
	v12 =	vor.u32 v3, v12;
	v5 =	vshrl.u32 v5, $0x10  }
0xaf: {  	v6 =	vor.u32 v3, v6;
	v4 =	vshra.s32 v13, $0x1F;
	v5 =	vand.u32 $0xFFE0, v5  }
0xb0: {  	v4 =	vor.u32 $0x80000000, v4;
	v60 =	vshra.s32 v7, $0x1F;
	v5 =	vor.u32 v3, v5  }
0xb1: {  	v61 =	vshra.s32 v58, $0x1F;
	v4 =	vxor.u32 v13, v4;
	v13 =	vor.u32 $0x80000000, v60  }
0xb2: {  	v62 =	vshra.s32 v59, $0x1F;
	v7 =	vxor.u32 v7, v13;
	v13 =	vor.u32 $0x80000000, v61  }
0xb3: {  	v4 =	vshrl.u32 v4, $0x10;
	v10 =	vxor.u32 v58, v13;
	v13 =	vor.u32 $0x80000000, v62  }
0xb4: {  	v7 =	vshrl.u32 v7, $0x10;
	v4 =	vand.u32 $0xFFE0, v4;
	v10 =	vshrl.u32 v10, $0x10  }
0xb5: {  	v7 =	vand.u32 $0xFFE0, v7;
	v4 =	vor.u32 v3, v4;
	[tilespmem:v5+s12+$0x0] =	vst.idx.add.s32.msk $0xffff, v2;
	v5 =	vxor.u32 v59, v13  }
0xb6: {  	[tilespmem:v9+s12+$0x0] =	vst.idx.add.s32.msk $0xffff, v2;
	v63 =	vand.u32 $0xFFE0, v10;
	v7 =	vor.u32 v3, v7;
	v5 =	vshrl.u32 v5, $0x10  }
0xb7: {  	[tilespmem:v11+s12+$0x0] =	vst.idx.add.s32.msk $0xffff, v2;
	v8 =	vor.u32 v3, v63;
	v5 =	vand.u32 $0xFFE0, v5  }
0xb8: {  	[tilespmem:v12+s12+$0x0] =	vst.idx.add.s32.msk $0xffff, v2;
	v5 =	vor.u32 v3, v5  }
.Ltmp3:
0xb9: {  	[tilespmem:v6+s12+$0x0] =	vst.idx.add.s32.msk $0xffff, v2;
	(pc) =	sbr.rel @p0 .LBB2_9-.Ltmp3, $4  }
0xba: {  	[tilespmem:v4+s12+$0x0] =	vst.idx.add.s32.msk $0xffff, v2  }
0xbb: {  	[tilespmem:v7+s12+$0x0] =	vst.idx.add.s32.msk $0xffff, v2  }
0xbc: {  	[tilespmem:v8+s12+$0x0] =	vst.idx.add.s32.msk $0xffff, v2  }
0xbd: {  	[tilespmem:v5+s12+$0x0] =	vst.idx.add.s32.msk $0xffff, v2  }
0xbe: {  	s20 =	smul.u32 $0x6400, s19  }
.Ltmp4:
0xbf: {  	_ = 	snop;
	(pc) =	sbr.rel .LBB2_4-.Ltmp4, $4  }
0xc0: {  	s20 =	sadd.s32 s20, s7  }
0xc1: {  	s20 =	sshrl.u32 s20, $0x3  }
0xc2: {  	s19 =	sadd.s32 $0x1, s19;
	s20 =	sadd.s32 s2, s20  }
0xc3: {  	[tilespmem:s10], [sflag:$0x2] =	stream.linear.gather [hbm4b:s20+s3], $0x3200, $0x38;
	[tilespmem:$0x1E400] =	vst v63  }
.LBB2_9:
0xc4: {  	s20 =	simm.s32 $0x6410  }
0xc5: {  	v4 =	vld [tilespmem:s20+$0x0]  }
0xc6: {  	s19 =	simm.s32 $0x0;
	s21 =	simm.s32 $0x40;
	v5 =	vld [tilespmem:s20+$0xFFFFFFF0]  }
.LBB2_10:
0xc7: {  	p0 =	sne.s32 s21, $0x1FFC0;
	_ =	sdelay $0x2  }
.Ltmp5:
0xc8: {  	(pc) =	sbr.rel @p0 .LBB2_10-.Ltmp5, $4  }
0xc9: {  	s22 =	sshra.s32 s19, $0x2;
	s19 =	smov.u32 s21;
	v4 =	vadd.s32 v5, v4  }
0xca: {  	s20 =	sadd.s32 $0x20, s20;
	[tilespmem:s22+$0x16400] =	vst v4  }
0xcb: {  	v4 =	vld [tilespmem:s20+$0x0]  }
0xcc: {  	s21 =	sadd.s32 $0x40, s21;
	v5 =	vld [tilespmem:s20+$0xFFFFFFF0]  }
0xcd: {  	_ =	sdelay $0x2  }
0xce: {  	s18 =	sadd.s32 $0x1, s18  }
0xcf: {  	s19 =	sshra.s32 s19, $0x2;
	p0 =	sne.s32 s18, s9;
	v4 =	vadd.s32 v5, v4  }
.Ltmp6:
0xd0: {  	[tilespmem:s19+$0x16400] =	vst v4;
	(pc) =	sbr.rel @p0 .LBB2_1-.Ltmp6, $4  }
0xd1: {  	[hbm4b:s8+s14] =	stream.strided.scatter [tilespmem:s16], [sflag:$0x3], $0x8000, s15, s14, $0x38;
	[tilespmem:$0x1E400] =	vst v63  }
0xd2: {  	_ =	swait.ge [sflag:s17], $0x8000  }
0xd3: {  	[sflag:s17] =	ssyncset.done $0x0  }
0xd4: {  	[sflag:s17] =	ssyncadd.s32 $0xFFFF8000  }
0xd5: {  	_ =	sfence.sel $0x180000  }
0xd6: {  	[bflag:$0x0] =	sbarrier.arrive $0xFFFF  }
0xd7: {  	p0 =	sne.s32 s1, $0x0;
	_ =	strace $0x90000047  }
0xd8: {  	s0 =	sadd.s32 @!p0 $0x100000, s0;
	[bflag:$0x2] =	sbarrier.arrive $0xFFFF  }
0xd9: {  	[sflag:s0] =	ssyncadd.tile.s32 @!p0 $0x1;
	_ =	shalt  }
.Lfunc_end2:
_tile_overlayer_lowered:
.L_overlay_start_2:
0xda: {  	(tag) =	ssettag $0x2  }
0xdb: {  	s0 =	rddreg [dreg:$0x0];
	s2 =	stileid.u32  }
0xdc: {  	s1 =	rddreg [dreg:$0x1];
	p0 =	sne.s32 s2, $0x0  }
0xdd: {  	s3 =	rddreg [dreg:$0x2];
	[bflag:$0x3] =	sbarrier.arrive $0xFFFF;
	s2 =	simm.s32 @!p0 $0x1C03  }
0xde: {  	[timem:s3], [sflag:s2] =	dma.local @!p0 [hbm:s0], s1  }
0xdf: {  	s0 =	simm.s32 @!p0 $0x3  }
0xe0: {  	_ =	swait.ge @!p0 [sflag:s0], s1  }
0xe1: {  	s1 =	ssub.s32 @!p0 $0x0, s1;
	[sflag:s0] =	ssyncset.done @!p0 $0x0  }
0xe2: {  	[sflag:s0] =	ssyncadd.s32 @!p0 s1  }
0xe3: {  	[bflag:$0x3] =	sbarrier.arrive $0xFFFF  }
0xe4: {  	_ =	shalt  }

// kernel: kernel.9.cloned.1.call-start
scs
__scs_entry_jumppad:
0x0: {  	(pc) =	sbr.rel $0x88, $3  }
0x1: {  	(tag) =	ssettag $0x0;
	lr =	simm.s32 $0x1  }
0x2: {  	[smem:$0x3FA0] =	sst lr;
	_ =	strace $0xD0000000  }
0x3: {  	_ = 	snop  }
0x4: {  	_ = 	snop  }
0x5: {  	_ = 	snop  }
0x6: {  	_ = 	snop  }
0x7: {  	_ = 	snop  }
__scs_overlays_trampoline_lowered:
0x8: {  	[smem:$0x3FAF] =	sst s0  }
0x9: {  	[smem:$0x3FB0] =	sst s1  }
0xa: {  	[smem:$0x3FB1] =	sst s2  }
0xb: {  	[smem:$0x3FB2] =	sst s3  }
0xc: {  	[smem:$0x3FB3] =	sst s4  }
0xd: {  	[smem:$0x3FB4] =	sst s5  }
0xe: {  	[smem:$0x3FB5] =	sst s6  }
0xf: {  	[smem:$0x3FB6] =	sst s7  }
0x10: {  	[smem:$0x3FB7] =	sst s8  }
0x11: {  	[smem:$0x3FB8] =	sst s9;
	s0 =	simm.s32 @!p0 $0x0  }
0x12: {  	s1 =	sld [smem:$0x3F9E];
	s0 =	simm.s32 @p0 $0x1  }
0x13: {  	[smem:$0x3FB9] =	sst s0;
	s0 =	simm.s32 @!p1 $0x0  }
0x14: {  	s2 =	sld [smem:$0x3F9D];
	s0 =	simm.s32 @p1 $0x1  }
0x15: {  	[smem:$0x3FBA] =	sst s0;
	s0 =	simm.s32 @!p2 $0x0  }
0x16: {  	s3 =	sld [smem:$0x3FDB];
	s0 =	simm.s32 @p2 $0x1  }
0x17: {  	s4 =	simm.s32 $0x1BF5;
	[smem:$0x3FBC] =	sst s0  }
0x18: {  	s0 =	sld [smem:$0x3F9F];
	_ =	swait.ge [sflag:s4], $0x0  }
0x19: {  	s7 =	sld [smem:$0x3FA0]  }
0x1a: {  	s8 =	sadd.s32 $0xFFFFE003, lr  }
0x1b: {  	s9 =	sadd.s32 $0xFFFFFEF7, lr;
	s5 =	simm.s32 $0xFFFFFFFF;
	p2 =	slt.u32 s8, $0xFFFFF086  }
0x1c: {  	p1 =	slt.u32 s9, $0xF7A;
	s5 =	simm.s32 @!p2 $0x0  }
0x1d: {  	s5 =	simm.s32 @p1 $0x1;
	p0 =	seq.s32 s7, s2  }
0x1e: {  	s7 =	smul.u32 @!p0 $0xF7A, s2;
	p2 =	seq.s32 @!p0 s5, $0x0  }
0x1f: {  	s9 =	smul.u32 $0xF7A, s1;
	s8 =	simm.s32 @!p0 $0x1BF5;
	p2 =	por !p2, p0  }
0x20: {  	[sflag:s8] =	ssyncset.s32 @!p0 $0xFFFFF086;
	s6 =	sadd.s32 @!p0 s3, s7;
	s7 =	simm.s32 @!p0 $0x108  }
0x21: {  	s3 =	sadd.s32 s3, s9;
	s6 =	sadd.s32 @!p0 $0x88, s6;
	s7 =	simm.s32 @p2 $0x1082  }
0x22: {  	[simem:s7], [sflag:s8] =	dma.local @!p0 [hbm:s6], $0xF7A  }
0x23: {  	s9 =	sor.u32 $0xD0000000, s2;
	s6 =	simm.s32 $0x108;
	_ =	swait.ge @!p0 [sflag:s8], $0x0  }
0x24: {  	s3 =	sadd.s32 $0x88, s3;
	s6 =	simm.s32 @!p1 $0x1082;
	[sflag:s4] =	ssyncset.s32 $0xFFFFF086  }
0x25: {  	[simem:s6], [sflag:s4] =	dma.local [hbm:s3], $0xF7A  }
0x26: {  	[smem:$0x3FA0] =	sst s1;
	(tag) =	ssettag s2;
	_ =	strace s9  }
0x27: {  	s1 =	sld [smem:$0x3FB0]  }
0x28: {  	s2 =	sld [smem:$0x3FB1]  }
0x29: {  	s4 =	sld [smem:$0x3FB3]  }
0x2a: {  	p0 =	seq.s32 s5, $0x0;
	s5 =	sld [smem:$0x3FB4]  }
0x2b: {  	s6 =	sld [smem:$0x3FB5]  }
0x2c: {  	s7 =	sld [smem:$0x3FB6]  }
0x2d: {  	s3 =	simm.s32 $0x108;
	s8 =	sld [smem:$0x3FB7]  }
0x2e: {  	s3 =	simm.s32 @!p0 $0x1082;
	s9 =	sld [smem:$0x3FB8]  }
0x2f: {  	lr =	sadd.s32 s0, s3;
	s0 =	sld [smem:$0x3FAF]  }
0x30: {  	s3 =	sld [smem:$0x3FB2]  }
0x31: {  	[smem:$0x3FBB] =	sst s10  }
0x32: {  	s10 =	sld [smem:$0x3FB9];
	_ =	sdelay $0x3  }
0x33: {  	p0 =	seq.s32 s10, $0x1;
	s10 =	sld [smem:$0x3FBB];
	_ =	sdelay $0x3  }
0x34: {  	[smem:$0x3FBB] =	sst s10  }
0x35: {  	s10 =	sld [smem:$0x3FBA];
	_ =	sdelay $0x3  }
0x36: {  	p1 =	seq.s32 s10, $0x1;
	s10 =	sld [smem:$0x3FBB];
	_ =	sdelay $0x3  }
0x37: {  	[smem:$0x3FBB] =	sst s10  }
0x38: {  	s10 =	sld [smem:$0x3FBC]  }
0x39: {  	_ = 	snop;
	(pc) =	sbr.ind lr, $3  }
0x3a: {  	_ = 	snop  }
0x3b: {  	_ = 	snop  }
0x3c: {  	p2 =	seq.s32 s10, $0x1;
	s10 =	sld [smem:$0x3FBB]  }
0x3d: {  	_ =	shalt  }
0x3e: {  	_ =	shalt  }
0x3f: {  	_ =	shalt  }
0x40: {  	_ =	shalt  }
0x41: {  	_ =	shalt  }
0x42: {  	_ =	shalt  }
0x43: {  	_ =	shalt  }
0x44: {  	_ =	shalt  }
0x45: {  	_ =	shalt  }
0x46: {  	_ =	shalt  }
0x47: {  	_ =	shalt  }
0x48: {  	_ =	shalt  }
0x49: {  	_ =	shalt  }
0x4a: {  	_ =	shalt  }
0x4b: {  	_ =	shalt  }
0x4c: {  	_ =	shalt  }
0x4d: {  	_ =	shalt  }
0x4e: {  	_ =	shalt  }
0x4f: {  	_ =	shalt  }
0x50: {  	_ =	shalt  }
0x51: {  	_ =	shalt  }
0x52: {  	_ =	shalt  }
0x53: {  	_ =	shalt  }
0x54: {  	_ =	shalt  }
0x55: {  	_ =	shalt  }
0x56: {  	_ =	shalt  }
0x57: {  	_ =	shalt  }
0x58: {  	_ =	shalt  }
0x59: {  	_ =	shalt  }
0x5a: {  	_ =	shalt  }
0x5b: {  	_ =	shalt  }
0x5c: {  	_ =	shalt  }
0x5d: {  	_ =	shalt  }
0x5e: {  	_ =	shalt  }
0x5f: {  	_ =	shalt  }
0x60: {  	_ =	shalt  }
0x61: {  	_ =	shalt  }
0x62: {  	_ =	shalt  }
0x63: {  	_ =	shalt  }
0x64: {  	_ =	shalt  }
0x65: {  	_ =	shalt  }
0x66: {  	_ =	shalt  }
0x67: {  	_ =	shalt  }
0x68: {  	_ =	shalt  }
0x69: {  	_ =	shalt  }
0x6a: {  	_ =	shalt  }
0x6b: {  	_ =	shalt  }
0x6c: {  	_ =	shalt  }
0x6d: {  	_ =	shalt  }
0x6e: {  	_ =	shalt  }
0x6f: {  	_ =	shalt  }
0x70: {  	_ =	shalt  }
0x71: {  	_ =	shalt  }
0x72: {  	_ =	shalt  }
0x73: {  	_ =	shalt  }
0x74: {  	_ =	shalt  }
0x75: {  	_ =	shalt  }
0x76: {  	_ =	shalt  }
0x77: {  	_ =	shalt  }
0x78: {  	_ =	shalt  }
0x79: {  	_ =	shalt  }
0x7a: {  	_ =	shalt  }
0x7b: {  	_ =	shalt  }
0x7c: {  	_ =	shalt  }
0x7d: {  	_ =	shalt  }
0x7e: {  	_ =	shalt  }
0x7f: {  	_ =	shalt  }
0x80: {  	_ =	shalt  }
0x81: {  	_ =	shalt  }
0x82: {  	_ =	shalt  }
0x83: {  	_ =	shalt  }
0x84: {  	_ =	shalt  }
0x85: {  	_ =	shalt  }
0x86: {  	_ =	shalt  }
0x87: {  	_ =	shalt  }
.Lfunc_end0:
.L_simem_size_0:
called_computation.1_lowered:
.L_overlay_start_0:
0x88: {  	s2 =	sld [smem:$0x3FD9]  }
0x89: {  	s3 =	sld [smem:$0x3FFE];
	_ =	sdelay $0x1  }
0x8a: {  	s1 =	srdreg.scid  }
0x8b: {  	s0 =	sand.u32 $0x1, s1  }
0x8c: {  	s17 =	sshll.u32 s0, $0xA;
	s2 =	sadd.s32 s3, s2  }
0x8d: {  	s2 =	sadd.s32 s2, s17  }
0x8e: {  	[smem:$0x3FC7] =	sst s2  }
0x8f: {  	_ = 	snop  }
0x90: {  	s2 =	sld [smem:$0x3FD0];
	(tm) =	ssettm $0x1  }
0x91: {  	s18 =	sld [smem:$0x3FFB];
	_ =	sdelay $0x3  }
0x92: {  	_ =	strace s18  }
0x93: {  	s3 =	sld [smem:$0x3FFC];
	_ =	sdelay $0x3  }
0x94: {  	_ =	strace s3  }
0x95: {  	s3 =	sld [smem:$0x3FFD];
	_ =	sdelay $0x3  }
0x96: {  	_ =	strace s3  }
0x97: {  	_ =	strace $0x8FFFFFFF  }
0x98: {  	s19 =	sld [smem:$0x3FDB];
	_ =	sdelay $0x1  }
0x99: {  	s4 =	simm.s32 $_scs_section_size  }
0x9a: {  	s5 =	simm.s32 $_size__tile_overlayer_lowered;
	s6 =	simm.s32 $_tile_overlayer_lowered  }
0x9b: {  	s22 =	simm.s32 $0x1BFF;
	s21 =	sshll.u32 s6, $0x1;
	s3 =	sadd.s32 s4, s19  }
0x9c: {  	s7 =	simm.s32 $0x0;
	s20 =	sshll.u32 s5, $0x1;
	s5 =	sadd.s32 s21, s3  }
0x9d: {  	[timem:s7], [sflag:s22] =	dma.local [hbm:s5], s20  }
0x9e: {  	_ =	swait.ge [sflag:s22], s20  }
0x9f: {  	s4 =	ssub.s32 $0x0, s20;
	[sflag:s22] =	ssyncset.done $0x0  }
0xa0: {  	[sflag:s22] =	ssyncadd.s32 s4;
	_ =	sdelay $0x1  }
0xa1: {  	s23 =	simm.s32 $0x1B8B  }
0xa2: {  	_ =	swait.ge [sflag:s23], $0x1  }
0xa3: {  	[sflag:s23] =	ssyncset.done $0x0  }
0xa4: {  	s25 =	simm.s32 $0x1B8E;
	s24 =	sld [smem:$0x3FFE];
	[sflag:s23] =	ssyncadd.s32 $0xFFFFFFFF  }
0xa5: {  	s26 =	simm.s32 $execute0_lowered;
	[smem:$0x3FD2] =	sst s25  }
0xa6: {  	s5 =	sshll.u32 s26, $0x1;
	_ =	strace $0x80000049;
	[dreg:$0x1] =	wrdreg $0xFFFFFFFF  }
0xa7: {  	s28 =	simm.s32 $_size_execute0_lowered;
	s3 =	sadd.s32 s3, s5;
	[dreg:$0x0] =	wrdreg $0x0  }
0xa8: {  	s5 =	sshll.u32 s28, $0x1;
	[dreg:$0x2] =	wrdreg s3  }
0xa9: {  	[dreg:$0x3] =	wrdreg s5  }
0xaa: {  	[dreg:$0x4] =	wrdreg $0xC0  }
0xab: {  	_ =	task [dreg:s7], $0x5FFFF  }
0xac: {  	[dreg:$0x1] =	wrdreg $0xFFFFFFFF  }
0xad: {  	[dreg:$0x0] =	wrdreg $0x60  }
0xae: {  	[dreg:$0x2] =	wrdreg s2  }
0xaf: {  	[dreg:$0x3] =	wrdreg s24  }
0xb0: {  	[dreg:$0x4] =	wrdreg $0x9  }
0xb1: {  	_ =	task.clear_ibuf [dreg:s7], $0x5FFFF;
	_ =	strace $0x90000049  }
0xb2: {  	s29 =	simm.s32 $0x9;
	_ =	strace $0x8000004B  }
0xb3: {  	_ =	swait.ge [sflag:s29], $0x1  }
0xb4: {  	[sflag:s29] =	ssyncadd.s32 $0xFFFFFFFF  }
0xb5: {  	_ =	strace $0x9000004B  }
0xb6: {  	_ =	sfence  }
0xb7: {  	s30 =	sld [smem:$0x0];
	_ =	sdelay $0x2  }
0xb8: {  	s31 =	sshll.u32 s1, $0xD;
	s1 =	sshrl.u32 s1, $0x2  }
0xb9: {  	s3 =	sand.u32 $0x4000, s31;
	s1 =	sadd.s32 s1, s30  }
0xba: {  	s0 =	sor.u32 s3, s0;
	s1 =	sshll.u32 s1, $0x11  }
0xbb: {  	s0 =	sor.u32 s1, s0  }
0xbc: {  	s0 =	sadd.s32 $0x8F2B, s0  }
0xbd: {  	[sflag:s0] =	ssyncadd.remote.s32 $0x1  }
0xbe: {  	_ =	sfence.sel $0xFFFF  }
0xbf: {  	[dreg:$0x0] =	wrdreg $0xFFFFFFFF;
	(pc) =	sbr.abs _section_cstart, $3  }
0xc0: {  	[dreg:$0x1] =	wrdreg $0xFFFFFFFF  }
0xc1: {  	_ =	task.clear_ibuf [dreg:s7], $0x2FFFF;
	_ =	strace $0x9FFFFFFF  }
0xc2: {  	(tm) =	ssettm $0x7FFFFFFF  }
0xc3: {  	_ =	shalt  }
tec
execute0_lowered:
.L_overlay_start_1:
0x0: {  	(tag) =	ssettag $0x1  }
0x1: {  	s2 =	rddreg [dreg:$0x0]  }
0x2: {  	s5 =	rddreg [dreg:$0x1]  }
0x3: {  	s0 =	rddreg [dreg:$0x2]  }
0x4: {  	s3 =	simm.s32 $0x0;
	s1 =	stileid.u32;
	s4 =	srdreg.scid  }
0x5: {  	s13 =	simm.s32 $0x3200;
	s14 =	simm.s32 $0x1;
	s15 =	simm.s32 $0x6400  }
0x6: {  	s16 =	simm.s32 $0x2;
	s17 =	simm.s32 $0x80;
	s18 =	simm.s32 $0x400  }
0x7: {  	s19 =	simm.s32 $0x16400;
	s20 =	simm.s32 $0x0;
	[smem:$0x7FF] =	sst s3  }
0x8: {  	s6 =	sand.u32 $0x1, s4;
	s28 =	sshll.u32 s1, $0x1;
	s8 =	sshll.u32 s1, $0xD  }
0x9: {  	s4 =	sadd.s32 $0xC38600, s5;
	_ =	strace $0x8000004A;
	s7 =	sor.u32 s6, s28  }
0xa: {  	s8 =	sand.u32 $0x18000, s8;
	s6 =	ssub.s32 $0x2, s6;
	s9 =	smul.u32 $0x30D400, s7  }
0xb: {  	s10 =	sadd.s32 s8, s5;
	s30 =	sshrl.u32 s6, $0x1;
	s7 =	sshll.u32 s7, $0x4  }
0xc: {  	s11 =	ssub.s32 s6, s30;
	s12 =	sand.u32 $0x70, s7;
	s29 =	sshrl.u32 s9, $0x3  }
0xd: {  	s7 =	sadd.s32 $0x6400, s9;
	s8 =	sadd.s32 $0x9600, s9;
	s31 =	sadd.s32 s12, s10  }
0xe: {  	v0 =	vlaneseq.u32;
	s10 =	smax.u32 s11, $0x1;
	s11 =	simm.s32 $0x1E400;
	s5 =	sadd.s32 s2, s29  }
0xf: {  	v1 =	vimm.s32 $0x0;
	v2 =	vimm.s32 $0x1;
	v3 =	vor.u32 $0x10, v0;
	s12 =	simm.s32 $0x3;
	s9 =	sadd.s32 $0xC38800, s31;
	s6 =	sadd.s32 $0x640, s5  }
.LBB2_1:
0x10: {  	s21 =	simm.s32 $0x40;
	s22 =	simm.s32 $0x0  }
.LBB2_2:
0x11: {  	p0 =	sne.s32 s21, $0x3FFC0;
	[tilespmem:s22+$0x6400] =	vst v1;
	s22 =	smov.u32 s21;
	s21 =	sadd.s32 $0x40, s21  }
.Ltmp0:
0x12: {  	(pc) =	sbr.rel @p0 .LBB2_2-.Ltmp0, $2  }
0x13: {  	_ =	sdelay $0x2  }
0x14: {  	s22 =	sshra.s32 s22, $0x2  }
0x15: {  	[tilespmem:s22+$0x6400] =	vst v1;
	s21 =	simm.s32 $0x0  }
0x16: {  	[tilespmem:s11], [sflag:$0x3] =	stream.linear.gather [hbm4b:s4+s21], $0x80, $0x38;
	[tilespmem:$0x1E480] =	vst v63  }
0x17: {  	_ =	swait.ge [sflag:s12], $0x80  }
0x18: {  	[sflag:s12] =	ssyncset.done $0x0  }
0x19: {  	[sflag:s12] =	ssyncadd.s32 $0xFFFFFF80  }
0x1a: {  	v4 =	vld [tilespmem:$0x1E400];
	[tilespmem:s21], [sflag:$0x1] =	stream.linear.gather [hbm4b:s5+s21], $0x3200, $0x38  }
0x1b: {  	_ = 	snop  }
0x1c: {  	[tilespmem:s13], [sflag:$0x2] =	stream.linear.gather [hbm4b:s6+s21], $0x3200, $0x38;
	[tilespmem:$0x1E480] =	vst v63  }
.LBB2_4:
0x1d: {  	_ =	swait.ge [sflag:s14], $0x3200  }
0x1e: {  	[sflag:s14] =	ssyncset.done $0x0  }
0x1f: {  	s23 =	simm.s32 $0x50;
	[sflag:s14] =	ssyncadd.s32 $0xFFFFCE00  }
0x20: {  	v5 =	vld [tilespmem:s23+$0x30];
	_ =	sdelay $0x3  }
0x21: {  	v6 =	vld [tilespmem:s23+$0xFFFFFFB0]  }
0x22: {  	v7 =	vshra.s32 v5, $0x1F  }
0x23: {  	v7 =	vor.u32 $0x80000000, v7  }
0x24: {  	v5 =	vxor.u32 v5, v7  }
0x25: {  	v7 =	vshrl.u32 v5, $0x5;
	v5 =	vshrl.u32 v5, $0x15  }
0x26: {  	vm0 =	veq.s32 v5, v4;
	v5 =	vand.u32 $0xFFE0, v7;
	v7 =	vshra.s32 v6, $0x1F  }
0x27: {  	v8 =	vld [tilespmem:s23+$0xFFFFFFD0];
	v7 =	vor.u32 $0x80000000, v7  }
0x28: {  	v9 =	vld [tilespmem:s23+$0xFFFFFFF0];
	v5 =	vor.u32 v0, v5;
	v6 =	vxor.u32 v6, v7  }
0x29: {  	v10 =	vld [tilespmem:s23+$0x10];
	v7 =	vshrl.u32 v6, $0x5;
	v6 =	vshrl.u32 v6, $0x15  }
0x2a: {  	v7 =	vand.u32 $0xFFE0, v7;
	vm1 =	veq.s32 v6, v4  }
0x2b: {  	v6 =	vor.u32 v0, v7;
	_ =	sdelay $0x1  }
0x2c: {  	v11 =	vshra.s32 v9, $0x1F;
	v7 =	vshra.s32 v8, $0x1F;
	[tilespmem:v5+s15+$0x0] =	vst.idx.add.s32.msk vm0, v2  }
0x2d: {  	v11 =	vor.u32 $0x80000000, v11;
	v5 =	vor.u32 $0x80000000, v7;
	v7 =	vshra.s32 v10, $0x1F;
	v12 =	vld [tilespmem:s23+$0x40]  }
0x2e: {  	v7 =	vor.u32 $0x80000000, v7;
	v5 =	vxor.u32 v8, v5;
	v8 =	vxor.u32 v9, v11  }
0x2f: {  	s22 =	simm.s32 $0xF0;
	v9 =	vshrl.u32 v5, $0x5;
	v7 =	vxor.u32 v10, v7;
	v10 =	vshrl.u32 v8, $0x5;
	[tilespmem:v6+s15+$0x0] =	vst.idx.add.s32.msk vm1, v2  }
0x30: {  	v5 =	vshrl.u32 v5, $0x15;
	v6 =	vshrl.u32 v8, $0x15;
	v8 =	vand.u32 $0xFFE0, v10;
	v10 =	vld [tilespmem:s22+$0x30]  }
0x31: {  	v11 =	vshrl.u32 v7, $0x5;
	v9 =	vand.u32 $0xFFE0, v9;
	v7 =	vshrl.u32 v7, $0x15;
	v13 =	vld [tilespmem:s23+$0xFFFFFFC0]  }
0x32: {  	vm1 =	veq.s32 v5, v4;
	vm2 =	veq.s32 v6, v4;
	v6 =	vld [tilespmem:s22+$0xFFFFFFD0];
	v5 =	vshra.s32 v12, $0x1F  }
0x33: {  	v11 =	vand.u32 $0xFFE0, v11;
	v9 =	vor.u32 v0, v9;
	v5 =	vor.u32 $0x80000000, v5  }
0x34: {  	vm3 =	veq.s32 v7, v4;
	v8 =	vor.u32 v0, v8;
	v5 =	vxor.u32 v12, v5  }
0x35: {  	v16 =	vld [tilespmem:s22+$0xFFFFFFB0];
	v7 =	vor.u32 v0, v11;
	v11 =	vshrl.u32 v5, $0x5;
	v5 =	vshrl.u32 v5, $0x15  }
0x36: {  	v12 =	vld [tilespmem:s22+$0xFFFFFFF0];
	v14 =	vshra.s32 v10, $0x1F;
	vm0 =	veq.s32 v5, v4;
	v5 =	vand.u32 $0xFFE0, v11  }
0x37: {  	v11 =	vld [tilespmem:s22+$0x10];
	v15 =	vshra.s32 v13, $0x1F;
	v14 =	vor.u32 $0x80000000, v14;
	v17 =	vshra.s32 v6, $0x1F  }
0x38: {  	v5 =	vor.u32 v3, v5;
	v15 =	vor.u32 $0x80000000, v15;
	v10 =	vxor.u32 v10, v14  }
0x39: {  	v13 =	vxor.u32 v13, v15;
	v14 =	vshrl.u32 v10, $0x5;
	v10 =	vshrl.u32 v10, $0x15  }
0x3a: {  	v15 =	vor.u32 $0x80000000, v17;
	vm4 =	veq.s32 v10, v4;
	v10 =	vand.u32 $0xFFE0, v14  }
0x3b: {  	[tilespmem:v9+s15+$0x0] =	vst.idx.add.s32.msk vm1, v2;
	v9 =	vshra.s32 v12, $0x1F;
	v6 =	vxor.u32 v6, v15;
	v10 =	vor.u32 v0, v10  }
0x3c: {  	[tilespmem:v8+s15+$0x0] =	vst.idx.add.s32.msk vm2, v2;
	v8 =	vor.u32 $0x80000000, v9;
	v9 =	vshra.s32 v16, $0x1F;
	v14 =	vshra.s32 v11, $0x1F  }
0x3d: {  	[tilespmem:v7+s15+$0x0] =	vst.idx.add.s32.msk vm3, v2;
	v7 =	vor.u32 $0x80000000, v9;
	v8 =	vxor.u32 v12, v8;
	v12 =	vshrl.u32 v6, $0x5  }
0x3e: {  	v9 =	vld [tilespmem:s23+$0xFFFFFFE0];
	v6 =	vshrl.u32 v6, $0x15;
	v14 =	vor.u32 $0x80000000, v14;
	v7 =	vxor.u32 v16, v7  }
0x3f: {  	v60 =	vshrl.u32 v8, $0x5;
	v12 =	vand.u32 $0xFFE0, v12;
	v11 =	vxor.u32 v11, v14;
	v14 =	vld [tilespmem:s23+$0x0]  }
0x40: {  	v8 =	vshrl.u32 v8, $0x15;
	vm2 =	veq.s32 v6, v4;
	v15 =	vshrl.u32 v7, $0x5;
	[tilespmem:v10+s15+$0x0] =	vst.idx.add.s32.msk vm4, v2  }
0x41: {  	v7 =	vshrl.u32 v7, $0x15;
	v16 =	vand.u32 $0xFFE0, v60;
	v6 =	vor.u32 v0, v12;
	v10 =	vld [tilespmem:s23+$0x20]  }
0x42: {  	vm3 =	veq.s32 v8, v4;
	v61 =	vshrl.u32 v11, $0x5;
	v15 =	vand.u32 $0xFFE0, v15;
	v62 =	vld [tilespmem:s22+$0x40]  }
0x43: {  	vm1 =	veq.s32 v7, v4;
	v7 =	vshrl.u32 v11, $0x15;
	v12 =	vor.u32 v0, v16  }
0x44: {  	v11 =	vand.u32 $0xFFE0, v61;
	vm15 =	veq.s32 v7, v4;
	v7 =	vshra.s32 v9, $0x1F  }
0x45: {  	v15 =	vor.u32 v0, v15;
	v7 =	vor.u32 $0x80000000, v7;
	v8 =	vshra.s32 v14, $0x1F  }
0x46: {  	v63 =	vor.u32 v0, v11;
	v11 =	vor.u32 $0x80000000, v8;
	v8 =	vxor.u32 v9, v7  }
0x47: {  	[tilespmem:v5+s15+$0x0] =	vst.idx.add.s32.msk vm0, v2;
	v18 =	vshra.s32 v10, $0x1F;
	v9 =	vxor.u32 v14, v11;
	v5 =	vshra.s32 v62, $0x1F  }
0x48: {  	[tilespmem:v6+s15+$0x0] =	vst.idx.add.s32.msk vm2, v2;
	v14 =	vshrl.u32 v13, $0x5;
	v13 =	vshrl.u32 v13, $0x15;
	v5 =	vor.u32 $0x80000000, v5  }
0x49: {  	[tilespmem:v12+s15+$0x0] =	vst.idx.add.s32.msk vm3, v2;
	v7 =	vor.u32 $0x80000000, v18;
	v11 =	vshrl.u32 v9, $0x5;
	v5 =	vxor.u32 v62, v5  }
0x4a: {  	[tilespmem:v15+s15+$0x0] =	vst.idx.add.s32.msk vm1, v2;
	v14 =	vand.u32 $0xFFE0, v14;
	v6 =	vshrl.u32 v5, $0x5;
	v5 =	vshrl.u32 v5, $0x15  }
0x4b: {  	[tilespmem:v63+s15+$0x0] =	vst.idx.add.s32.msk vm15, v2;
	v7 =	vxor.u32 v10, v7;
	vm0 =	veq.s32 v5, v4;
	v5 =	vand.u32 $0xFFE0, v6  }
0x4c: {  	s24 =	simm.s32 $0x190;
	s23 =	simm.s32 $0xA;
	v10 =	vshrl.u32 v8, $0x5;
	v12 =	vshrl.u32 v7, $0x5;
	v6 =	vld [tilespmem:s22+$0xFFFFFFC0];
	v5 =	vor.u32 v3, v5  }
.LBB2_5:
0x4d: {  	v15 =	vld [tilespmem:s24+$0x30];
	s23 =	sadd.s32 $0xA, s23;
	v8 =	vshrl.u32 v8, $0x15;
	v10 =	vand.u32 $0xFFE0, v10;
	v9 =	vshrl.u32 v9, $0x15  }
0x4e: {  	v11 =	vand.u32 $0xFFE0, v11;
	v7 =	vshrl.u32 v7, $0x15;
	v12 =	vand.u32 $0xFFE0, v12;
	v16 =	vld [tilespmem:s24+$0xFFFFFFD0];
	p0 =	slt.u32 s23, $0x316  }
0x4f: {  	vm3 =	veq.s32 v13, v4;
	v13 =	vor.u32 v3, v14;
	vm2 =	veq.s32 v8, v4;
	v17 =	vld [tilespmem:s24+$0xFFFFFFF0]  }
0x50: {  	v10 =	vor.u32 v3, v10;
	vm1 =	veq.s32 v9, v4;
	v9 =	vor.u32 v3, v11;
	v8 =	vld [tilespmem:s24+$0x10]  }
0x51: {  	v11 =	vshra.s32 v6, $0x1F;
	[tilespmem:v5+s15+$0x0] =	vst.idx.add.s32.msk vm0, v2;
	vm0 =	veq.s32 v7, v4;
	v5 =	vor.u32 v3, v12  }
0x52: {  	v7 =	vld [tilespmem:s24+$0xFFFFFFB0];
	v12 =	vshra.s32 v15, $0x1F;
	v11 =	vor.u32 $0x80000000, v11  }
0x53: {  	v14 =	vshra.s32 v16, $0x1F;
	v12 =	vor.u32 $0x80000000, v12;
	v18 =	vxor.u32 v6, v11;
	v6 =	vld [tilespmem:s22+$0xFFFFFFE0]  }
0x54: {  	v11 =	vor.u32 $0x80000000, v14;
	v14 =	vshra.s32 v17, $0x1F;
	v12 =	vxor.u32 v15, v12;
	v15 =	vld [tilespmem:s22+$0x0]  }
0x55: {  	v19 =	vshra.s32 v8, $0x1F;
	v20 =	vshrl.u32 v12, $0x5;
	v12 =	vshrl.u32 v12, $0x15;
	v21 =	vld [tilespmem:s22+$0x20];
	s22 =	smov.u32 s24  }
0x56: {  	v14 =	vor.u32 $0x80000000, v14;
	vm4 =	veq.s32 v12, v4;
	v12 =	vand.u32 $0xFFE0, v20;
	[tilespmem:v13+s15+$0x0] =	vst.idx.add.s32.msk vm3, v2  }
0x57: {  	v19 =	vor.u32 $0x80000000, v19;
	v13 =	vshra.s32 v7, $0x1F;
	v12 =	vor.u32 v0, v12;
	[tilespmem:v10+s15+$0x0] =	vst.idx.add.s32.msk vm2, v2  }
0x58: {  	v11 =	vxor.u32 v16, v11;
	v10 =	vor.u32 $0x80000000, v13;
	v13 =	vxor.u32 v17, v14;
	[tilespmem:v9+s15+$0x0] =	vst.idx.add.s32.msk vm1, v2  }
0x59: {  	v8 =	vxor.u32 v8, v19;
	v9 =	vshrl.u32 v11, $0x5;
	v7 =	vxor.u32 v7, v10;
	[tilespmem:v5+s15+$0x0] =	vst.idx.add.s32.msk vm0, v2  }
0x5a: {  	v14 =	vshrl.u32 v8, $0x5;
	v10 =	vshrl.u32 v13, $0x5;
	v5 =	vshrl.u32 v7, $0x5  }
0x5b: {  	v11 =	vshrl.u32 v11, $0x15;
	v7 =	vshrl.u32 v7, $0x15;
	v5 =	vand.u32 $0xFFE0, v5  }
0x5c: {  	v9 =	vand.u32 $0xFFE0, v9;
	v13 =	vshrl.u32 v13, $0x15;
	v10 =	vand.u32 $0xFFE0, v10;
	[tilespmem:v12+s15+$0x0] =	vst.idx.add.s32.msk vm4, v2  }
0x5d: {  	vm0 =	veq.s32 v7, v4;
	v7 =	vshrl.u32 v8, $0x15;
	v8 =	vand.u32 $0xFFE0, v14;
	v12 =	vld [tilespmem:s24+$0x40]  }
0x5e: {  	vm1 =	veq.s32 v11, v4;
	v11 =	vor.u32 v0, v9;
	v5 =	vor.u32 v0, v5  }
0x5f: {  	vm2 =	veq.s32 v13, v4;
	v13 =	vor.u32 v0, v10;
	vm3 =	veq.s32 v7, v4  }
0x60: {  	v14 =	vor.u32 v0, v8;
	v7 =	vshra.s32 v6, $0x1F;
	v8 =	vshra.s32 v15, $0x1F  }
0x61: {  	v10 =	vshra.s32 v21, $0x1F;
	v7 =	vor.u32 $0x80000000, v7;
	v9 =	vor.u32 $0x80000000, v8  }
0x62: {  	v8 =	vxor.u32 v6, v7;
	v6 =	vor.u32 $0x80000000, v10;
	v16 =	vshra.s32 v12, $0x1F  }
.Ltmp1:
0x63: {  	v9 =	vxor.u32 v15, v9;
	v7 =	vxor.u32 v21, v6;
	[tilespmem:v5+s15+$0x0] =	vst.idx.add.s32.msk vm0, v2;
	v5 =	vor.u32 $0x80000000, v16;
	(pc) =	sbr.rel @p0 .LBB2_5-.Ltmp1, $4  }
0x64: {  	v15 =	vshrl.u32 v18, $0x5;
	v10 =	vshrl.u32 v8, $0x5;
	[tilespmem:v11+s15+$0x0] =	vst.idx.add.s32.msk vm1, v2;
	v5 =	vxor.u32 v12, v5  }
0x65: {  	v11 =	vshrl.u32 v9, $0x5;
	[tilespmem:v13+s15+$0x0] =	vst.idx.add.s32.msk vm2, v2;
	v6 =	vshrl.u32 v5, $0x5;
	v5 =	vshrl.u32 v5, $0x15  }
0x66: {  	v12 =	vshrl.u32 v7, $0x5;
	[tilespmem:v14+s15+$0x0] =	vst.idx.add.s32.msk vm3, v2;
	vm0 =	veq.s32 v5, v4;
	v5 =	vand.u32 $0xFFE0, v6  }
0x67: {  	s24 =	sadd.s32 $0xA0, s24;
	v13 =	vshrl.u32 v18, $0x15;
	v14 =	vand.u32 $0xFFE0, v15;
	v6 =	vld [tilespmem:s22+$0xFFFFFFC0];
	v5 =	vor.u32 v3, v5  }
0x68: {  	v16 =	vld [tilespmem:s22+$0x0]  }
0x69: {  	v8 =	vshrl.u32 v8, $0x15;
	v10 =	vand.u32 $0xFFE0, v10;
	v9 =	vshrl.u32 v9, $0x15;
	v17 =	vld [tilespmem:s22+$0x20]  }
0x6a: {  	v15 =	vld [tilespmem:s22+$0xFFFFFFE0];
	v11 =	vand.u32 $0xFFE0, v11;
	v7 =	vshrl.u32 v7, $0x15;
	v12 =	vand.u32 $0xFFE0, v12  }
0x6b: {  	vm4 =	veq.s32 v13, v4;
	v13 =	vor.u32 v3, v14;
	vm3 =	veq.s32 v8, v4  }
0x6c: {  	v8 =	vor.u32 v3, v10;
	vm1 =	veq.s32 v9, v4;
	v9 =	vshra.s32 v6, $0x1F  }
0x6d: {  	v10 =	vor.u32 v3, v11;
	vm2 =	veq.s32 v7, v4;
	v7 =	vor.u32 $0x80000000, v9  }
0x6e: {  	v9 =	vor.u32 v3, v12;
	v11 =	vshra.s32 v16, $0x1F;
	v12 =	vshra.s32 v17, $0x1F  }
0x6f: {  	v6 =	vxor.u32 v6, v7;
	v7 =	vshra.s32 v15, $0x1F;
	v11 =	vor.u32 $0x80000000, v11  }
0x70: {  	v12 =	vor.u32 $0x80000000, v12;
	v7 =	vor.u32 $0x80000000, v7;
	v11 =	vxor.u32 v16, v11  }
0x71: {  	v12 =	vxor.u32 v17, v12;
	v14 =	vshrl.u32 v6, $0x5;
	v6 =	vshrl.u32 v6, $0x15  }
0x72: {  	v7 =	vxor.u32 v15, v7;
	v16 =	vshrl.u32 v11, $0x5;
	v17 =	vshrl.u32 v12, $0x5  }
0x73: {  	v14 =	vand.u32 $0xFFE0, v14;
	v11 =	vshrl.u32 v11, $0x15;
	vm5 =	veq.s32 v6, v4  }
0x74: {  	[tilespmem:v5+s15+$0x0] =	vst.idx.add.s32.msk vm0, v2;
	v15 =	vshrl.u32 v7, $0x5;
	v7 =	vshrl.u32 v7, $0x15;
	v5 =	vand.u32 $0xFFE0, v16  }
0x75: {  	v6 =	vor.u32 v3, v14;
	vm13 =	veq.s32 v11, v4;
	v15 =	vand.u32 $0xFFE0, v15  }
0x76: {  	[tilespmem:v13+s15+$0x0] =	vst.idx.add.s32.msk vm4, v2;
	vm0 =	veq.s32 v7, v4;
	v7 =	vshrl.u32 v12, $0x15;
	v5 =	vor.u32 v3, v5  }
0x77: {  	[tilespmem:v8+s15+$0x0] =	vst.idx.add.s32.msk vm3, v2;
	v8 =	vand.u32 $0xFFE0, v17;
	v12 =	vor.u32 v3, v15;
	vm3 =	veq.s32 v7, v4  }
0x78: {  	p0 =	seq.s32 s21, $0x7C;
	[tilespmem:v10+s15+$0x0] =	vst.idx.add.s32.msk vm1, v2;
	v7 =	vor.u32 v3, v8  }
0x79: {  	s22 =	smul.u32 @!p0 $0x6400, s21;
	[tilespmem:v9+s15+$0x0] =	vst.idx.add.s32.msk vm2, v2  }
0x7a: {  	[tilespmem:v6+s15+$0x0] =	vst.idx.add.s32.msk vm5, v2  }
0x7b: {  	s22 =	sadd.s32 @!p0 s22, s7;
	[tilespmem:v5+s15+$0x0] =	vst.idx.add.s32.msk vm13, v2  }
0x7c: {  	s22 =	sshrl.u32 @!p0 s22, $0x3;
	[tilespmem:v12+s15+$0x0] =	vst.idx.add.s32.msk vm0, v2  }
0x7d: {  	s23 =	simm.s32 @!p0 $0x0;
	s22 =	sadd.s32 @!p0 s2, s22;
	[tilespmem:v7+s15+$0x0] =	vst.idx.add.s32.msk vm3, v2  }
0x7e: {  	[tilespmem:s23], [sflag:$0x1] =	stream.linear.gather @!p0 [hbm4b:s22+s23], $0x3200, $0x38;
	[tilespmem:$0x1E480] =	vst v63  }
0x7f: {  	_ =	swait.ge [sflag:s16], $0x3200  }
0x80: {  	[sflag:s16] =	ssyncset.done $0x0  }
0x81: {  	s31 =	simm.s32 $0x3250;
	[sflag:s16] =	ssyncadd.s32 $0xFFFFCE00  }
0x82: {  	v5 =	vld [tilespmem:s31+$0x30];
	_ =	sdelay $0x3  }
0x83: {  	v6 =	vld [tilespmem:s31+$0xFFFFFFB0]  }
0x84: {  	v7 =	vshra.s32 v5, $0x1F  }
0x85: {  	v7 =	vor.u32 $0x80000000, v7  }
0x86: {  	v5 =	vxor.u32 v5, v7  }
0x87: {  	v7 =	vshrl.u32 v5, $0x5;
	v5 =	vshrl.u32 v5, $0x15  }
0x88: {  	vm0 =	veq.s32 v5, v4;
	v5 =	vand.u32 $0xFFE0, v7;
	v7 =	vshra.s32 v6, $0x1F  }
0x89: {  	v8 =	vld [tilespmem:s31+$0xFFFFFFD0];
	v7 =	vor.u32 $0x80000000, v7  }
0x8a: {  	v9 =	vld [tilespmem:s31+$0xFFFFFFF0];
	v5 =	vor.u32 v0, v5;
	v6 =	vxor.u32 v6, v7  }
0x8b: {  	v10 =	vld [tilespmem:s31+$0x10];
	v7 =	vshrl.u32 v6, $0x5;
	v6 =	vshrl.u32 v6, $0x15  }
0x8c: {  	v7 =	vand.u32 $0xFFE0, v7;
	vm1 =	veq.s32 v6, v4  }
0x8d: {  	v6 =	vor.u32 v0, v7;
	_ =	sdelay $0x1  }
0x8e: {  	v11 =	vshra.s32 v9, $0x1F;
	v7 =	vshra.s32 v8, $0x1F;
	[tilespmem:v5+s15+$0x0] =	vst.idx.add.s32.msk vm0, v2  }
0x8f: {  	v11 =	vor.u32 $0x80000000, v11;
	v5 =	vor.u32 $0x80000000, v7;
	v7 =	vshra.s32 v10, $0x1F;
	v12 =	vld [tilespmem:s31+$0x40]  }
0x90: {  	v7 =	vor.u32 $0x80000000, v7;
	v5 =	vxor.u32 v8, v5;
	v8 =	vxor.u32 v9, v11  }
0x91: {  	s22 =	simm.s32 $0x32F0;
	v9 =	vshrl.u32 v5, $0x5;
	v7 =	vxor.u32 v10, v7;
	v10 =	vshrl.u32 v8, $0x5;
	[tilespmem:v6+s15+$0x0] =	vst.idx.add.s32.msk vm1, v2  }
0x92: {  	v5 =	vshrl.u32 v5, $0x15;
	v6 =	vshrl.u32 v8, $0x15;
	v8 =	vand.u32 $0xFFE0, v10;
	v10 =	vld [tilespmem:s22+$0x30]  }
0x93: {  	v11 =	vshrl.u32 v7, $0x5;
	v9 =	vand.u32 $0xFFE0, v9;
	v7 =	vshrl.u32 v7, $0x15;
	v13 =	vld [tilespmem:s31+$0xFFFFFFC0]  }
0x94: {  	vm1 =	veq.s32 v5, v4;
	vm2 =	veq.s32 v6, v4;
	v6 =	vld [tilespmem:s22+$0xFFFFFFD0];
	v5 =	vshra.s32 v12, $0x1F  }
0x95: {  	v11 =	vand.u32 $0xFFE0, v11;
	v9 =	vor.u32 v0, v9;
	v5 =	vor.u32 $0x80000000, v5  }
0x96: {  	vm3 =	veq.s32 v7, v4;
	v8 =	vor.u32 v0, v8;
	v5 =	vxor.u32 v12, v5  }
0x97: {  	v58 =	vld [tilespmem:s22+$0xFFFFFFB0];
	v7 =	vor.u32 v0, v11;
	v11 =	vshrl.u32 v5, $0x5;
	v5 =	vshrl.u32 v5, $0x15  }
0x98: {  	v12 =	vld [tilespmem:s22+$0xFFFFFFF0];
	v14 =	vshra.s32 v10, $0x1F;
	vm0 =	veq.s32 v5, v4;
	v5 =	vand.u32 $0xFFE0, v11  }
0x99: {  	v11 =	vld [tilespmem:s22+$0x10];
	v15 =	vshra.s32 v13, $0x1F;
	v14 =	vor.u32 $0x80000000, v14;
	v59 =	vshra.s32 v6, $0x1F  }
0x9a: {  	v5 =	vor.u32 v3, v5;
	v15 =	vor.u32 $0x80000000, v15;
	v10 =	vxor.u32 v10, v14  }
0x9b: {  	v13 =	vxor.u32 v13, v15;
	v14 =	vshrl.u32 v10, $0x5;
	v10 =	vshrl.u32 v10, $0x15  }
0x9c: {  	v15 =	vor.u32 $0x80000000, v59;
	vm14 =	veq.s32 v10, v4;
	v10 =	vand.u32 $0xFFE0, v14  }
0x9d: {  	[tilespmem:v9+s15+$0x0] =	vst.idx.add.s32.msk vm1, v2;
	v9 =	vshra.s32 v12, $0x1F;
	v6 =	vxor.u32 v6, v15;
	v10 =	vor.u32 v0, v10  }
0x9e: {  	[tilespmem:v8+s15+$0x0] =	vst.idx.add.s32.msk vm2, v2;
	v8 =	vor.u32 $0x80000000, v9;
	v9 =	vshra.s32 v58, $0x1F;
	v14 =	vshra.s32 v11, $0x1F  }
0x9f: {  	[tilespmem:v7+s15+$0x0] =	vst.idx.add.s32.msk vm3, v2;
	v7 =	vor.u32 $0x80000000, v9;
	v8 =	vxor.u32 v12, v8;
	v12 =	vshrl.u32 v6, $0x5  }
0xa0: {  	v9 =	vld [tilespmem:s31+$0xFFFFFFE0];
	v6 =	vshrl.u32 v6, $0x15;
	v14 =	vor.u32 $0x80000000, v14;
	v7 =	vxor.u32 v58, v7  }
0xa1: {  	v60 =	vshrl.u32 v8, $0x5;
	v12 =	vand.u32 $0xFFE0, v12;
	v11 =	vxor.u32 v11, v14;
	v14 =	vld [tilespmem:s31+$0x0]  }
0xa2: {  	v8 =	vshrl.u32 v8, $0x15;
	vm2 =	veq.s32 v6, v4;
	v15 =	vshrl.u32 v7, $0x5;
	[tilespmem:v10+s15+$0x0] =	vst.idx.add.s32.msk vm14, v2  }
0xa3: {  	v7 =	vshrl.u32 v7, $0x15;
	v16 =	vand.u32 $0xFFE0, v60;
	v6 =	vor.u32 v0, v12;
	v10 =	vld [tilespmem:s31+$0x20]  }
0xa4: {  	vm3 =	veq.s32 v8, v4;
	v15 =	vand.u32 $0xFFE0, v15;
	vm1 =	veq.s32 v7, v4;
	v62 =	vld [tilespmem:s22+$0x40]  }
0xa5: {  	v61 =	vshrl.u32 v11, $0x5;
	v7 =	vshrl.u32 v11, $0x15;
	v15 =	vor.u32 v0, v15  }
0xa6: {  	v12 =	vor.u32 v0, v16;
	vm15 =	veq.s32 v7, v4;
	v7 =	vshra.s32 v9, $0x1F  }
0xa7: {  	v11 =	vand.u32 $0xFFE0, v61;
	v7 =	vor.u32 $0x80000000, v7;
	v8 =	vshra.s32 v14, $0x1F  }
0xa8: {  	v63 =	vor.u32 v0, v11;
	v11 =	vor.u32 $0x80000000, v8;
	v8 =	vxor.u32 v9, v7  }
0xa9: {  	[tilespmem:v5+s15+$0x0] =	vst.idx.add.s32.msk vm0, v2;
	v18 =	vshra.s32 v10, $0x1F;
	v9 =	vxor.u32 v14, v11;
	v5 =	vshra.s32 v62, $0x1F  }
0xaa: {  	[tilespmem:v15+s15+$0x0] =	vst.idx.add.s32.msk vm1, v2;
	v15 =	vshrl.u32 v13, $0x5;
	v14 =	vshrl.u32 v13, $0x15;
	v5 =	vor.u32 $0x80000000, v5  }
0xab: {  	[tilespmem:v6+s15+$0x0] =	vst.idx.add.s32.msk vm2, v2;
	v7 =	vor.u32 $0x80000000, v18;
	v11 =	vshrl.u32 v9, $0x5;
	v5 =	vxor.u32 v62, v5  }
0xac: {  	[tilespmem:v12+s15+$0x0] =	vst.idx.add.s32.msk vm3, v2;
	v13 =	vand.u32 $0xFFE0, v15;
	v6 =	vshrl.u32 v5, $0x5;
	v5 =	vshrl.u32 v5, $0x15  }
0xad: {  	[tilespmem:v63+s15+$0x0] =	vst.idx.add.s32.msk vm15, v2;
	v7 =	vxor.u32 v10, v7;
	vm0 =	veq.s32 v5, v4;
	v5 =	vand.u32 $0xFFE0, v6  }
0xae: {  	s24 =	simm.s32 $0x3390;
	s23 =	simm.s32 $0xA;
	v10 =	vshrl.u32 v8, $0x5;
	v12 =	vshrl.u32 v7, $0x5;
	v6 =	vld [tilespmem:s22+$0xFFFFFFC0];
	v5 =	vor.u32 v3, v5  }
.LBB2_7:
0xaf: {  	v15 =	vld [tilespmem:s24+$0x30];
	s23 =	sadd.s32 $0xA, s23;
	v8 =	vshrl.u32 v8, $0x15;
	v10 =	vand.u32 $0xFFE0, v10;
	v9 =	vshrl.u32 v9, $0x15  }
0xb0: {  	v11 =	vand.u32 $0xFFE0, v11;
	v7 =	vshrl.u32 v7, $0x15;
	v12 =	vand.u32 $0xFFE0, v12;
	v16 =	vld [tilespmem:s24+$0xFFFFFFD0];
	p1 =	slt.u32 s23, $0x316  }
0xb1: {  	vm3 =	veq.s32 v14, v4;
	v13 =	vor.u32 v3, v13;
	vm2 =	veq.s32 v8, v4;
	v17 =	vld [tilespmem:s24+$0xFFFFFFF0]  }
0xb2: {  	v10 =	vor.u32 v3, v10;
	vm1 =	veq.s32 v9, v4;
	v9 =	vor.u32 v3, v11;
	v8 =	vld [tilespmem:s24+$0x10]  }
0xb3: {  	v11 =	vshra.s32 v6, $0x1F;
	[tilespmem:v5+s15+$0x0] =	vst.idx.add.s32.msk vm0, v2;
	vm0 =	veq.s32 v7, v4;
	v5 =	vor.u32 v3, v12  }
0xb4: {  	v7 =	vld [tilespmem:s24+$0xFFFFFFB0];
	v12 =	vshra.s32 v15, $0x1F;
	v11 =	vor.u32 $0x80000000, v11  }
0xb5: {  	v14 =	vshra.s32 v16, $0x1F;
	v12 =	vor.u32 $0x80000000, v12;
	v18 =	vxor.u32 v6, v11;
	v6 =	vld [tilespmem:s22+$0xFFFFFFE0]  }
0xb6: {  	v11 =	vor.u32 $0x80000000, v14;
	v14 =	vshra.s32 v17, $0x1F;
	v12 =	vxor.u32 v15, v12;
	v15 =	vld [tilespmem:s22+$0x0]  }
0xb7: {  	v19 =	vshra.s32 v8, $0x1F;
	v20 =	vshrl.u32 v12, $0x5;
	v12 =	vshrl.u32 v12, $0x15;
	v21 =	vld [tilespmem:s22+$0x20];
	s22 =	smov.u32 s24  }
0xb8: {  	v14 =	vor.u32 $0x80000000, v14;
	vm4 =	veq.s32 v12, v4;
	v12 =	vand.u32 $0xFFE0, v20;
	[tilespmem:v13+s15+$0x0] =	vst.idx.add.s32.msk vm3, v2  }
0xb9: {  	v19 =	vor.u32 $0x80000000, v19;
	v13 =	vshra.s32 v7, $0x1F;
	v12 =	vor.u32 v0, v12;
	[tilespmem:v10+s15+$0x0] =	vst.idx.add.s32.msk vm2, v2  }
0xba: {  	v11 =	vxor.u32 v16, v11;
	v10 =	vor.u32 $0x80000000, v13;
	v13 =	vxor.u32 v17, v14;
	[tilespmem:v9+s15+$0x0] =	vst.idx.add.s32.msk vm1, v2  }
0xbb: {  	v8 =	vxor.u32 v8, v19;
	v9 =	vshrl.u32 v11, $0x5;
	v7 =	vxor.u32 v7, v10;
	[tilespmem:v5+s15+$0x0] =	vst.idx.add.s32.msk vm0, v2  }
0xbc: {  	v14 =	vshrl.u32 v8, $0x5;
	v10 =	vshrl.u32 v13, $0x5;
	v5 =	vshrl.u32 v7, $0x5  }
0xbd: {  	v11 =	vshrl.u32 v11, $0x15;
	v7 =	vshrl.u32 v7, $0x15;
	v5 =	vand.u32 $0xFFE0, v5  }
0xbe: {  	v9 =	vand.u32 $0xFFE0, v9;
	v13 =	vshrl.u32 v13, $0x15;
	v10 =	vand.u32 $0xFFE0, v10;
	[tilespmem:v12+s15+$0x0] =	vst.idx.add.s32.msk vm4, v2  }
0xbf: {  	vm0 =	veq.s32 v7, v4;
	v7 =	vshrl.u32 v8, $0x15;
	v8 =	vand.u32 $0xFFE0, v14;
	v12 =	vld [tilespmem:s24+$0x40]  }
0xc0: {  	vm1 =	veq.s32 v11, v4;
	v11 =	vor.u32 v0, v9;
	v5 =	vor.u32 v0, v5  }
0xc1: {  	vm2 =	veq.s32 v13, v4;
	v13 =	vor.u32 v0, v10;
	vm3 =	veq.s32 v7, v4  }
0xc2: {  	v14 =	vor.u32 v0, v8;
	v7 =	vshra.s32 v6, $0x1F;
	v8 =	vshra.s32 v15, $0x1F  }
0xc3: {  	v10 =	vshra.s32 v21, $0x1F;
	v7 =	vor.u32 $0x80000000, v7;
	v9 =	vor.u32 $0x80000000, v8  }
0xc4: {  	v8 =	vxor.u32 v6, v7;
	v6 =	vor.u32 $0x80000000, v10;
	v16 =	vshra.s32 v12, $0x1F  }
.Ltmp2:
0xc5: {  	v9 =	vxor.u32 v15, v9;
	v7 =	vxor.u32 v21, v6;
	[tilespmem:v5+s15+$0x0] =	vst.idx.add.s32.msk vm0, v2;
	v5 =	vor.u32 $0x80000000, v16;
	(pc) =	sbr.rel @p1 .LBB2_7-.Ltmp2, $4  }
0xc6: {  	v15 =	vshrl.u32 v18, $0x5;
	v10 =	vshrl.u32 v8, $0x5;
	[tilespmem:v11+s15+$0x0] =	vst.idx.add.s32.msk vm1, v2;
	v5 =	vxor.u32 v12, v5  }
0xc7: {  	v11 =	vshrl.u32 v9, $0x5;
	[tilespmem:v13+s15+$0x0] =	vst.idx.add.s32.msk vm2, v2;
	v6 =	vshrl.u32 v5, $0x5;
	v5 =	vshrl.u32 v5, $0x15  }
0xc8: {  	v12 =	vshrl.u32 v7, $0x5;
	[tilespmem:v14+s15+$0x0] =	vst.idx.add.s32.msk vm3, v2;
	vm0 =	veq.s32 v5, v4;
	v5 =	vand.u32 $0xFFE0, v6  }
0xc9: {  	s24 =	sadd.s32 $0xA0, s24;
	v13 =	vand.u32 $0xFFE0, v15;
	v14 =	vshrl.u32 v18, $0x15;
	v6 =	vld [tilespmem:s22+$0xFFFFFFC0];
	v5 =	vor.u32 v3, v5  }
0xca: {  	v15 =	vld [tilespmem:s22+$0xFFFFFFE0]  }
0xcb: {  	v8 =	vshrl.u32 v8, $0x15;
	v10 =	vand.u32 $0xFFE0, v10;
	vm1 =	veq.s32 v14, v4;
	v54 =	vld [tilespmem:s22+$0x0]  }
0xcc: {  	v9 =	vshrl.u32 v9, $0x15;
	v11 =	vand.u32 $0xFFE0, v11;
	v55 =	vld [tilespmem:s22+$0x20];
	v7 =	vshrl.u32 v7, $0x15  }
0xcd: {  	v12 =	vand.u32 $0xFFE0, v12;
	v13 =	vor.u32 v3, v13;
	vm2 =	veq.s32 v8, v4  }
0xce: {  	v10 =	vor.u32 v3, v10;
	vm3 =	veq.s32 v9, v4;
	vm4 =	veq.s32 v7, v4  }
0xcf: {  	v11 =	vor.u32 v3, v11;
	v12 =	vor.u32 v3, v12;
	v56 =	vshra.s32 v6, $0x1F  }
0xd0: {  	v7 =	vor.u32 $0x80000000, v56;
	v57 =	vshra.s32 v15, $0x1F;
	v58 =	vshra.s32 v54, $0x1F  }
0xd1: {  	v59 =	vshra.s32 v55, $0x1F;
	v6 =	vxor.u32 v6, v7;
	v7 =	vor.u32 $0x80000000, v57  }
0xd2: {  	v9 =	vor.u32 $0x80000000, v58;
	v7 =	vxor.u32 v15, v7;
	v15 =	vor.u32 $0x80000000, v59  }
0xd3: {  	v9 =	vxor.u32 v54, v9;
	v60 =	vshrl.u32 v6, $0x5;
	v6 =	vshrl.u32 v6, $0x15  }
0xd4: {  	v8 =	vxor.u32 v55, v15;
	v61 =	vshrl.u32 v7, $0x5;
	v7 =	vshrl.u32 v7, $0x15  }
0xd5: {  	vm5 =	veq.s32 v6, v4;
	v6 =	vshrl.u32 v9, $0x5;
	v14 =	vand.u32 $0xFFE0, v60  }
0xd6: {  	[tilespmem:v5+s15+$0x0] =	vst.idx.add.s32.msk vm0, v2;
	v5 =	vshrl.u32 v9, $0x15;
	vm6 =	veq.s32 v7, v4;
	v7 =	vshrl.u32 v8, $0x5  }
0xd7: {  	v15 =	vand.u32 $0xFFE0, v61;
	v6 =	vand.u32 $0xFFE0, v6;
	v62 =	vor.u32 v3, v14  }
0xd8: {  	[tilespmem:v13+s15+$0x0] =	vst.idx.add.s32.msk vm1, v2;
	v8 =	vshrl.u32 v8, $0x15;
	vm14 =	veq.s32 v5, v4;
	v63 =	vor.u32 v3, v15  }
0xd9: {  	[tilespmem:v10+s15+$0x0] =	vst.idx.add.s32.msk vm2, v2;
	v5 =	vand.u32 $0xFFE0, v7;
	v6 =	vor.u32 v3, v6;
	vm15 =	veq.s32 v8, v4  }
0xda: {  	[tilespmem:v11+s15+$0x0] =	vst.idx.add.s32.msk vm3, v2;
	v5 =	vor.u32 v3, v5  }
.Ltmp3:
0xdb: {  	[tilespmem:v12+s15+$0x0] =	vst.idx.add.s32.msk vm4, v2;
	(pc) =	sbr.rel @p0 .LBB2_9-.Ltmp3, $4  }
0xdc: {  	[tilespmem:v62+s15+$0x0] =	vst.idx.add.s32.msk vm5, v2  }
0xdd: {  	[tilespmem:v63+s15+$0x0] =	vst.idx.add.s32.msk vm6, v2  }
0xde: {  	[tilespmem:v6+s15+$0x0] =	vst.idx.add.s32.msk vm14, v2  }
0xdf: {  	[tilespmem:v5+s15+$0x0] =	vst.idx.add.s32.msk vm15, v2  }
0xe0: {  	s22 =	smul.u32 $0x6400, s21  }
.Ltmp4:
0xe1: {  	_ = 	snop;
	(pc) =	sbr.rel .LBB2_4-.Ltmp4, $4  }
0xe2: {  	s22 =	sadd.s32 s22, s8  }
0xe3: {  	s22 =	sshrl.u32 s22, $0x3  }
0xe4: {  	s21 =	sadd.s32 $0x1, s21;
	s22 =	sadd.s32 s2, s22  }
0xe5: {  	[tilespmem:s13], [sflag:$0x2] =	stream.linear.gather [hbm4b:s22+s3], $0x3200, $0x38;
	[tilespmem:$0x1E480] =	vst v63  }
.LBB2_9:
0xe6: {  	s22 =	simm.s32 $0x6410  }
0xe7: {  	v4 =	vld [tilespmem:s22+$0x0]  }
0xe8: {  	s21 =	simm.s32 $0x0;
	s23 =	simm.s32 $0x40;
	v5 =	vld [tilespmem:s22+$0xFFFFFFF0]  }
.LBB2_10:
0xe9: {  	p0 =	sne.s32 s23, $0x1FFC0;
	_ =	sdelay $0x2  }
.Ltmp5:
0xea: {  	(pc) =	sbr.rel @p0 .LBB2_10-.Ltmp5, $4  }
0xeb: {  	s24 =	sshra.s32 s21, $0x2;
	s21 =	smov.u32 s23;
	v4 =	vadd.s32 v5, v4  }
0xec: {  	s22 =	sadd.s32 $0x20, s22;
	[tilespmem:s24+$0x16400] =	vst v4  }
0xed: {  	v4 =	vld [tilespmem:s22+$0x0]  }
0xee: {  	s23 =	sadd.s32 $0x40, s23;
	v5 =	vld [tilespmem:s22+$0xFFFFFFF0]  }
0xef: {  	_ =	sdelay $0x2  }
0xf0: {  	s20 =	sadd.s32 $0x1, s20  }
0xf1: {  	s21 =	sshra.s32 s21, $0x2;
	p0 =	sne.s32 s20, s10;
	v4 =	vadd.s32 v5, v4  }
.Ltmp6:
0xf2: {  	[tilespmem:s21+$0x16400] =	vst v4;
	(pc) =	sbr.rel @p0 .LBB2_1-.Ltmp6, $4  }
0xf3: {  	[hbm4b:s9+s17] =	stream.strided.scatter [tilespmem:s19], [sflag:$0x3], $0x8000, s18, s17, $0x38;
	[tilespmem:$0x1E480] =	vst v63  }
0xf4: {  	_ =	swait.ge [sflag:s12], $0x8000  }
0xf5: {  	[sflag:s12] =	ssyncset.done $0x0  }
0xf6: {  	[sflag:s12] =	ssyncadd.s32 $0xFFFF8000  }
0xf7: {  	_ =	sfence.sel $0x180000  }
0xf8: {  	[bflag:$0x0] =	sbarrier.arrive $0xFFFF  }
0xf9: {  	p0 =	sne.s32 s1, $0x0;
	_ =	strace $0x9000004A  }
0xfa: {  	s0 =	sadd.s32 @!p0 $0x100000, s0;
	[bflag:$0x2] =	sbarrier.arrive $0xFFFF  }
0xfb: {  	[sflag:s0] =	ssyncadd.tile.s32 @!p0 $0x1;
	_ =	shalt  }
.Lfunc_end2:
_tile_overlayer_lowered:
.L_overlay_start_2:
0xfc: {  	(tag) =	ssettag $0x2  }
0xfd: {  	s0 =	rddreg [dreg:$0x0];
	s2 =	stileid.u32  }
0xfe: {  	s1 =	rddreg [dreg:$0x1];
	p0 =	sne.s32 s2, $0x0  }
0xff: {  	s3 =	rddreg [dreg:$0x2];
	[bflag:$0x3] =	sbarrier.arrive $0xFFFF;
	s2 =	simm.s32 @!p0 $0x1C03  }
0x100: {  	[timem:s3], [sflag:s2] =	dma.local @!p0 [hbm:s0], s1  }
0x101: {  	s0 =	simm.s32 @!p0 $0x3  }
0x102: {  	_ =	swait.ge @!p0 [sflag:s0], s1  }
0x103: {  	s1 =	ssub.s32 @!p0 $0x0, s1;
	[sflag:s0] =	ssyncset.done @!p0 $0x0  }
0x104: {  	[sflag:s0] =	ssyncadd.s32 @!p0 s1  }
0x105: {  	[bflag:$0x3] =	sbarrier.arrive $0xFFFF  }
0x106: {  	_ =	shalt  }

</sc_bundles>
